<compile_context>
chip_gen: v7x
topology: tpu7x:2x2x1
jax: 0.10.2.dev20260603
libtpu: 0.0.44.dev20260713+nightly
codegen_flags: <defaults>
</compile_context>

<pallas_src>
import functools

import jax
import jax.numpy as jnp
from jax import lax
from jax.experimental import pallas as pl
from jax.experimental.pallas import tpu as pltpu
from jax.experimental.pallas import tpu_sc as plsc

N = 10000
D = 256
HALF = 128
E = 160000
NR = 3
NCSC = 2
NS = 16
CH = 80
CHD = 80
PT = E // NS
NCHUNK = PT // CH
NCHD = PT // CHD
NPAD = 10240
ROWS_T = NPAD // NS
DR = 80
BN_EPS = 1e-5
L2_EPS = 1e-12

_MESH = dict(core_axis_name="c", subcore_axis_name="s", num_cores=NCSC,
             num_subcores=NS)


def _deg_body(idx6, zeros1, ones_c, deg_out, h0, h1, h2, ibuf, obuf, zbuf,
              hbuf):
    c = lax.axis_index("c")
    s = lax.axis_index("s")
    hists = (h0, h1, h2)
    pltpu.sync_copy(ones_c, obuf)

    @pl.when(s < 3)
    def _():
        pltpu.sync_copy(zeros1, zbuf)

    def _zero(j):
        @pl.when(s == j)
        def _():
            pltpu.sync_copy(zbuf, hists[j])

    for j in range(NR):
        _zero(j)
    plsc.subcore_barrier()

    for j in range(NR):
        a = c * NR + j
        pltpu.sync_copy(idx6.at[a, s], ibuf)

        def _chunk(ci, carry, _hist=hists[j]):
            pltpu.sync_copy(obuf, _hist.at[ibuf.at[ci]], add=True)
            return carry

        lax.fori_loop(0, NCHD, _chunk, 0)
    plsc.subcore_barrier()

    def _drain(j):
        @pl.when(s == j)
        def _():
            pltpu.sync_copy(hists[j], hbuf.at[0])
            pltpu.sync_copy(hbuf, deg_out.at[c * NR + j])

    for j in range(NR):
        _drain(j)


def _degrees(idx6, zeros1, ones_c):
    return pl.kernel(
        _deg_body,
        out_type=jax.ShapeDtypeStruct((2 * NR, 1, N), jnp.float32),
        mesh=plsc.VectorSubcoreMesh(**_MESH),
        scratch_types=[
            pltpu.VMEM_SHARED((N,), jnp.float32),
            pltpu.VMEM_SHARED((N,), jnp.float32),
            pltpu.VMEM_SHARED((N,), jnp.float32),
            pltpu.VMEM((NCHD, CHD), jnp.int32),
            pltpu.VMEM((CHD,), jnp.float32),
            pltpu.VMEM((N,), jnp.float32),
            pltpu.VMEM((1, N), jnp.float32),
        ],
    )(idx6, zeros1, ones_c)


def _mm_body(x_ref, n_ref, w_ref, o0_ref, o1_ref):
    xs = x_ref[...] * n_ref[0]
    w = w_ref[0]
    o0_ref[...] = jnp.dot(xs, w[:, :HALF], preferred_element_type=jnp.float32)
    o1_ref[...] = jnp.dot(xs, w[:, HALF:], preferred_element_type=jnp.float32)


def _tables(x, nsrc_col, W3, bn):
    nb = N // bn
    return pl.pallas_call(
        _mm_body,
        grid=(NR, nb),
        in_specs=[
            pl.BlockSpec((bn, D), lambda r, b: (b, 0)),
            pl.BlockSpec((1, bn, 1), lambda r, b: (r, b, 0)),
            pl.BlockSpec((1, D, D), lambda r, b: (r, 0, 0)),
        ],
        out_specs=[
            pl.BlockSpec((bn, HALF), lambda r, b, _nb=nb: (r * _nb + b, 0)),
            pl.BlockSpec((bn, HALF), lambda r, b, _nb=nb: (r * _nb + b, 0)),
        ],
        out_shape=[
            jax.ShapeDtypeStruct((NR * N, HALF), jnp.float32),
            jax.ShapeDtypeStruct((NR * N, HALF), jnp.float32),
        ],
    )(x, nsrc_col, W3)


def _scat_body(t0, t1, srcg, dsti, zrow, out, acc, sbuf, dbuf, bufs, gsem,
               ssem):
    c = lax.axis_index("c")
    s = lax.axis_index("s")

    def _gather_start(ci, slot):
        idx = sbuf.at[pl.ds(ci * CH, CH)]

        @pl.when(c == 0)
        def _():
            pltpu.async_copy(t0.at[idx], bufs.at[slot], gsem)

        @pl.when(c == 1)
        def _():
            pltpu.async_copy(t1.at[idx], bufs.at[slot], gsem)

    def _gather_wait(ci, slot):
        pltpu.make_async_copy(
            t0.at[sbuf.at[pl.ds(ci * CH, CH)]], bufs.at[slot], gsem).wait()

    def _scatter_wait(ci, slot):
        pltpu.make_async_copy(
            bufs.at[slot], acc.at[dbuf.at[ci]], ssem).wait()

    for r in range(NR):
        pltpu.sync_copy(zrow, bufs.at[0])
        for k in range(ROWS_T // DR):
            pltpu.sync_copy(bufs.at[0], acc.at[pl.ds(s * ROWS_T + k * DR, DR)])
        pltpu.sync_copy(srcg.at[pl.ds((r * NS + s) * PT, PT)], sbuf)
        pltpu.sync_copy(dsti.at[r, s], dbuf)
        _gather_start(0, 0)
        plsc.subcore_barrier()

        def _chunk(ci, carry):
            p = lax.rem(ci, 2)
            pn = lax.rem(ci + 1, 2)

            @pl.when(ci >= 1)
            def _():
                _scatter_wait(ci - 1, pn)

            @pl.when(ci + 1 < NCHUNK)
            def _():
                _gather_start(ci + 1, pn)

            _gather_wait(ci, p)
            pltpu.async_copy(bufs.at[p], acc.at[dbuf.at[ci]], ssem, add=True)
            return carry

        lax.fori_loop(0, NCHUNK, _chunk, 0)
        _scatter_wait(NCHUNK - 1, (NCHUNK - 1) % 2)
        plsc.subcore_barrier()
        pltpu.sync_copy(acc.at[pl.ds(s * ROWS_T, ROWS_T)],
                        out.at[r, c, pl.ds(s * ROWS_T, ROWS_T)])


def _scatter(t0, t1, srcg, dsti, zrow):
    return pl.kernel(
        _scat_body,
        out_type=jax.ShapeDtypeStruct((NR, NCSC, NPAD, HALF), jnp.float32),
        mesh=plsc.VectorSubcoreMesh(**_MESH),
        scratch_types=[
            pltpu.VMEM_SHARED((NPAD, HALF), jnp.float32),
            pltpu.VMEM((PT,), jnp.int32),
            pltpu.VMEM((NCHUNK, CH), jnp.int32),
            pltpu.VMEM((2, CH, HALF), jnp.float32),
            pltpu.SemaphoreType.DMA,
            pltpu.SemaphoreType.DMA,
        ],
    )(t0, t1, srcg, dsti, zrow)


def _comb_body(agg_ref, nd_ref, y_ref, st_ref):
    b = pl.program_id(0)
    n0 = nd_ref[0]
    n1 = nd_ref[1]
    n2 = nd_ref[2]
    y0 = agg_ref[0, 0] * n0 + agg_ref[1, 0] * n1 + agg_ref[2, 0] * n2
    y1 = agg_ref[0, 1] * n0 + agg_ref[1, 1] * n1 + agg_ref[2, 1] * n2
    yb = jnp.concatenate([y0, y1], axis=1)
    y_ref[...] = yb
    s1 = jnp.sum(yb, axis=0, keepdims=True)
    s2 = jnp.sum(yb * yb, axis=0, keepdims=True)
    upd = jnp.concatenate(
        [s1, s2, jnp.zeros((6, D), jnp.float32)], axis=0)

    @pl.when(b == 0)
    def _():
        st_ref[...] = jnp.zeros_like(st_ref)

    st_ref[...] += upd


def _combine(agg, nd_col, bn):
    nb = N // bn
    return pl.pallas_call(
        _comb_body,
        grid=(nb,),
        in_specs=[
            pl.BlockSpec((NR, NCSC, bn, HALF), lambda b: (0, 0, b, 0)),
            pl.BlockSpec((NR, bn, 1), lambda b: (0, b, 0)),
        ],
        out_specs=[
            pl.BlockSpec((bn, D), lambda b: (b, 0)),
            pl.BlockSpec((8, D), lambda b: (0, 0)),
        ],
        out_shape=[
            jax.ShapeDtypeStruct((N, D), jnp.float32),
            jax.ShapeDtypeStruct((8, D), jnp.float32),
        ],
    )(agg, nd_col)


def _norm_body(y_ref, sc_ref, sh_ref, o_ref):
    z = y_ref[...] * sc_ref[...] + sh_ref[...]
    nrm = jnp.sqrt(jnp.sum(z * z, axis=1, keepdims=True))
    o_ref[...] = z / jnp.maximum(nrm, L2_EPS)


def _bn_l2(y, scale, shift, bn):
    nb = N // bn
    return pl.pallas_call(
        _norm_body,
        grid=(nb,),
        in_specs=[
            pl.BlockSpec((bn, D), lambda b: (b, 0)),
            pl.BlockSpec((1, D), lambda b: (0, 0)),
            pl.BlockSpec((1, D), lambda b: (0, 0)),
        ],
        out_specs=pl.BlockSpec((bn, D), lambda b: (b, 0)),
        out_shape=jax.ShapeDtypeStruct((N, D), jnp.float32),
    )(y, scale, shift)


def kernel(x, edge_index_cites, edge_index_refs, edge_index_likes,
           W_cites, W_refs, W_likes, gamma, beta):
    srcs = jnp.stack(
        [edge_index_cites[0], edge_index_refs[0], edge_index_likes[0]])
    dsts = jnp.stack(
        [edge_index_cites[1], edge_index_refs[1], edge_index_likes[1]])

    idx6 = jnp.concatenate([srcs, dsts]).reshape(2 * NR, NS, NCHD, CHD)
    zeros1 = jnp.zeros((N,), jnp.float32)
    ones_c = jnp.ones((CHD,), jnp.float32)
    deg = _degrees(idx6, zeros1, ones_c)[:, 0, :]
    nsrc = lax.rsqrt(jnp.maximum(deg[:NR], 1.0))
    ndst = lax.rsqrt(jnp.maximum(deg[NR:], 1.0))

    W3 = jnp.stack([W_cites, W_refs, W_likes])
    t0, t1 = _tables(x, nsrc[:, :, None], W3, 1000)

    roff = (jnp.arange(NR, dtype=jnp.int32) * N)[:, None]
    srcg = (srcs + roff).reshape(-1)
    dsti = dsts.reshape(NR, NS, NCHUNK, CH)
    zrow = jnp.zeros((DR, HALF), jnp.float32)
    agg = _scatter(t0, t1, srcg, dsti, zrow)

    y, st = _combine(agg, ndst[:, :, None], 1000)
    mean = st[0] / N
    var = st[1] / N - mean * mean
    scale = gamma * lax.rsqrt(var + BN_EPS)
    shift = beta - mean * scale

    return _bn_l2(y, scale[None], shift[None], 1000)

# --- scband reference (transcript-rebuilt; emitter-appended) ---
"""Pipeline reference for scband-hetero-general-layer-27358941675836 (READ-ONLY COPY).

The authoritative reference and input builder live on the scoring server;
editing this copy changes nothing except your own understanding.
"""

import jax, jax.numpy as jnp
import numpy as np

N = 10000
D_IN = 256
D_OUT = 256
E = 160000
RELS = ("cites", "refs", "likes")
BN_EPS = 1e-5
L2_EPS = 1e-12


def setup_inputs(seed: int = 0) -> dict:
    key = jax.random.key(seed)
    ks = jax.random.split(key, 10)
    inp = {}
    inp["x"] = jax.random.normal(ks[0], (N, D_IN), dtype=jnp.float32)
    for i, r in enumerate(RELS):
        inp[f"edge_index_{r}"] = jax.random.randint(ks[1 + i], (2, E), 0, N, dtype=jnp.int32)
    scale = 1.0 / np.sqrt(D_IN)
    for i, r in enumerate(RELS):
        inp[f"W_{r}"] = jax.random.normal(ks[4 + i], (D_IN, D_OUT), dtype=jnp.float32) * scale
    inp["gamma"] = jnp.ones((D_OUT,), dtype=jnp.float32)
    inp["beta"] = jnp.zeros((D_OUT,), dtype=jnp.float32)
    return inp


def _graph_conv(x, edge_index, W):
    # DGL GraphConv with norm='both', bias=False (has_bn=True -> bias=not has_bn=False)
    src = edge_index[0]
    dst = edge_index[1]
    ones = jnp.ones((edge_index.shape[1],), dtype=x.dtype)
    out_deg = jax.ops.segment_sum(ones, src, num_segments=N)
    in_deg = jax.ops.segment_sum(ones, dst, num_segments=N)
    norm_src = jax.lax.rsqrt(jnp.clip(out_deg, 1.0, None))
    norm_dst = jax.lax.rsqrt(jnp.clip(in_deg, 1.0, None))
    h = x * norm_src[:, None]
    h = h @ W
    msgs = jnp.take(h, src, axis=0)
    agg = jax.ops.segment_sum(msgs, dst, num_segments=N)
    return agg * norm_dst[:, None]


def reference(x, edge_index_cites, edge_index_refs, edge_index_likes,
              W_cites, W_refs, W_likes, gamma, beta):
    # HeteroGraphConv: sum aggregation across relations for the shared dst node type
    h = _graph_conv(x, edge_index_cites, W_cites)
    h = h + _graph_conv(x, edge_index_refs, W_refs)
    h = h + _graph_conv(x, edge_index_likes, W_likes)
    # post_layer: BatchNorm1d (training mode, batch statistics), dropout=0, act=None
    mean = jnp.mean(h, axis=0)
    var = jnp.var(h, axis=0)
    h = (h - mean) * jax.lax.rsqrt(var + BN_EPS) * gamma + beta
    # has_l2norm: F.normalize(p=2, dim=-1)
    nrm = jnp.linalg.norm(h, axis=-1, keepdims=True)
    h = h / jnp.maximum(nrm, L2_EPS)
    return h

if __name__ == "__main__":
    import jax
    _d = setup_inputs()
    print(jax.jit(kernel)(*tuple(_d.values())))

</pallas_src>

<mosaic_0001>
#map = affine_map<(d0, d1) -> (0, 0)>
#map1 = affine_map<(d0, d1) -> (0)>
#map2 = affine_map<(d0, d1) -> (0, 0, 0, 0)>
module attributes {stable_mosaic.version = 14 : i64} {
  func.func @_scat_body(%arg0: i32, %arg1: i32, %arg2: memref<30000x128xf32, #tpu.memory_space<hbm>>, %arg3: memref<30000x128xf32, #tpu.memory_space<hbm>>, %arg4: memref<480000xi32, #tpu.memory_space<hbm>>, %arg5: memref<3x16x125x80xi32, #tpu.memory_space<hbm>>, %arg6: memref<80x128xf32, #tpu.memory_space<hbm>>, %arg7: memref<3x2x10240x128xf32, #tpu.memory_space<hbm>>, %arg8: memref<10240x128xf32, #tpu.memory_space<vmem_shared>>, %arg9: memref<10000xi32, #tpu.memory_space<vmem>>, %arg10: memref<125x80xi32, #tpu.memory_space<vmem>>, %arg11: memref<2x80x128xf32, #tpu.memory_space<vmem>>, %arg12: memref<!tpu.dma_semaphore, #tpu.memory_space<semaphore_mem>>, %arg13: memref<!tpu.dma_semaphore, #tpu.memory_space<semaphore_mem>>) attributes {dimension_semantics = [#tpu.dimension_semantics<core_parallel>, #tpu.dimension_semantics<subcore_parallel>], iteration_bounds = array<i64: 2, 16>, scalar_prefetch = 0 : i64, scratch_operands = 6 : i64, tpu.core_type = #tpu.core_type<sc_vector_subcore>, window_params = [{transform_indices = #map}, {transform_indices = #map}, {transform_indices = #map1}, {transform_indices = #map2}, {transform_indices = #map}, {transform_indices = #map2}]} {
    %run_scoped3A = arith.constant 0 : i32
    "tpu.region"() ({
      %run_scoped3A_234 = tpu.sem_alloc : memref<!tpu.dma_semaphore, #tpu.memory_space<semaphore_mem>>
      %dma_start3A = arith.constant 0 : i32
      %dma_start3A_235 = arith.constant 0 : i32
      %dma_start3A_236 = tpu.memref_slice %arg11[%run_scoped3A, %dma_start3A, %dma_start3A_235] : memref<2x80x128xf32, #tpu.memory_space<vmem>> -> memref<1x80x128xf32, #tpu.memory_space<vmem>>
      %dma_start3A_237 = tpu.memref_squeeze %dma_start3A_236 : memref<1x80x128xf32, #tpu.memory_space<vmem>> -> memref<80x128xf32, #tpu.memory_space<vmem>>
      %dma_start3A_238 = arith.constant 0 : i32
      %dma_start3A_239 = arith.constant 0 : i32
      %dma_start3A_240 = tpu.memref_slice %arg11[%run_scoped3A, %dma_start3A_238, %dma_start3A_239] : memref<2x80x128xf32, #tpu.memory_space<vmem>> -> memref<1x80x128xf32, #tpu.memory_space<vmem>>
      %dma_start3A_241 = tpu.memref_squeeze %dma_start3A_240 : memref<1x80x128xf32, #tpu.memory_space<vmem>> -> memref<80x128xf32, #tpu.memory_space<vmem>>
      tpu.enqueue_dma source(%arg6 : memref<80x128xf32, #tpu.memory_space<hbm>>) target(%dma_start3A_241 : memref<80x128xf32, #tpu.memory_space<vmem>>) target_semaphore(%run_scoped3A_234 : memref<!tpu.dma_semaphore, #tpu.memory_space<semaphore_mem>>)
      %dma_wait3A_242 = arith.constant 0 : i32
      %dma_wait3A_243 = arith.constant 0 : i32
      %dma_wait3A_244 = tpu.memref_slice %arg11[%run_scoped3A, %dma_wait3A_242, %dma_wait3A_243] : memref<2x80x128xf32, #tpu.memory_space<vmem>> -> memref<1x80x128xf32, #tpu.memory_space<vmem>>
      %dma_wait3A_245 = tpu.memref_squeeze %dma_wait3A_244 : memref<1x80x128xf32, #tpu.memory_space<vmem>> -> memref<80x128xf32, #tpu.memory_space<vmem>>
      %dma_wait3A_246 = arith.constant 0 : i32
      %dma_wait3A_247 = arith.constant 0 : i32
      %dma_wait3A_248 = tpu.memref_slice %arg11[%run_scoped3A, %dma_wait3A_246, %dma_wait3A_247] : memref<2x80x128xf32, #tpu.memory_space<vmem>> -> memref<1x80x128xf32, #tpu.memory_space<vmem>>
      %dma_wait3A_249 = tpu.memref_squeeze %dma_wait3A_248 : memref<1x80x128xf32, #tpu.memory_space<vmem>> -> memref<80x128xf32, #tpu.memory_space<vmem>>
      tpu.wait_dma2 semaphore(%run_scoped3A_234 : memref<!tpu.dma_semaphore, #tpu.memory_space<semaphore_mem>>) src(%arg6 : memref<80x128xf32, #tpu.memory_space<hbm>>) dst(%dma_wait3A_249 : memref<80x128xf32, #tpu.memory_space<vmem>>)
      tpu.yield
    }) : () -> ()
    %mul3A = arith.constant 640 : i32
    %mul3A_0 = arith.muli %arg1, %mul3A : i32
    %add3A = arith.constant 0 : i32
    %add3A_1 = arith.addi %mul3A_0, %add3A : i32
    %run_scoped3A_2 = arith.constant 0 : i32
    "tpu.region"() ({
      %run_scoped3A_234 = tpu.sem_alloc : memref<!tpu.dma_semaphore, #tpu.memory_space<semaphore_mem>>
      %dma_start3A = arith.constant 0 : i32
      %dma_start3A_235 = arith.constant 0 : i32
      %dma_start3A_236 = tpu.memref_slice %arg11[%run_scoped3A_2, %dma_start3A, %dma_start3A_235] : memref<2x80x128xf32, #tpu.memory_space<vmem>> -> memref<1x80x128xf32, #tpu.memory_space<vmem>>
      %dma_start3A_237 = tpu.memref_squeeze %dma_start3A_236 : memref<1x80x128xf32, #tpu.memory_space<vmem>> -> memref<80x128xf32, #tpu.memory_space<vmem>>
      %dma_start3A_238 = arith.constant 0 : i32
      %dma_start3A_239 = tpu.memref_slice %arg8[%add3A_1, %dma_start3A_238] : memref<10240x128xf32, #tpu.memory_space<vmem_shared>> -> memref<80x128xf32, #tpu.memory_space<vmem_shared>>
      %dma_start3A_240 = arith.constant 0 : i32
      %dma_start3A_241 = tpu.memref_slice %arg8[%add3A_1, %dma_start3A_240] : memref<10240x128xf32, #tpu.memory_space<vmem_shared>> -> memref<80x128xf32, #tpu.memory_space<vmem_shared>>
      %dma_start3A_242 = arith.constant 0 : i32
      %dma_start3A_243 = arith.constant 0 : i32
      %dma_start3A_244 = tpu.memref_slice %arg11[%run_scoped3A_2, %dma_start3A_242, %dma_start3A_243] : memref<2x80x128xf32, #tpu.memory_space<vmem>> -> memref<1x80x128xf32, #tpu.memory_space<vmem>>
      %dma_start3A_245 = tpu.memref_squeeze %dma_start3A_244 : memref<1x80x128xf32, #tpu.memory_space<vmem>> -> memref<80x128xf32, #tpu.memory_space<vmem>>
      tpu.enqueue_dma source(%dma_start3A_245 : memref<80x128xf32, #tpu.memory_space<vmem>>) target(%dma_start3A_241 : memref<80x128xf32, #tpu.memory_space<vmem_shared>>) target_semaphore(%run_scoped3A_234 : memref<!tpu.dma_semaphore, #tpu.memory_space<semaphore_mem>>)
      %dma_wait3A_246 = arith.constant 0 : i32
      %dma_wait3A_247 = arith.constant 0 : i32
      %dma_wait3A_248 = tpu.memref_slice %arg11[%run_scoped3A_2, %dma_wait3A_246, %dma_wait3A_247] : memref<2x80x128xf32, #tpu.memory_space<vmem>> -> memref<1x80x128xf32, #tpu.memory_space<vmem>>
      %dma_wait3A_249 = tpu.memref_squeeze %dma_wait3A_248 : memref<1x80x128xf32, #tpu.memory_space<vmem>> -> memref<80x128xf32, #tpu.memory_space<vmem>>
      %dma_wait3A_250 = arith.constant 0 : i32
      %dma_wait3A_251 = tpu.memref_slice %arg8[%add3A_1, %dma_wait3A_250] : memref<10240x128xf32, #tpu.memory_space<vmem_shared>> -> memref<80x128xf32, #tpu.memory_space<vmem_shared>>
      %dma_wait3A_252 = arith.constant 0 : i32
      %dma_wait3A_253 = tpu.memref_slice %arg8[%add3A_1, %dma_wait3A_252] : memref<10240x128xf32, #tpu.memory_space<vmem_shared>> -> memref<80x128xf32, #tpu.memory_space<vmem_shared>>
      %dma_wait3A_254 = arith.constant 0 : i32
      %dma_wait3A_255 = arith.constant 0 : i32
      %dma_wait3A_256 = tpu.memref_slice %arg11[%run_scoped3A_2, %dma_wait3A_254, %dma_wait3A_255] : memref<2x80x128xf32, #tpu.memory_space<vmem>> -> memref<1x80x128xf32, #tpu.memory_space<vmem>>
      %dma_wait3A_257 = tpu.memref_squeeze %dma_wait3A_256 : memref<1x80x128xf32, #tpu.memory_space<vmem>> -> memref<80x128xf32, #tpu.memory_space<vmem>>
      tpu.wait_dma2 semaphore(%run_scoped3A_234 : memref<!tpu.dma_semaphore, #tpu.memory_space<semaphore_mem>>) src(%dma_wait3A_257 : memref<80x128xf32, #tpu.memory_space<vmem>>) dst(%dma_wait3A_253 : memref<80x128xf32, #tpu.memory_space<vmem_shared>>)
      tpu.yield
    }) : () -> ()
    %mul3A_3 = arith.constant 640 : i32
    %mul3A_4 = arith.muli %arg1, %mul3A_3 : i32
    %add3A_5 = arith.constant 80 : i32
    %add3A_6 = arith.addi %mul3A_4, %add3A_5 : i32
    %run_scoped3A_7 = arith.constant 0 : i32
    "tpu.region"() ({
      %run_scoped3A_234 = tpu.sem_alloc : memref<!tpu.dma_semaphore, #tpu.memory_space<semaphore_mem>>
      %dma_start3A = arith.constant 0 : i32
      %dma_start3A_235 = arith.constant 0 : i32
      %dma_start3A_236 = tpu.memref_slice %arg11[%run_scoped3A_7, %dma_start3A, %dma_start3A_235] : memref<2x80x128xf32, #tpu.memory_space<vmem>> -> memref<1x80x128xf32, #tpu.memory_space<vmem>>
      %dma_start3A_237 = tpu.memref_squeeze %dma_start3A_236 : memref<1x80x128xf32, #tpu.memory_space<vmem>> -> memref<80x128xf32, #tpu.memory_space<vmem>>
      %dma_start3A_238 = arith.constant 0 : i32
      %dma_start3A_239 = tpu.memref_slice %arg8[%add3A_6, %dma_start3A_238] : memref<10240x128xf32, #tpu.memory_space<vmem_shared>> -> memref<80x128xf32, #tpu.memory_space<vmem_shared>>
      %dma_start3A_240 = arith.constant 0 : i32
      %dma_start3A_241 = tpu.memref_slice %arg8[%add3A_6, %dma_start3A_240] : memref<10240x128xf32, #tpu.memory_space<vmem_shared>> -> memref<80x128xf32, #tpu.memory_space<vmem_shared>>
      %dma_start3A_242 = arith.constant 0 : i32
      %dma_start3A_243 = arith.constant 0 : i32
      %dma_start3A_244 = tpu.memref_slice %arg11[%run_scoped3A_7, %dma_start3A_242, %dma_start3A_243] : memref<2x80x128xf32, #tpu.memory_space<vmem>> -> memref<1x80x128xf32, #tpu.memory_space<vmem>>
      %dma_start3A_245 = tpu.memref_squeeze %dma_start3A_244 : memref<1x80x128xf32, #tpu.memory_space<vmem>> -> memref<80x128xf32, #tpu.memory_space<vmem>>
      tpu.enqueue_dma source(%dma_start3A_245 : memref<80x128xf32, #tpu.memory_space<vmem>>) target(%dma_start3A_241 : memref<80x128xf32, #tpu.memory_space<vmem_shared>>) target_semaphore(%run_scoped3A_234 : memref<!tpu.dma_semaphore, #tpu.memory_space<semaphore_mem>>)
      %dma_wait3A_246 = arith.constant 0 : i32
      %dma_wait3A_247 = arith.constant 0 : i32
      %dma_wait3A_248 = tpu.memref_slice %arg11[%run_scoped3A_7, %dma_wait3A_246, %dma_wait3A_247] : memref<2x80x128xf32, #tpu.memory_space<vmem>> -> memref<1x80x128xf32, #tpu.memory_space<vmem>>
      %dma_wait3A_249 = tpu.memref_squeeze %dma_wait3A_248 : memref<1x80x128xf32, #tpu.memory_space<vmem>> -> memref<80x128xf32, #tpu.memory_space<vmem>>
      %dma_wait3A_250 = arith.constant 0 : i32
      %dma_wait3A_251 = tpu.memref_slice %arg8[%add3A_6, %dma_wait3A_250] : memref<10240x128xf32, #tpu.memory_space<vmem_shared>> -> memref<80x128xf32, #tpu.memory_space<vmem_shared>>
      %dma_wait3A_252 = arith.constant 0 : i32
      %dma_wait3A_253 = tpu.memref_slice %arg8[%add3A_6, %dma_wait3A_252] : memref<10240x128xf32, #tpu.memory_space<vmem_shared>> -> memref<80x128xf32, #tpu.memory_space<vmem_shared>>
      %dma_wait3A_254 = arith.constant 0 : i32
      %dma_wait3A_255 = arith.constant 0 : i32
      %dma_wait3A_256 = tpu.memref_slice %arg11[%run_scoped3A_7, %dma_wait3A_254, %dma_wait3A_255] : memref<2x80x128xf32, #tpu.memory_space<vmem>> -> memref<1x80x128xf32, #tpu.memory_space<vmem>>
      %dma_wait3A_257 = tpu.memref_squeeze %dma_wait3A_256 : memref<1x80x128xf32, #tpu.memory_space<vmem>> -> memref<80x128xf32, #tpu.memory_space<vmem>>
      tpu.wait_dma2 semaphore(%run_scoped3A_234 : memref<!tpu.dma_semaphore, #tpu.memory_space<semaphore_mem>>) src(%dma_wait3A_257 : memref<80x128xf32, #tpu.memory_space<vmem>>) dst(%dma_wait3A_253 : memref<80x128xf32, #tpu.memory_space<vmem_shared>>)
      tpu.yield
    }) : () -> ()
    %mul3A_8 = arith.constant 640 : i32
    %mul3A_9 = arith.muli %arg1, %mul3A_8 : i32
    %add3A_10 = arith.constant 160 : i32
    %add3A_11 = arith.addi %mul3A_9, %add3A_10 : i32
    %run_scoped3A_12 = arith.constant 0 : i32
    "tpu.region"() ({
      %run_scoped3A_234 = tpu.sem_alloc : memref<!tpu.dma_semaphore, #tpu.memory_space<semaphore_mem>>
      %dma_start3A = arith.constant 0 : i32
      %dma_start3A_235 = arith.constant 0 : i32
      %dma_start3A_236 = tpu.memref_slice %arg11[%run_scoped3A_12, %dma_start3A, %dma_start3A_235] : memref<2x80x128xf32, #tpu.memory_space<vmem>> -> memref<1x80x128xf32, #tpu.memory_space<vmem>>
      %dma_start3A_237 = tpu.memref_squeeze %dma_start3A_236 : memref<1x80x128xf32, #tpu.memory_space<vmem>> -> memref<80x128xf32, #tpu.memory_space<vmem>>
      %dma_start3A_238 = arith.constant 0 : i32
      %dma_start3A_239 = tpu.memref_slice %arg8[%add3A_11, %dma_start3A_238] : memref<10240x128xf32, #tpu.memory_space<vmem_shared>> -> memref<80x128xf32, #tpu.memory_space<vmem_shared>>
      %dma_start3A_240 = arith.constant 0 : i32
      %dma_start3A_241 = tpu.memref_slice %arg8[%add3A_11, %dma_start3A_240] : memref<10240x128xf32, #tpu.memory_space<vmem_shared>> -> memref<80x128xf32, #tpu.memory_space<vmem_shared>>
      %dma_start3A_242 = arith.constant 0 : i32
      %dma_start3A_243 = arith.constant 0 : i32
      %dma_start3A_244 = tpu.memref_slice %arg11[%run_scoped3A_12, %dma_start3A_242, %dma_start3A_243] : memref<2x80x128xf32, #tpu.memory_space<vmem>> -> memref<1x80x128xf32, #tpu.memory_space<vmem>>
      %dma_start3A_245 = tpu.memref_squeeze %dma_start3A_244 : memref<1x80x128xf32, #tpu.memory_space<vmem>> -> memref<80x128xf32, #tpu.memory_space<vmem>>
      tpu.enqueue_dma source(%dma_start3A_245 : memref<80x128xf32, #tpu.memory_space<vmem>>) target(%dma_start3A_241 : memref<80x128xf32, #tpu.memory_space<vmem_shared>>) target_semaphore(%run_scoped3A_234 : memref<!tpu.dma_semaphore, #tpu.memory_space<semaphore_mem>>)
      %dma_wait3A_246 = arith.constant 0 : i32
      %dma_wait3A_247 = arith.constant 0 : i32
      %dma_wait3A_248 = tpu.memref_slice %arg11[%run_scoped3A_12, %dma_wait3A_246, %dma_wait3A_247] : memref<2x80x128xf32, #tpu.memory_space<vmem>> -> memref<1x80x128xf32, #tpu.memory_space<vmem>>
      %dma_wait3A_249 = tpu.memref_squeeze %dma_wait3A_248 : memref<1x80x128xf32, #tpu.memory_space<vmem>> -> memref<80x128xf32, #tpu.memory_space<vmem>>
      %dma_wait3A_250 = arith.constant 0 : i32
      %dma_wait3A_251 = tpu.memref_slice %arg8[%add3A_11, %dma_wait3A_250] : memref<10240x128xf32, #tpu.memory_space<vmem_shared>> -> memref<80x128xf32, #tpu.memory_space<vmem_shared>>
      %dma_wait3A_252 = arith.constant 0 : i32
      %dma_wait3A_253 = tpu.memref_slice %arg8[%add3A_11, %dma_wait3A_252] : memref<10240x128xf32, #tpu.memory_space<vmem_shared>> -> memref<80x128xf32, #tpu.memory_space<vmem_shared>>
      %dma_wait3A_254 = arith.constant 0 : i32
      %dma_wait3A_255 = arith.constant 0 : i32
      %dma_wait3A_256 = tpu.memref_slice %arg11[%run_scoped3A_12, %dma_wait3A_254, %dma_wait3A_255] : memref<2x80x128xf32, #tpu.memory_space<vmem>> -> memref<1x80x128xf32, #tpu.memory_space<vmem>>
      %dma_wait3A_257 = tpu.memref_squeeze %dma_wait3A_256 : memref<1x80x128xf32, #tpu.memory_space<vmem>> -> memref<80x128xf32, #tpu.memory_space<vmem>>
      tpu.wait_dma2 semaphore(%run_scoped3A_234 : memref<!tpu.dma_semaphore, #tpu.memory_space<semaphore_mem>>) src(%dma_wait3A_257 : memref<80x128xf32, #tpu.memory_space<vmem>>) dst(%dma_wait3A_253 : memref<80x128xf32, #tpu.memory_space<vmem_shared>>)
      tpu.yield
    }) : () -> ()
    %mul3A_13 = arith.constant 640 : i32
    %mul3A_14 = arith.muli %arg1, %mul3A_13 : i32
    %add3A_15 = arith.constant 240 : i32
    %add3A_16 = arith.addi %mul3A_14, %add3A_15 : i32
    %run_scoped3A_17 = arith.constant 0 : i32
    "tpu.region"() ({
      %run_scoped3A_234 = tpu.sem_alloc : memref<!tpu.dma_semaphore, #tpu.memory_space<semaphore_mem>>
      %dma_start3A = arith.constant 0 : i32
      %dma_start3A_235 = arith.constant 0 : i32
      %dma_start3A_236 = tpu.memref_slice %arg11[%run_scoped3A_17, %dma_start3A, %dma_start3A_235] : memref<2x80x128xf32, #tpu.memory_space<vmem>> -> memref<1x80x128xf32, #tpu.memory_space<vmem>>
      %dma_start3A_237 = tpu.memref_squeeze %dma_start3A_236 : memref<1x80x128xf32, #tpu.memory_space<vmem>> -> memref<80x128xf32, #tpu.memory_space<vmem>>
      %dma_start3A_238 = arith.constant 0 : i32
      %dma_start3A_239 = tpu.memref_slice %arg8[%add3A_16, %dma_start3A_238] : memref<10240x128xf32, #tpu.memory_space<vmem_shared>> -> memref<80x128xf32, #tpu.memory_space<vmem_shared>>
      %dma_start3A_240 = arith.constant 0 : i32
      %dma_start3A_241 = tpu.memref_slice %arg8[%add3A_16, %dma_start3A_240] : memref<10240x128xf32, #tpu.memory_space<vmem_shared>> -> memref<80x128xf32, #tpu.memory_space<vmem_shared>>
      %dma_start3A_242 = arith.constant 0 : i32
      %dma_start3A_243 = arith.constant 0 : i32
      %dma_start3A_244 = tpu.memref_slice %arg11[%run_scoped3A_17, %dma_start3A_242, %dma_start3A_243] : memref<2x80x128xf32, #tpu.memory_space<vmem>> -> memref<1x80x128xf32, #tpu.memory_space<vmem>>
      %dma_start3A_245 = tpu.memref_squeeze %dma_start3A_244 : memref<1x80x128xf32, #tpu.memory_space<vmem>> -> memref<80x128xf32, #tpu.memory_space<vmem>>
      tpu.enqueue_dma source(%dma_start3A_245 : memref<80x128xf32, #tpu.memory_space<vmem>>) target(%dma_start3A_241 : memref<80x128xf32, #tpu.memory_space<vmem_shared>>) target_semaphore(%run_scoped3A_234 : memref<!tpu.dma_semaphore, #tpu.memory_space<semaphore_mem>>)
      %dma_wait3A_246 = arith.constant 0 : i32
      %dma_wait3A_247 = arith.constant 0 : i32
      %dma_wait3A_248 = tpu.memref_slice %arg11[%run_scoped3A_17, %dma_wait3A_246, %dma_wait3A_247] : memref<2x80x128xf32, #tpu.memory_space<vmem>> -> memref<1x80x128xf32, #tpu.memory_space<vmem>>
      %dma_wait3A_249 = tpu.memref_squeeze %dma_wait3A_248 : memref<1x80x128xf32, #tpu.memory_space<vmem>> -> memref<80x128xf32, #tpu.memory_space<vmem>>
      %dma_wait3A_250 = arith.constant 0 : i32
      %dma_wait3A_251 = tpu.memref_slice %arg8[%add3A_16, %dma_wait3A_250] : memref<10240x128xf32, #tpu.memory_space<vmem_shared>> -> memref<80x128xf32, #tpu.memory_space<vmem_shared>>
      %dma_wait3A_252 = arith.constant 0 : i32
      %dma_wait3A_253 = tpu.memref_slice %arg8[%add3A_16, %dma_wait3A_252] : memref<10240x128xf32, #tpu.memory_space<vmem_shared>> -> memref<80x128xf32, #tpu.memory_space<vmem_shared>>
      %dma_wait3A_254 = arith.constant 0 : i32
      %dma_wait3A_255 = arith.constant 0 : i32
      %dma_wait3A_256 = tpu.memref_slice %arg11[%run_scoped3A_17, %dma_wait3A_254, %dma_wait3A_255] : memref<2x80x128xf32, #tpu.memory_space<vmem>> -> memref<1x80x128xf32, #tpu.memory_space<vmem>>
      %dma_wait3A_257 = tpu.memref_squeeze %dma_wait3A_256 : memref<1x80x128xf32, #tpu.memory_space<vmem>> -> memref<80x128xf32, #tpu.memory_space<vmem>>
      tpu.wait_dma2 semaphore(%run_scoped3A_234 : memref<!tpu.dma_semaphore, #tpu.memory_space<semaphore_mem>>) src(%dma_wait3A_257 : memref<80x128xf32, #tpu.memory_space<vmem>>) dst(%dma_wait3A_253 : memref<80x128xf32, #tpu.memory_space<vmem_shared>>)
      tpu.yield
    }) : () -> ()
    %mul3A_18 = arith.constant 640 : i32
    %mul3A_19 = arith.muli %arg1, %mul3A_18 : i32
    %add3A_20 = arith.constant 320 : i32
    %add3A_21 = arith.addi %mul3A_19, %add3A_20 : i32
    %run_scoped3A_22 = arith.constant 0 : i32
    "tpu.region"() ({
      %run_scoped3A_234 = tpu.sem_alloc : memref<!tpu.dma_semaphore, #tpu.memory_space<semaphore_mem>>
      %dma_start3A = arith.constant 0 : i32
      %dma_start3A_235 = arith.constant 0 : i32
      %dma_start3A_236 = tpu.memref_slice %arg11[%run_scoped3A_22, %dma_start3A, %dma_start3A_235] : memref<2x80x128xf32, #tpu.memory_space<vmem>> -> memref<1x80x128xf32, #tpu.memory_space<vmem>>
      %dma_start3A_237 = tpu.memref_squeeze %dma_start3A_236 : memref<1x80x128xf32, #tpu.memory_space<vmem>> -> memref<80x128xf32, #tpu.memory_space<vmem>>
      %dma_start3A_238 = arith.constant 0 : i32
      %dma_start3A_239 = tpu.memref_slice %arg8[%add3A_21, %dma_start3A_238] : memref<10240x128xf32, #tpu.memory_space<vmem_shared>> -> memref<80x128xf32, #tpu.memory_space<vmem_shared>>
      %dma_start3A_240 = arith.constant 0 : i32
      %dma_start3A_241 = tpu.memref_slice %arg8[%add3A_21, %dma_start3A_240] : memref<10240x128xf32, #tpu.memory_space<vmem_shared>> -> memref<80x128xf32, #tpu.memory_space<vmem_shared>>
      %dma_start3A_242 = arith.constant 0 : i32
      %dma_start3A_243 = arith.constant 0 : i32
      %dma_start3A_244 = tpu.memref_slice %arg11[%run_scoped3A_22, %dma_start3A_242, %dma_start3A_243] : memref<2x80x128xf32, #tpu.memory_space<vmem>> -> memref<1x80x128xf32, #tpu.memory_space<vmem>>
      %dma_start3A_245 = tpu.memref_squeeze %dma_start3A_244 : memref<1x80x128xf32, #tpu.memory_space<vmem>> -> memref<80x128xf32, #tpu.memory_space<vmem>>
      tpu.enqueue_dma source(%dma_start3A_245 : memref<80x128xf32, #tpu.memory_space<vmem>>) target(%dma_start3A_241 : memref<80x128xf32, #tpu.memory_space<vmem_shared>>) target_semaphore(%run_scoped3A_234 : memref<!tpu.dma_semaphore, #tpu.memory_space<semaphore_mem>>)
      %dma_wait3A_246 = arith.constant 0 : i32
      %dma_wait3A_247 = arith.constant 0 : i32
      %dma_wait3A_248 = tpu.memref_slice %arg11[%run_scoped3A_22, %dma_wait3A_246, %dma_wait3A_247] : memref<2x80x128xf32, #tpu.memory_space<vmem>> -> memref<1x80x128xf32, #tpu.memory_space<vmem>>
      %dma_wait3A_249 = tpu.memref_squeeze %dma_wait3A_248 : memref<1x80x128xf32, #tpu.memory_space<vmem>> -> memref<80x128xf32, #tpu.memory_space<vmem>>
      %dma_wait3A_250 = arith.constant 0 : i32
      %dma_wait3A_251 = tpu.memref_slice %arg8[%add3A_21, %dma_wait3A_250] : memref<10240x128xf32, #tpu.memory_space<vmem_shared>> -> memref<80x128xf32, #tpu.memory_space<vmem_shared>>
      %dma_wait3A_252 = arith.constant 0 : i32
      %dma_wait3A_253 = tpu.memref_slice %arg8[%add3A_21, %dma_wait3A_252] : memref<10240x128xf32, #tpu.memory_space<vmem_shared>> -> memref<80x128xf32, #tpu.memory_space<vmem_shared>>
      %dma_wait3A_254 = arith.constant 0 : i32
      %dma_wait3A_255 = arith.constant 0 : i32
      %dma_wait3A_256 = tpu.memref_slice %arg11[%run_scoped3A_22, %dma_wait3A_254, %dma_wait3A_255] : memref<2x80x128xf32, #tpu.memory_space<vmem>> -> memref<1x80x128xf32, #tpu.memory_space<vmem>>
      %dma_wait3A_257 = tpu.memref_squeeze %dma_wait3A_256 : memref<1x80x128xf32, #tpu.memory_space<vmem>> -> memref<80x128xf32, #tpu.memory_space<vmem>>
      tpu.wait_dma2 semaphore(%run_scoped3A_234 : memref<!tpu.dma_semaphore, #tpu.memory_space<semaphore_mem>>) src(%dma_wait3A_257 : memref<80x128xf32, #tpu.memory_space<vmem>>) dst(%dma_wait3A_253 : memref<80x128xf32, #tpu.memory_space<vmem_shared>>)
      tpu.yield
    }) : () -> ()
    %mul3A_23 = arith.constant 640 : i32
    %mul3A_24 = arith.muli %arg1, %mul3A_23 : i32
    %add3A_25 = arith.constant 400 : i32
    %add3A_26 = arith.addi %mul3A_24, %add3A_25 : i32
    %run_scoped3A_27 = arith.constant 0 : i32
    "tpu.region"() ({
      %run_scoped3A_234 = tpu.sem_alloc : memref<!tpu.dma_semaphore, #tpu.memory_space<semaphore_mem>>
      %dma_start3A = arith.constant 0 : i32
      %dma_start3A_235 = arith.constant 0 : i32
      %dma_start3A_236 = tpu.memref_slice %arg11[%run_scoped3A_27, %dma_start3A, %dma_start3A_235] : memref<2x80x128xf32, #tpu.memory_space<vmem>> -> memref<1x80x128xf32, #tpu.memory_space<vmem>>
      %dma_start3A_237 = tpu.memref_squeeze %dma_start3A_236 : memref<1x80x128xf32, #tpu.memory_space<vmem>> -> memref<80x128xf32, #tpu.memory_space<vmem>>
      %dma_start3A_238 = arith.constant 0 : i32
      %dma_start3A_239 = tpu.memref_slice %arg8[%add3A_26, %dma_start3A_238] : memref<10240x128xf32, #tpu.memory_space<vmem_shared>> -> memref<80x128xf32, #tpu.memory_space<vmem_shared>>
      %dma_start3A_240 = arith.constant 0 : i32
      %dma_start3A_241 = tpu.memref_slice %arg8[%add3A_26, %dma_start3A_240] : memref<10240x128xf32, #tpu.memory_space<vmem_shared>> -> memref<80x128xf32, #tpu.memory_space<vmem_shared>>
      %dma_start3A_242 = arith.constant 0 : i32
      %dma_start3A_243 = arith.constant 0 : i32
      %dma_start3A_244 = tpu.memref_slice %arg11[%run_scoped3A_27, %dma_start3A_242, %dma_start3A_243] : memref<2x80x128xf32, #tpu.memory_space<vmem>> -> memref<1x80x128xf32, #tpu.memory_space<vmem>>
      %dma_start3A_245 = tpu.memref_squeeze %dma_start3A_244 : memref<1x80x128xf32, #tpu.memory_space<vmem>> -> memref<80x128xf32, #tpu.memory_space<vmem>>
      tpu.enqueue_dma source(%dma_start3A_245 : memref<80x128xf32, #tpu.memory_space<vmem>>) target(%dma_start3A_241 : memref<80x128xf32, #tpu.memory_space<vmem_shared>>) target_semaphore(%run_scoped3A_234 : memref<!tpu.dma_semaphore, #tpu.memory_space<semaphore_mem>>)
      %dma_wait3A_246 = arith.constant 0 : i32
      %dma_wait3A_247 = arith.constant 0 : i32
      %dma_wait3A_248 = tpu.memref_slice %arg11[%run_scoped3A_27, %dma_wait3A_246, %dma_wait3A_247] : memref<2x80x128xf32, #tpu.memory_space<vmem>> -> memref<1x80x128xf32, #tpu.memory_space<vmem>>
      %dma_wait3A_249 = tpu.memref_squeeze %dma_wait3A_248 : memref<1x80x128xf32, #tpu.memory_space<vmem>> -> memref<80x128xf32, #tpu.memory_space<vmem>>
      %dma_wait3A_250 = arith.constant 0 : i32
      %dma_wait3A_251 = tpu.memref_slice %arg8[%add3A_26, %dma_wait3A_250] : memref<10240x128xf32, #tpu.memory_space<vmem_shared>> -> memref<80x128xf32, #tpu.memory_space<vmem_shared>>
      %dma_wait3A_252 = arith.constant 0 : i32
      %dma_wait3A_253 = tpu.memref_slice %arg8[%add3A_26, %dma_wait3A_252] : memref<10240x128xf32, #tpu.memory_space<vmem_shared>> -> memref<80x128xf32, #tpu.memory_space<vmem_shared>>
      %dma_wait3A_254 = arith.constant 0 : i32
      %dma_wait3A_255 = arith.constant 0 : i32
      %dma_wait3A_256 = tpu.memref_slice %arg11[%run_scoped3A_27, %dma_wait3A_254, %dma_wait3A_255] : memref<2x80x128xf32, #tpu.memory_space<vmem>> -> memref<1x80x128xf32, #tpu.memory_space<vmem>>
      %dma_wait3A_257 = tpu.memref_squeeze %dma_wait3A_256 : memref<1x80x128xf32, #tpu.memory_space<vmem>> -> memref<80x128xf32, #tpu.memory_space<vmem>>
      tpu.wait_dma2 semaphore(%run_scoped3A_234 : memref<!tpu.dma_semaphore, #tpu.memory_space<semaphore_mem>>) src(%dma_wait3A_257 : memref<80x128xf32, #tpu.memory_space<vmem>>) dst(%dma_wait3A_253 : memref<80x128xf32, #tpu.memory_space<vmem_shared>>)
      tpu.yield
    }) : () -> ()
    %mul3A_28 = arith.constant 640 : i32
    %mul3A_29 = arith.muli %arg1, %mul3A_28 : i32
    %add3A_30 = arith.constant 480 : i32
    %add3A_31 = arith.addi %mul3A_29, %add3A_30 : i32
    %run_scoped3A_32 = arith.constant 0 : i32
    "tpu.region"() ({
      %run_scoped3A_234 = tpu.sem_alloc : memref<!tpu.dma_semaphore, #tpu.memory_space<semaphore_mem>>
      %dma_start3A = arith.constant 0 : i32
      %dma_start3A_235 = arith.constant 0 : i32
      %dma_start3A_236 = tpu.memref_slice %arg11[%run_scoped3A_32, %dma_start3A, %dma_start3A_235] : memref<2x80x128xf32, #tpu.memory_space<vmem>> -> memref<1x80x128xf32, #tpu.memory_space<vmem>>
      %dma_start3A_237 = tpu.memref_squeeze %dma_start3A_236 : memref<1x80x128xf32, #tpu.memory_space<vmem>> -> memref<80x128xf32, #tpu.memory_space<vmem>>
      %dma_start3A_238 = arith.constant 0 : i32
      %dma_start3A_239 = tpu.memref_slice %arg8[%add3A_31, %dma_start3A_238] : memref<10240x128xf32, #tpu.memory_space<vmem_shared>> -> memref<80x128xf32, #tpu.memory_space<vmem_shared>>
      %dma_start3A_240 = arith.constant 0 : i32
      %dma_start3A_241 = tpu.memref_slice %arg8[%add3A_31, %dma_start3A_240] : memref<10240x128xf32, #tpu.memory_space<vmem_shared>> -> memref<80x128xf32, #tpu.memory_space<vmem_shared>>
      %dma_start3A_242 = arith.constant 0 : i32
      %dma_start3A_243 = arith.constant 0 : i32
      %dma_start3A_244 = tpu.memref_slice %arg11[%run_scoped3A_32, %dma_start3A_242, %dma_start3A_243] : memref<2x80x128xf32, #tpu.memory_space<vmem>> -> memref<1x80x128xf32, #tpu.memory_space<vmem>>
      %dma_start3A_245 = tpu.memref_squeeze %dma_start3A_244 : memref<1x80x128xf32, #tpu.memory_space<vmem>> -> memref<80x128xf32, #tpu.memory_space<vmem>>
      tpu.enqueue_dma source(%dma_start3A_245 : memref<80x128xf32, #tpu.memory_space<vmem>>) target(%dma_start3A_241 : memref<80x128xf32, #tpu.memory_space<vmem_shared>>) target_semaphore(%run_scoped3A_234 : memref<!tpu.dma_semaphore, #tpu.memory_space<semaphore_mem>>)
      %dma_wait3A_246 = arith.constant 0 : i32
      %dma_wait3A_247 = arith.constant 0 : i32
      %dma_wait3A_248 = tpu.memref_slice %arg11[%run_scoped3A_32, %dma_wait3A_246, %dma_wait3A_247] : memref<2x80x128xf32, #tpu.memory_space<vmem>> -> memref<1x80x128xf32, #tpu.memory_space<vmem>>
      %dma_wait3A_249 = tpu.memref_squeeze %dma_wait3A_248 : memref<1x80x128xf32, #tpu.memory_space<vmem>> -> memref<80x128xf32, #tpu.memory_space<vmem>>
      %dma_wait3A_250 = arith.constant 0 : i32
      %dma_wait3A_251 = tpu.memref_slice %arg8[%add3A_31, %dma_wait3A_250] : memref<10240x128xf32, #tpu.memory_space<vmem_shared>> -> memref<80x128xf32, #tpu.memory_space<vmem_shared>>
      %dma_wait3A_252 = arith.constant 0 : i32
      %dma_wait3A_253 = tpu.memref_slice %arg8[%add3A_31, %dma_wait3A_252] : memref<10240x128xf32, #tpu.memory_space<vmem_shared>> -> memref<80x128xf32, #tpu.memory_space<vmem_shared>>
      %dma_wait3A_254 = arith.constant 0 : i32
      %dma_wait3A_255 = arith.constant 0 : i32
      %dma_wait3A_256 = tpu.memref_slice %arg11[%run_scoped3A_32, %dma_wait3A_254, %dma_wait3A_255] : memref<2x80x128xf32, #tpu.memory_space<vmem>> -> memref<1x80x128xf32, #tpu.memory_space<vmem>>
      %dma_wait3A_257 = tpu.memref_squeeze %dma_wait3A_256 : memref<1x80x128xf32, #tpu.memory_space<vmem>> -> memref<80x128xf32, #tpu.memory_space<vmem>>
      tpu.wait_dma2 semaphore(%run_scoped3A_234 : memref<!tpu.dma_semaphore, #tpu.memory_space<semaphore_mem>>) src(%dma_wait3A_257 : memref<80x128xf32, #tpu.memory_space<vmem>>) dst(%dma_wait3A_253 : memref<80x128xf32, #tpu.memory_space<vmem_shared>>)
      tpu.yield
    }) : () -> ()
    %mul3A_33 = arith.constant 640 : i32
    %mul3A_34 = arith.muli %arg1, %mul3A_33 : i32
    %add3A_35 = arith.constant 560 : i32
    %add3A_36 = arith.addi %mul3A_34, %add3A_35 : i32
    %run_scoped3A_37 = arith.constant 0 : i32
    "tpu.region"() ({
      %run_scoped3A_234 = tpu.sem_alloc : memref<!tpu.dma_semaphore, #tpu.memory_space<semaphore_mem>>
      %dma_start3A = arith.constant 0 : i32
      %dma_start3A_235 = arith.constant 0 : i32
      %dma_start3A_236 = tpu.memref_slice %arg11[%run_scoped3A_37, %dma_start3A, %dma_start3A_235] : memref<2x80x128xf32, #tpu.memory_space<vmem>> -> memref<1x80x128xf32, #tpu.memory_space<vmem>>
      %dma_start3A_237 = tpu.memref_squeeze %dma_start3A_236 : memref<1x80x128xf32, #tpu.memory_space<vmem>> -> memref<80x128xf32, #tpu.memory_space<vmem>>
      %dma_start3A_238 = arith.constant 0 : i32
      %dma_start3A_239 = tpu.memref_slice %arg8[%add3A_36, %dma_start3A_238] : memref<10240x128xf32, #tpu.memory_space<vmem_shared>> -> memref<80x128xf32, #tpu.memory_space<vmem_shared>>
      %dma_start3A_240 = arith.constant 0 : i32
      %dma_start3A_241 = tpu.memref_slice %arg8[%add3A_36, %dma_start3A_240] : memref<10240x128xf32, #tpu.memory_space<vmem_shared>> -> memref<80x128xf32, #tpu.memory_space<vmem_shared>>
      %dma_start3A_242 = arith.constant 0 : i32
      %dma_start3A_243 = arith.constant 0 : i32
      %dma_start3A_244 = tpu.memref_slice %arg11[%run_scoped3A_37, %dma_start3A_242, %dma_start3A_243] : memref<2x80x128xf32, #tpu.memory_space<vmem>> -> memref<1x80x128xf32, #tpu.memory_space<vmem>>
      %dma_start3A_245 = tpu.memref_squeeze %dma_start3A_244 : memref<1x80x128xf32, #tpu.memory_space<vmem>> -> memref<80x128xf32, #tpu.memory_space<vmem>>
      tpu.enqueue_dma source(%dma_start3A_245 : memref<80x128xf32, #tpu.memory_space<vmem>>) target(%dma_start3A_241 : memref<80x128xf32, #tpu.memory_space<vmem_shared>>) target_semaphore(%run_scoped3A_234 : memref<!tpu.dma_semaphore, #tpu.memory_space<semaphore_mem>>)
      %dma_wait3A_246 = arith.constant 0 : i32
      %dma_wait3A_247 = arith.constant 0 : i32
      %dma_wait3A_248 = tpu.memref_slice %arg11[%run_scoped3A_37, %dma_wait3A_246, %dma_wait3A_247] : memref<2x80x128xf32, #tpu.memory_space<vmem>> -> memref<1x80x128xf32, #tpu.memory_space<vmem>>
      %dma_wait3A_249 = tpu.memref_squeeze %dma_wait3A_248 : memref<1x80x128xf32, #tpu.memory_space<vmem>> -> memref<80x128xf32, #tpu.memory_space<vmem>>
      %dma_wait3A_250 = arith.constant 0 : i32
      %dma_wait3A_251 = tpu.memref_slice %arg8[%add3A_36, %dma_wait3A_250] : memref<10240x128xf32, #tpu.memory_space<vmem_shared>> -> memref<80x128xf32, #tpu.memory_space<vmem_shared>>
      %dma_wait3A_252 = arith.constant 0 : i32
      %dma_wait3A_253 = tpu.memref_slice %arg8[%add3A_36, %dma_wait3A_252] : memref<10240x128xf32, #tpu.memory_space<vmem_shared>> -> memref<80x128xf32, #tpu.memory_space<vmem_shared>>
      %dma_wait3A_254 = arith.constant 0 : i32
      %dma_wait3A_255 = arith.constant 0 : i32
      %dma_wait3A_256 = tpu.memref_slice %arg11[%run_scoped3A_37, %dma_wait3A_254, %dma_wait3A_255] : memref<2x80x128xf32, #tpu.memory_space<vmem>> -> memref<1x80x128xf32, #tpu.memory_space<vmem>>
      %dma_wait3A_257 = tpu.memref_squeeze %dma_wait3A_256 : memref<1x80x128xf32, #tpu.memory_space<vmem>> -> memref<80x128xf32, #tpu.memory_space<vmem>>
      tpu.wait_dma2 semaphore(%run_scoped3A_234 : memref<!tpu.dma_semaphore, #tpu.memory_space<semaphore_mem>>) src(%dma_wait3A_257 : memref<80x128xf32, #tpu.memory_space<vmem>>) dst(%dma_wait3A_253 : memref<80x128xf32, #tpu.memory_space<vmem_shared>>)
      tpu.yield
    }) : () -> ()
    %add3A_38 = arith.constant 0 : i32
    %add3A_39 = arith.addi %add3A_38, %arg1 : i32
    %mul3A_40 = arith.constant 10000 : i32
    %mul3A_41 = arith.muli %add3A_39, %mul3A_40 : i32
    "tpu.region"() ({
      %run_scoped3A_234 = tpu.sem_alloc : memref<!tpu.dma_semaphore, #tpu.memory_space<semaphore_mem>>
      %dma_start3A = tpu.memref_slice %arg4[%mul3A_41] : memref<480000xi32, #tpu.memory_space<hbm>> -> memref<10000xi32, #tpu.memory_space<hbm>>
      %dma_start3A_235 = tpu.memref_slice %arg4[%mul3A_41] : memref<480000xi32, #tpu.memory_space<hbm>> -> memref<10000xi32, #tpu.memory_space<hbm>>
      tpu.enqueue_dma source(%dma_start3A_235 : memref<10000xi32, #tpu.memory_space<hbm>>) target(%arg9 : memref<10000xi32, #tpu.memory_space<vmem>>) target_semaphore(%run_scoped3A_234 : memref<!tpu.dma_semaphore, #tpu.memory_space<semaphore_mem>>)
      %dma_wait3A_236 = tpu.memref_slice %arg4[%mul3A_41] : memref<480000xi32, #tpu.memory_space<hbm>> -> memref<10000xi32, #tpu.memory_space<hbm>>
      %dma_wait3A_237 = tpu.memref_slice %arg4[%mul3A_41] : memref<480000xi32, #tpu.memory_space<hbm>> -> memref<10000xi32, #tpu.memory_space<hbm>>
      tpu.wait_dma2 semaphore(%run_scoped3A_234 : memref<!tpu.dma_semaphore, #tpu.memory_space<semaphore_mem>>) src(%dma_wait3A_237 : memref<10000xi32, #tpu.memory_space<hbm>>) dst(%arg9 : memref<10000xi32, #tpu.memory_space<vmem>>)
      tpu.yield
    }) : () -> ()
    %run_scoped3A_42 = arith.constant 0 : i32
    "tpu.region"() ({
      %run_scoped3A_234 = tpu.sem_alloc : memref<!tpu.dma_semaphore, #tpu.memory_space<semaphore_mem>>
      %dma_start3A = arith.constant 0 : i32
      %dma_start3A_235 = arith.constant 0 : i32
      %dma_start3A_236 = tpu.memref_slice %arg5[%run_scoped3A_42, %arg1, %dma_start3A, %dma_start3A_235] : memref<3x16x125x80xi32, #tpu.memory_space<hbm>> -> memref<1x1x125x80xi32, #tpu.memory_space<hbm>>
      %dma_start3A_237 = tpu.memref_squeeze %dma_start3A_236 : memref<1x1x125x80xi32, #tpu.memory_space<hbm>> -> memref<125x80xi32, #tpu.memory_space<hbm>>
      %dma_start3A_238 = arith.constant 0 : i32
      %dma_start3A_239 = arith.constant 0 : i32
      %dma_start3A_240 = tpu.memref_slice %arg5[%run_scoped3A_42, %arg1, %dma_start3A_238, %dma_start3A_239] : memref<3x16x125x80xi32, #tpu.memory_space<hbm>> -> memref<1x1x125x80xi32, #tpu.memory_space<hbm>>
      %dma_start3A_241 = tpu.memref_squeeze %dma_start3A_240 : memref<1x1x125x80xi32, #tpu.memory_space<hbm>> -> memref<125x80xi32, #tpu.memory_space<hbm>>
      tpu.enqueue_dma source(%dma_start3A_241 : memref<125x80xi32, #tpu.memory_space<hbm>>) target(%arg10 : memref<125x80xi32, #tpu.memory_space<vmem>>) target_semaphore(%run_scoped3A_234 : memref<!tpu.dma_semaphore, #tpu.memory_space<semaphore_mem>>)
      %dma_wait3A_242 = arith.constant 0 : i32
      %dma_wait3A_243 = arith.constant 0 : i32
      %dma_wait3A_244 = tpu.memref_slice %arg5[%run_scoped3A_42, %arg1, %dma_wait3A_242, %dma_wait3A_243] : memref<3x16x125x80xi32, #tpu.memory_space<hbm>> -> memref<1x1x125x80xi32, #tpu.memory_space<hbm>>
      %dma_wait3A_245 = tpu.memref_squeeze %dma_wait3A_244 : memref<1x1x125x80xi32, #tpu.memory_space<hbm>> -> memref<125x80xi32, #tpu.memory_space<hbm>>
      %dma_wait3A_246 = arith.constant 0 : i32
      %dma_wait3A_247 = arith.constant 0 : i32
      %dma_wait3A_248 = tpu.memref_slice %arg5[%run_scoped3A_42, %arg1, %dma_wait3A_246, %dma_wait3A_247] : memref<3x16x125x80xi32, #tpu.memory_space<hbm>> -> memref<1x1x125x80xi32, #tpu.memory_space<hbm>>
      %dma_wait3A_249 = tpu.memref_squeeze %dma_wait3A_248 : memref<1x1x125x80xi32, #tpu.memory_space<hbm>> -> memref<125x80xi32, #tpu.memory_space<hbm>>
      tpu.wait_dma2 semaphore(%run_scoped3A_234 : memref<!tpu.dma_semaphore, #tpu.memory_space<semaphore_mem>>) src(%dma_wait3A_249 : memref<125x80xi32, #tpu.memory_space<hbm>>) dst(%arg10 : memref<125x80xi32, #tpu.memory_space<vmem>>)
      tpu.yield
    }) : () -> ()
    %eq3A = arith.constant 0 : i32
    %eq3A_43 = arith.cmpi eq, %arg0, %eq3A : i32
    %convert_element_type3A = arith.extui %eq3A_43 : i1 to i32
    %cond3A = arith.constant 0 : i32
    %cond3A_44 = arith.cmpi ne, %convert_element_type3A, %cond3A : i32
    scf.if %cond3A_44 {
      %dma_start3A = arith.constant 0 : i32
      %dma_start3A_234 = arith.constant 0 : i32
      %dma_start3A_235 = arith.constant 0 : i32
      %dma_start3A_236 = tpu.memref_slice %arg11[%dma_start3A, %dma_start3A_234, %dma_start3A_235] : memref<2x80x128xf32, #tpu.memory_space<vmem>> -> memref<1x80x128xf32, #tpu.memory_space<vmem>>
      %dma_start3A_237 = tpu.memref_squeeze %dma_start3A_236 : memref<1x80x128xf32, #tpu.memory_space<vmem>> -> memref<80x128xf32, #tpu.memory_space<vmem>>
      %dma_start3A_238 = arith.constant 0 : i32
      %dma_start3A_239 = tpu.memref_slice %arg9[%dma_start3A_238] : memref<10000xi32, #tpu.memory_space<vmem>> -> memref<80xi32, #tpu.memory_space<vmem>>
      %dma_start3A_240 = arith.constant 0 : i32
      %dma_start3A_241 = arith.constant 0 : i32
      %dma_start3A_242 = tpu.memref_slice %arg2[%dma_start3A_240, %dma_start3A_241] : memref<30000x128xf32, #tpu.memory_space<hbm>> -> memref<30000x128xf32, #tpu.memory_space<hbm>>
      tpu.enqueue_indirect_dma source(%dma_start3A_242 : memref<30000x128xf32, #tpu.memory_space<hbm>>) target(%dma_start3A_237 : memref<80x128xf32, #tpu.memory_space<vmem>>) offsets(%dma_start3A_239 : memref<80xi32, #tpu.memory_space<vmem>>) semaphore(%arg12 : memref<!tpu.dma_semaphore, #tpu.memory_space<semaphore_mem>>)
    } else {
    }
    %eq3A_45 = arith.constant 1 : i32
    %eq3A_46 = arith.cmpi eq, %arg0, %eq3A_45 : i32
    %convert_element_type3A_47 = arith.extui %eq3A_46 : i1 to i32
    %cond3A_48 = arith.constant 0 : i32
    %cond3A_49 = arith.cmpi ne, %convert_element_type3A_47, %cond3A_48 : i32
    scf.if %cond3A_49 {
      %dma_start3A = arith.constant 0 : i32
      %dma_start3A_234 = arith.constant 0 : i32
      %dma_start3A_235 = arith.constant 0 : i32
      %dma_start3A_236 = tpu.memref_slice %arg11[%dma_start3A, %dma_start3A_234, %dma_start3A_235] : memref<2x80x128xf32, #tpu.memory_space<vmem>> -> memref<1x80x128xf32, #tpu.memory_space<vmem>>
      %dma_start3A_237 = tpu.memref_squeeze %dma_start3A_236 : memref<1x80x128xf32, #tpu.memory_space<vmem>> -> memref<80x128xf32, #tpu.memory_space<vmem>>
      %dma_start3A_238 = arith.constant 0 : i32
      %dma_start3A_239 = tpu.memref_slice %arg9[%dma_start3A_238] : memref<10000xi32, #tpu.memory_space<vmem>> -> memref<80xi32, #tpu.memory_space<vmem>>
      %dma_start3A_240 = arith.constant 0 : i32
      %dma_start3A_241 = arith.constant 0 : i32
      %dma_start3A_242 = tpu.memref_slice %arg3[%dma_start3A_240, %dma_start3A_241] : memref<30000x128xf32, #tpu.memory_space<hbm>> -> memref<30000x128xf32, #tpu.memory_space<hbm>>
      tpu.enqueue_indirect_dma source(%dma_start3A_242 : memref<30000x128xf32, #tpu.memory_space<hbm>>) target(%dma_start3A_237 : memref<80x128xf32, #tpu.memory_space<vmem>>) offsets(%dma_start3A_239 : memref<80xi32, #tpu.memory_space<vmem>>) semaphore(%arg12 : memref<!tpu.dma_semaphore, #tpu.memory_space<semaphore_mem>>)
    } else {
    }
    %barrier3A = arith.constant 0 : index
    tpu.barrier barrier_id(%barrier3A)
    %scan3A = arith.constant 0 : i32
    %scan3A_50 = arith.constant 0 : i32
    %scan3A_51 = arith.constant 125 : i32
    %scan3A_52 = arith.addi %scan3A_50, %scan3A_51 : i32
    %scan3A_53 = arith.constant 1 : i32
    scf.for %scan3A_234 = %scan3A_50 to %scan3A_52 step %scan3A_53  : i32 {
      %rem3A = arith.constant 2 : i32
      %rem3A_235 = arith.remsi %scan3A_234, %rem3A : i32
      %add3A_236 = arith.constant 1 : i32
      %add3A_237 = arith.addi %scan3A_234, %add3A_236 : i32
      %rem3A_238 = arith.constant 2 : i32
      %rem3A_239 = arith.remsi %add3A_237, %rem3A_238 : i32
      %ge3A = arith.constant 1 : i32
      %ge3A_240 = arith.cmpi sge, %scan3A_234, %ge3A : i32
      %convert_element_type3A_241 = arith.extui %ge3A_240 : i1 to i32
      %cond3A_242 = arith.constant 0 : i32
      %cond3A_243 = arith.cmpi ne, %convert_element_type3A_241, %cond3A_242 : i32
      scf.if %cond3A_243 {
        %sub3A = arith.constant 1 : i32
        %sub3A_269 = arith.subi %scan3A_234, %sub3A : i32
        %dma_wait3A_270 = arith.constant 0 : i32
        %dma_wait3A_271 = arith.constant 0 : i32
        %dma_wait3A_272 = tpu.memref_slice %arg11[%rem3A_239, %dma_wait3A_270, %dma_wait3A_271] : memref<2x80x128xf32, #tpu.memory_space<vmem>> -> memref<1x80x128xf32, #tpu.memory_space<vmem>>
        %dma_wait3A_273 = tpu.memref_squeeze %dma_wait3A_272 : memref<1x80x128xf32, #tpu.memory_space<vmem>> -> memref<80x128xf32, #tpu.memory_space<vmem>>
        %dma_wait3A_274 = arith.constant 0 : i32
        %dma_wait3A_275 = tpu.memref_slice %arg10[%sub3A_269, %dma_wait3A_274] : memref<125x80xi32, #tpu.memory_space<vmem>> -> memref<1x80xi32, #tpu.memory_space<vmem>>
        %dma_wait3A_276 = tpu.memref_squeeze %dma_wait3A_275 : memref<1x80xi32, #tpu.memory_space<vmem>> -> memref<80xi32, #tpu.memory_space<vmem>>
        %dma_wait3A_277 = arith.constant 0 : i32
        %dma_wait3A_278 = arith.constant 0 : i32
        %dma_wait3A_279 = tpu.memref_slice %arg8[%dma_wait3A_277, %dma_wait3A_278] : memref<10240x128xf32, #tpu.memory_space<vmem_shared>> -> memref<10240x128xf32, #tpu.memory_space<vmem_shared>>
        tpu.wait_indirect_dma semaphore(%arg13 : memref<!tpu.dma_semaphore, #tpu.memory_space<semaphore_mem>>) src(%dma_wait3A_273 : memref<80x128xf32, #tpu.memory_space<vmem>>) dst(%dma_wait3A_279 : memref<10240x128xf32, #tpu.memory_space<vmem_shared>>)
      } else {
      }
      %add3A_244 = arith.constant 1 : i32
      %add3A_245 = arith.addi %scan3A_234, %add3A_244 : i32
      %lt3A = arith.constant 125 : i32
      %lt3A_246 = arith.cmpi slt, %add3A_245, %lt3A : i32
      %convert_element_type3A_247 = arith.extui %lt3A_246 : i1 to i32
      %cond3A_248 = arith.constant 0 : i32
      %cond3A_249 = arith.cmpi ne, %convert_element_type3A_247, %cond3A_248 : i32
      scf.if %cond3A_249 {
        %add3A_269 = arith.constant 1 : i32
        %add3A_270 = arith.addi %scan3A_234, %add3A_269 : i32
        %mul3A_271 = arith.constant 80 : i32
        %mul3A_272 = arith.muli %add3A_270, %mul3A_271 : i32
        %eq3A_273 = arith.constant 0 : i32
        %eq3A_274 = arith.cmpi eq, %arg0, %eq3A_273 : i32
        %convert_element_type3A_275 = arith.extui %eq3A_274 : i1 to i32
        %cond3A_276 = arith.constant 0 : i32
        %cond3A_277 = arith.cmpi ne, %convert_element_type3A_275, %cond3A_276 : i32
        scf.if %cond3A_277 {
          %dma_start3A_283 = arith.constant 0 : i32
          %dma_start3A_284 = arith.constant 0 : i32
          %dma_start3A_285 = tpu.memref_slice %arg11[%rem3A_239, %dma_start3A_283, %dma_start3A_284] : memref<2x80x128xf32, #tpu.memory_space<vmem>> -> memref<1x80x128xf32, #tpu.memory_space<vmem>>
          %dma_start3A_286 = tpu.memref_squeeze %dma_start3A_285 : memref<1x80x128xf32, #tpu.memory_space<vmem>> -> memref<80x128xf32, #tpu.memory_space<vmem>>
          %dma_start3A_287 = tpu.memref_slice %arg9[%mul3A_272] : memref<10000xi32, #tpu.memory_space<vmem>> -> memref<80xi32, #tpu.memory_space<vmem>>
          %dma_start3A_288 = arith.constant 0 : i32
          %dma_start3A_289 = arith.constant 0 : i32
          %dma_start3A_290 = tpu.memref_slice %arg2[%dma_start3A_288, %dma_start3A_289] : memref<30000x128xf32, #tpu.memory_space<hbm>> -> memref<30000x128xf32, #tpu.memory_space<hbm>>
          tpu.enqueue_indirect_dma source(%dma_start3A_290 : memref<30000x128xf32, #tpu.memory_space<hbm>>) target(%dma_start3A_286 : memref<80x128xf32, #tpu.memory_space<vmem>>) offsets(%dma_start3A_287 : memref<80xi32, #tpu.memory_space<vmem>>) semaphore(%arg12 : memref<!tpu.dma_semaphore, #tpu.memory_space<semaphore_mem>>)
        } else {
        }
        %eq3A_278 = arith.constant 1 : i32
        %eq3A_279 = arith.cmpi eq, %arg0, %eq3A_278 : i32
        %convert_element_type3A_280 = arith.extui %eq3A_279 : i1 to i32
        %cond3A_281 = arith.constant 0 : i32
        %cond3A_282 = arith.cmpi ne, %convert_element_type3A_280, %cond3A_281 : i32
        scf.if %cond3A_282 {
          %dma_start3A_283 = arith.constant 0 : i32
          %dma_start3A_284 = arith.constant 0 : i32
          %dma_start3A_285 = tpu.memref_slice %arg11[%rem3A_239, %dma_start3A_283, %dma_start3A_284] : memref<2x80x128xf32, #tpu.memory_space<vmem>> -> memref<1x80x128xf32, #tpu.memory_space<vmem>>
          %dma_start3A_286 = tpu.memref_squeeze %dma_start3A_285 : memref<1x80x128xf32, #tpu.memory_space<vmem>> -> memref<80x128xf32, #tpu.memory_space<vmem>>
          %dma_start3A_287 = tpu.memref_slice %arg9[%mul3A_272] : memref<10000xi32, #tpu.memory_space<vmem>> -> memref<80xi32, #tpu.memory_space<vmem>>
          %dma_start3A_288 = arith.constant 0 : i32
          %dma_start3A_289 = arith.constant 0 : i32
          %dma_start3A_290 = tpu.memref_slice %arg3[%dma_start3A_288, %dma_start3A_289] : memref<30000x128xf32, #tpu.memory_space<hbm>> -> memref<30000x128xf32, #tpu.memory_space<hbm>>
          tpu.enqueue_indirect_dma source(%dma_start3A_290 : memref<30000x128xf32, #tpu.memory_space<hbm>>) target(%dma_start3A_286 : memref<80x128xf32, #tpu.memory_space<vmem>>) offsets(%dma_start3A_287 : memref<80xi32, #tpu.memory_space<vmem>>) semaphore(%arg12 : memref<!tpu.dma_semaphore, #tpu.memory_space<semaphore_mem>>)
        } else {
        }
      } else {
      }
      %mul3A_250 = arith.constant 80 : i32
      %mul3A_251 = arith.muli %scan3A_234, %mul3A_250 : i32
      %dma_wait3A_252 = arith.constant 0 : i32
      %dma_wait3A_253 = arith.constant 0 : i32
      %dma_wait3A_254 = tpu.memref_slice %arg11[%rem3A_235, %dma_wait3A_252, %dma_wait3A_253] : memref<2x80x128xf32, #tpu.memory_space<vmem>> -> memref<1x80x128xf32, #tpu.memory_space<vmem>>
      %dma_wait3A_255 = tpu.memref_squeeze %dma_wait3A_254 : memref<1x80x128xf32, #tpu.memory_space<vmem>> -> memref<80x128xf32, #tpu.memory_space<vmem>>
      %dma_wait3A_256 = tpu.memref_slice %arg9[%mul3A_251] : memref<10000xi32, #tpu.memory_space<vmem>> -> memref<80xi32, #tpu.memory_space<vmem>>
      %dma_wait3A_257 = arith.constant 0 : i32
      %dma_wait3A_258 = arith.constant 0 : i32
      %dma_wait3A_259 = tpu.memref_slice %arg2[%dma_wait3A_257, %dma_wait3A_258] : memref<30000x128xf32, #tpu.memory_space<hbm>> -> memref<30000x128xf32, #tpu.memory_space<hbm>>
      tpu.wait_indirect_dma semaphore(%arg12 : memref<!tpu.dma_semaphore, #tpu.memory_space<semaphore_mem>>) src(%dma_wait3A_259 : memref<30000x128xf32, #tpu.memory_space<hbm>>) dst(%dma_wait3A_255 : memref<80x128xf32, #tpu.memory_space<vmem>>)
      %dma_start3A = arith.constant 0 : i32
      %dma_start3A_260 = arith.constant 0 : i32
      %dma_start3A_261 = tpu.memref_slice %arg11[%rem3A_235, %dma_start3A, %dma_start3A_260] : memref<2x80x128xf32, #tpu.memory_space<vmem>> -> memref<1x80x128xf32, #tpu.memory_space<vmem>>
      %dma_start3A_262 = tpu.memref_squeeze %dma_start3A_261 : memref<1x80x128xf32, #tpu.memory_space<vmem>> -> memref<80x128xf32, #tpu.memory_space<vmem>>
      %dma_start3A_263 = arith.constant 0 : i32
      %dma_start3A_264 = tpu.memref_slice %arg10[%scan3A_234, %dma_start3A_263] : memref<125x80xi32, #tpu.memory_space<vmem>> -> memref<1x80xi32, #tpu.memory_space<vmem>>
      %dma_start3A_265 = tpu.memref_squeeze %dma_start3A_264 : memref<1x80xi32, #tpu.memory_space<vmem>> -> memref<80xi32, #tpu.memory_space<vmem>>
      %dma_start3A_266 = arith.constant 0 : i32
      %dma_start3A_267 = arith.constant 0 : i32
      %dma_start3A_268 = tpu.memref_slice %arg8[%dma_start3A_266, %dma_start3A_267] : memref<10240x128xf32, #tpu.memory_space<vmem_shared>> -> memref<10240x128xf32, #tpu.memory_space<vmem_shared>>
      tpu.enqueue_indirect_dma source(%dma_start3A_262 : memref<80x128xf32, #tpu.memory_space<vmem>>) target(%dma_start3A_268 : memref<10240x128xf32, #tpu.memory_space<vmem_shared>>) offsets(%dma_start3A_265 : memref<80xi32, #tpu.memory_space<vmem>>) semaphore(%arg13 : memref<!tpu.dma_semaphore, #tpu.memory_space<semaphore_mem>>) {add = true}
    }
    %scan3A_54 = arith.constant 125 : i32
    %dma_wait3A = arith.constant 0 : i32
    %dma_wait3A_55 = arith.constant 124 : i32
    %dma_wait3A_56 = arith.constant 0 : i32
    %dma_wait3A_57 = arith.constant 0 : i32
    %dma_wait3A_58 = tpu.memref_slice %arg11[%dma_wait3A, %dma_wait3A_56, %dma_wait3A_57] : memref<2x80x128xf32, #tpu.memory_space<vmem>> -> memref<1x80x128xf32, #tpu.memory_space<vmem>>
    %dma_wait3A_59 = tpu.memref_squeeze %dma_wait3A_58 : memref<1x80x128xf32, #tpu.memory_space<vmem>> -> memref<80x128xf32, #tpu.memory_space<vmem>>
    %dma_wait3A_60 = arith.constant 0 : i32
    %dma_wait3A_61 = tpu.memref_slice %arg10[%dma_wait3A_55, %dma_wait3A_60] : memref<125x80xi32, #tpu.memory_space<vmem>> -> memref<1x80xi32, #tpu.memory_space<vmem>>
    %dma_wait3A_62 = tpu.memref_squeeze %dma_wait3A_61 : memref<1x80xi32, #tpu.memory_space<vmem>> -> memref<80xi32, #tpu.memory_space<vmem>>
    %dma_wait3A_63 = arith.constant 0 : i32
    %dma_wait3A_64 = arith.constant 0 : i32
    %dma_wait3A_65 = tpu.memref_slice %arg8[%dma_wait3A_63, %dma_wait3A_64] : memref<10240x128xf32, #tpu.memory_space<vmem_shared>> -> memref<10240x128xf32, #tpu.memory_space<vmem_shared>>
    tpu.wait_indirect_dma semaphore(%arg13 : memref<!tpu.dma_semaphore, #tpu.memory_space<semaphore_mem>>) src(%dma_wait3A_59 : memref<80x128xf32, #tpu.memory_space<vmem>>) dst(%dma_wait3A_65 : memref<10240x128xf32, #tpu.memory_space<vmem_shared>>)
    %barrier3A_66 = arith.constant 0 : index
    tpu.barrier barrier_id(%barrier3A_66)
    %mul3A_67 = arith.constant 640 : i32
    %mul3A_68 = arith.muli %arg1, %mul3A_67 : i32
    %mul3A_69 = arith.constant 640 : i32
    %mul3A_70 = arith.muli %arg1, %mul3A_69 : i32
    %run_scoped3A_71 = arith.constant 0 : i32
    "tpu.region"() ({
      %run_scoped3A_234 = tpu.sem_alloc : memref<!tpu.dma_semaphore, #tpu.memory_space<semaphore_mem>>
      %dma_start3A = arith.constant 0 : i32
      %dma_start3A_235 = tpu.memref_slice %arg7[%run_scoped3A_71, %arg0, %mul3A_70, %dma_start3A] : memref<3x2x10240x128xf32, #tpu.memory_space<hbm>> -> memref<1x1x640x128xf32, #tpu.memory_space<hbm>>
      %dma_start3A_236 = tpu.memref_squeeze %dma_start3A_235 : memref<1x1x640x128xf32, #tpu.memory_space<hbm>> -> memref<640x128xf32, #tpu.memory_space<hbm>>
      %dma_start3A_237 = arith.constant 0 : i32
      %dma_start3A_238 = tpu.memref_slice %arg8[%mul3A_68, %dma_start3A_237] : memref<10240x128xf32, #tpu.memory_space<vmem_shared>> -> memref<640x128xf32, #tpu.memory_space<vmem_shared>>
      tpu.enqueue_dma source(%dma_start3A_238 : memref<640x128xf32, #tpu.memory_space<vmem_shared>>) target(%dma_start3A_236 : memref<640x128xf32, #tpu.memory_space<hbm>>) target_semaphore(%run_scoped3A_234 : memref<!tpu.dma_semaphore, #tpu.memory_space<semaphore_mem>>)
      %dma_wait3A_239 = arith.constant 0 : i32
      %dma_wait3A_240 = tpu.memref_slice %arg7[%run_scoped3A_71, %arg0, %mul3A_70, %dma_wait3A_239] : memref<3x2x10240x128xf32, #tpu.memory_space<hbm>> -> memref<1x1x640x128xf32, #tpu.memory_space<hbm>>
      %dma_wait3A_241 = tpu.memref_squeeze %dma_wait3A_240 : memref<1x1x640x128xf32, #tpu.memory_space<hbm>> -> memref<640x128xf32, #tpu.memory_space<hbm>>
      %dma_wait3A_242 = arith.constant 0 : i32
      %dma_wait3A_243 = tpu.memref_slice %arg8[%mul3A_68, %dma_wait3A_242] : memref<10240x128xf32, #tpu.memory_space<vmem_shared>> -> memref<640x128xf32, #tpu.memory_space<vmem_shared>>
      tpu.wait_dma2 semaphore(%run_scoped3A_234 : memref<!tpu.dma_semaphore, #tpu.memory_space<semaphore_mem>>) src(%dma_wait3A_243 : memref<640x128xf32, #tpu.memory_space<vmem_shared>>) dst(%dma_wait3A_241 : memref<640x128xf32, #tpu.memory_space<hbm>>)
      tpu.yield
    }) : () -> ()
    %run_scoped3A_72 = arith.constant 0 : i32
    "tpu.region"() ({
      %run_scoped3A_234 = tpu.sem_alloc : memref<!tpu.dma_semaphore, #tpu.memory_space<semaphore_mem>>
      %dma_start3A = arith.constant 0 : i32
      %dma_start3A_235 = arith.constant 0 : i32
      %dma_start3A_236 = tpu.memref_slice %arg11[%run_scoped3A_72, %dma_start3A, %dma_start3A_235] : memref<2x80x128xf32, #tpu.memory_space<vmem>> -> memref<1x80x128xf32, #tpu.memory_space<vmem>>
      %dma_start3A_237 = tpu.memref_squeeze %dma_start3A_236 : memref<1x80x128xf32, #tpu.memory_space<vmem>> -> memref<80x128xf32, #tpu.memory_space<vmem>>
      %dma_start3A_238 = arith.constant 0 : i32
      %dma_start3A_239 = arith.constant 0 : i32
      %dma_start3A_240 = tpu.memref_slice %arg11[%run_scoped3A_72, %dma_start3A_238, %dma_start3A_239] : memref<2x80x128xf32, #tpu.memory_space<vmem>> -> memref<1x80x128xf32, #tpu.memory_space<vmem>>
      %dma_start3A_241 = tpu.memref_squeeze %dma_start3A_240 : memref<1x80x128xf32, #tpu.memory_space<vmem>> -> memref<80x128xf32, #tpu.memory_space<vmem>>
      tpu.enqueue_dma source(%arg6 : memref<80x128xf32, #tpu.memory_space<hbm>>) target(%dma_start3A_241 : memref<80x128xf32, #tpu.memory_space<vmem>>) target_semaphore(%run_scoped3A_234 : memref<!tpu.dma_semaphore, #tpu.memory_space<semaphore_mem>>)
      %dma_wait3A_242 = arith.constant 0 : i32
      %dma_wait3A_243 = arith.constant 0 : i32
      %dma_wait3A_244 = tpu.memref_slice %arg11[%run_scoped3A_72, %dma_wait3A_242, %dma_wait3A_243] : memref<2x80x128xf32, #tpu.memory_space<vmem>> -> memref<1x80x128xf32, #tpu.memory_space<vmem>>
      %dma_wait3A_245 = tpu.memref_squeeze %dma_wait3A_244 : memref<1x80x128xf32, #tpu.memory_space<vmem>> -> memref<80x128xf32, #tpu.memory_space<vmem>>
      %dma_wait3A_246 = arith.constant 0 : i32
      %dma_wait3A_247 = arith.constant 0 : i32
      %dma_wait3A_248 = tpu.memref_slice %arg11[%run_scoped3A_72, %dma_wait3A_246, %dma_wait3A_247] : memref<2x80x128xf32, #tpu.memory_space<vmem>> -> memref<1x80x128xf32, #tpu.memory_space<vmem>>
      %dma_wait3A_249 = tpu.memref_squeeze %dma_wait3A_248 : memref<1x80x128xf32, #tpu.memory_space<vmem>> -> memref<80x128xf32, #tpu.memory_space<vmem>>
      tpu.wait_dma2 semaphore(%run_scoped3A_234 : memref<!tpu.dma_semaphore, #tpu.memory_space<semaphore_mem>>) src(%arg6 : memref<80x128xf32, #tpu.memory_space<hbm>>) dst(%dma_wait3A_249 : memref<80x128xf32, #tpu.memory_space<vmem>>)
      tpu.yield
    }) : () -> ()
    %mul3A_73 = arith.constant 640 : i32
    %mul3A_74 = arith.muli %arg1, %mul3A_73 : i32
    %add3A_75 = arith.constant 0 : i32
    %add3A_76 = arith.addi %mul3A_74, %add3A_75 : i32
    %run_scoped3A_77 = arith.constant 0 : i32
    "tpu.region"() ({
      %run_scoped3A_234 = tpu.sem_alloc : memref<!tpu.dma_semaphore, #tpu.memory_space<semaphore_mem>>
      %dma_start3A = arith.constant 0 : i32
      %dma_start3A_235 = arith.constant 0 : i32
      %dma_start3A_236 = tpu.memref_slice %arg11[%run_scoped3A_77, %dma_start3A, %dma_start3A_235] : memref<2x80x128xf32, #tpu.memory_space<vmem>> -> memref<1x80x128xf32, #tpu.memory_space<vmem>>
      %dma_start3A_237 = tpu.memref_squeeze %dma_start3A_236 : memref<1x80x128xf32, #tpu.memory_space<vmem>> -> memref<80x128xf32, #tpu.memory_space<vmem>>
      %dma_start3A_238 = arith.constant 0 : i32
      %dma_start3A_239 = tpu.memref_slice %arg8[%add3A_76, %dma_start3A_238] : memref<10240x128xf32, #tpu.memory_space<vmem_shared>> -> memref<80x128xf32, #tpu.memory_space<vmem_shared>>
      %dma_start3A_240 = arith.constant 0 : i32
      %dma_start3A_241 = tpu.memref_slice %arg8[%add3A_76, %dma_start3A_240] : memref<10240x128xf32, #tpu.memory_space<vmem_shared>> -> memref<80x128xf32, #tpu.memory_space<vmem_shared>>
      %dma_start3A_242 = arith.constant 0 : i32
      %dma_start3A_243 = arith.constant 0 : i32
      %dma_start3A_244 = tpu.memref_slice %arg11[%run_scoped3A_77, %dma_start3A_242, %dma_start3A_243] : memref<2x80x128xf32, #tpu.memory_space<vmem>> -> memref<1x80x128xf32, #tpu.memory_space<vmem>>
      %dma_start3A_245 = tpu.memref_squeeze %dma_start3A_244 : memref<1x80x128xf32, #tpu.memory_space<vmem>> -> memref<80x128xf32, #tpu.memory_space<vmem>>
      tpu.enqueue_dma source(%dma_start3A_245 : memref<80x128xf32, #tpu.memory_space<vmem>>) target(%dma_start3A_241 : memref<80x128xf32, #tpu.memory_space<vmem_shared>>) target_semaphore(%run_scoped3A_234 : memref<!tpu.dma_semaphore, #tpu.memory_space<semaphore_mem>>)
      %dma_wait3A_246 = arith.constant 0 : i32
      %dma_wait3A_247 = arith.constant 0 : i32
      %dma_wait3A_248 = tpu.memref_slice %arg11[%run_scoped3A_77, %dma_wait3A_246, %dma_wait3A_247] : memref<2x80x128xf32, #tpu.memory_space<vmem>> -> memref<1x80x128xf32, #tpu.memory_space<vmem>>
      %dma_wait3A_249 = tpu.memref_squeeze %dma_wait3A_248 : memref<1x80x128xf32, #tpu.memory_space<vmem>> -> memref<80x128xf32, #tpu.memory_space<vmem>>
      %dma_wait3A_250 = arith.constant 0 : i32
      %dma_wait3A_251 = tpu.memref_slice %arg8[%add3A_76, %dma_wait3A_250] : memref<10240x128xf32, #tpu.memory_space<vmem_shared>> -> memref<80x128xf32, #tpu.memory_space<vmem_shared>>
      %dma_wait3A_252 = arith.constant 0 : i32
      %dma_wait3A_253 = tpu.memref_slice %arg8[%add3A_76, %dma_wait3A_252] : memref<10240x128xf32, #tpu.memory_space<vmem_shared>> -> memref<80x128xf32, #tpu.memory_space<vmem_shared>>
      %dma_wait3A_254 = arith.constant 0 : i32
      %dma_wait3A_255 = arith.constant 0 : i32
      %dma_wait3A_256 = tpu.memref_slice %arg11[%run_scoped3A_77, %dma_wait3A_254, %dma_wait3A_255] : memref<2x80x128xf32, #tpu.memory_space<vmem>> -> memref<1x80x128xf32, #tpu.memory_space<vmem>>
      %dma_wait3A_257 = tpu.memref_squeeze %dma_wait3A_256 : memref<1x80x128xf32, #tpu.memory_space<vmem>> -> memref<80x128xf32, #tpu.memory_space<vmem>>
      tpu.wait_dma2 semaphore(%run_scoped3A_234 : memref<!tpu.dma_semaphore, #tpu.memory_space<semaphore_mem>>) src(%dma_wait3A_257 : memref<80x128xf32, #tpu.memory_space<vmem>>) dst(%dma_wait3A_253 : memref<80x128xf32, #tpu.memory_space<vmem_shared>>)
      tpu.yield
    }) : () -> ()
    %mul3A_78 = arith.constant 640 : i32
    %mul3A_79 = arith.muli %arg1, %mul3A_78 : i32
    %add3A_80 = arith.constant 80 : i32
    %add3A_81 = arith.addi %mul3A_79, %add3A_80 : i32
    %run_scoped3A_82 = arith.constant 0 : i32
    "tpu.region"() ({
      %run_scoped3A_234 = tpu.sem_alloc : memref<!tpu.dma_semaphore, #tpu.memory_space<semaphore_mem>>
      %dma_start3A = arith.constant 0 : i32
      %dma_start3A_235 = arith.constant 0 : i32
      %dma_start3A_236 = tpu.memref_slice %arg11[%run_scoped3A_82, %dma_start3A, %dma_start3A_235] : memref<2x80x128xf32, #tpu.memory_space<vmem>> -> memref<1x80x128xf32, #tpu.memory_space<vmem>>
      %dma_start3A_237 = tpu.memref_squeeze %dma_start3A_236 : memref<1x80x128xf32, #tpu.memory_space<vmem>> -> memref<80x128xf32, #tpu.memory_space<vmem>>
      %dma_start3A_238 = arith.constant 0 : i32
      %dma_start3A_239 = tpu.memref_slice %arg8[%add3A_81, %dma_start3A_238] : memref<10240x128xf32, #tpu.memory_space<vmem_shared>> -> memref<80x128xf32, #tpu.memory_space<vmem_shared>>
      %dma_start3A_240 = arith.constant 0 : i32
      %dma_start3A_241 = tpu.memref_slice %arg8[%add3A_81, %dma_start3A_240] : memref<10240x128xf32, #tpu.memory_space<vmem_shared>> -> memref<80x128xf32, #tpu.memory_space<vmem_shared>>
      %dma_start3A_242 = arith.constant 0 : i32
      %dma_start3A_243 = arith.constant 0 : i32
      %dma_start3A_244 = tpu.memref_slice %arg11[%run_scoped3A_82, %dma_start3A_242, %dma_start3A_243] : memref<2x80x128xf32, #tpu.memory_space<vmem>> -> memref<1x80x128xf32, #tpu.memory_space<vmem>>
      %dma_start3A_245 = tpu.memref_squeeze %dma_start3A_244 : memref<1x80x128xf32, #tpu.memory_space<vmem>> -> memref<80x128xf32, #tpu.memory_space<vmem>>
      tpu.enqueue_dma source(%dma_start3A_245 : memref<80x128xf32, #tpu.memory_space<vmem>>) target(%dma_start3A_241 : memref<80x128xf32, #tpu.memory_space<vmem_shared>>) target_semaphore(%run_scoped3A_234 : memref<!tpu.dma_semaphore, #tpu.memory_space<semaphore_mem>>)
      %dma_wait3A_246 = arith.constant 0 : i32
      %dma_wait3A_247 = arith.constant 0 : i32
      %dma_wait3A_248 = tpu.memref_slice %arg11[%run_scoped3A_82, %dma_wait3A_246, %dma_wait3A_247] : memref<2x80x128xf32, #tpu.memory_space<vmem>> -> memref<1x80x128xf32, #tpu.memory_space<vmem>>
      %dma_wait3A_249 = tpu.memref_squeeze %dma_wait3A_248 : memref<1x80x128xf32, #tpu.memory_space<vmem>> -> memref<80x128xf32, #tpu.memory_space<vmem>>
      %dma_wait3A_250 = arith.constant 0 : i32
      %dma_wait3A_251 = tpu.memref_slice %arg8[%add3A_81, %dma_wait3A_250] : memref<10240x128xf32, #tpu.memory_space<vmem_shared>> -> memref<80x128xf32, #tpu.memory_space<vmem_shared>>
      %dma_wait3A_252 = arith.constant 0 : i32
      %dma_wait3A_253 = tpu.memref_slice %arg8[%add3A_81, %dma_wait3A_252] : memref<10240x128xf32, #tpu.memory_space<vmem_shared>> -> memref<80x128xf32, #tpu.memory_space<vmem_shared>>
      %dma_wait3A_254 = arith.constant 0 : i32
      %dma_wait3A_255 = arith.constant 0 : i32
      %dma_wait3A_256 = tpu.memref_slice %arg11[%run_scoped3A_82, %dma_wait3A_254, %dma_wait3A_255] : memref<2x80x128xf32, #tpu.memory_space<vmem>> -> memref<1x80x128xf32, #tpu.memory_space<vmem>>
      %dma_wait3A_257 = tpu.memref_squeeze %dma_wait3A_256 : memref<1x80x128xf32, #tpu.memory_space<vmem>> -> memref<80x128xf32, #tpu.memory_space<vmem>>
      tpu.wait_dma2 semaphore(%run_scoped3A_234 : memref<!tpu.dma_semaphore, #tpu.memory_space<semaphore_mem>>) src(%dma_wait3A_257 : memref<80x128xf32, #tpu.memory_space<vmem>>) dst(%dma_wait3A_253 : memref<80x128xf32, #tpu.memory_space<vmem_shared>>)
      tpu.yield
    }) : () -> ()
    %mul3A_83 = arith.constant 640 : i32
    %mul3A_84 = arith.muli %arg1, %mul3A_83 : i32
    %add3A_85 = arith.constant 160 : i32
    %add3A_86 = arith.addi %mul3A_84, %add3A_85 : i32
    %run_scoped3A_87 = arith.constant 0 : i32
    "tpu.region"() ({
      %run_scoped3A_234 = tpu.sem_alloc : memref<!tpu.dma_semaphore, #tpu.memory_space<semaphore_mem>>
      %dma_start3A = arith.constant 0 : i32
      %dma_start3A_235 = arith.constant 0 : i32
      %dma_start3A_236 = tpu.memref_slice %arg11[%run_scoped3A_87, %dma_start3A, %dma_start3A_235] : memref<2x80x128xf32, #tpu.memory_space<vmem>> -> memref<1x80x128xf32, #tpu.memory_space<vmem>>
      %dma_start3A_237 = tpu.memref_squeeze %dma_start3A_236 : memref<1x80x128xf32, #tpu.memory_space<vmem>> -> memref<80x128xf32, #tpu.memory_space<vmem>>
      %dma_start3A_238 = arith.constant 0 : i32
      %dma_start3A_239 = tpu.memref_slice %arg8[%add3A_86, %dma_start3A_238] : memref<10240x128xf32, #tpu.memory_space<vmem_shared>> -> memref<80x128xf32, #tpu.memory_space<vmem_shared>>
      %dma_start3A_240 = arith.constant 0 : i32
      %dma_start3A_241 = tpu.memref_slice %arg8[%add3A_86, %dma_start3A_240] : memref<10240x128xf32, #tpu.memory_space<vmem_shared>> -> memref<80x128xf32, #tpu.memory_space<vmem_shared>>
      %dma_start3A_242 = arith.constant 0 : i32
      %dma_start3A_243 = arith.constant 0 : i32
      %dma_start3A_244 = tpu.memref_slice %arg11[%run_scoped3A_87, %dma_start3A_242, %dma_start3A_243] : memref<2x80x128xf32, #tpu.memory_space<vmem>> -> memref<1x80x128xf32, #tpu.memory_space<vmem>>
      %dma_start3A_245 = tpu.memref_squeeze %dma_start3A_244 : memref<1x80x128xf32, #tpu.memory_space<vmem>> -> memref<80x128xf32, #tpu.memory_space<vmem>>
      tpu.enqueue_dma source(%dma_start3A_245 : memref<80x128xf32, #tpu.memory_space<vmem>>) target(%dma_start3A_241 : memref<80x128xf32, #tpu.memory_space<vmem_shared>>) target_semaphore(%run_scoped3A_234 : memref<!tpu.dma_semaphore, #tpu.memory_space<semaphore_mem>>)
      %dma_wait3A_246 = arith.constant 0 : i32
      %dma_wait3A_247 = arith.constant 0 : i32
      %dma_wait3A_248 = tpu.memref_slice %arg11[%run_scoped3A_87, %dma_wait3A_246, %dma_wait3A_247] : memref<2x80x128xf32, #tpu.memory_space<vmem>> -> memref<1x80x128xf32, #tpu.memory_space<vmem>>
      %dma_wait3A_249 = tpu.memref_squeeze %dma_wait3A_248 : memref<1x80x128xf32, #tpu.memory_space<vmem>> -> memref<80x128xf32, #tpu.memory_space<vmem>>
      %dma_wait3A_250 = arith.constant 0 : i32
      %dma_wait3A_251 = tpu.memref_slice %arg8[%add3A_86, %dma_wait3A_250] : memref<10240x128xf32, #tpu.memory_space<vmem_shared>> -> memref<80x128xf32, #tpu.memory_space<vmem_shared>>
      %dma_wait3A_252 = arith.constant 0 : i32
      %dma_wait3A_253 = tpu.memref_slice %arg8[%add3A_86, %dma_wait3A_252] : memref<10240x128xf32, #tpu.memory_space<vmem_shared>> -> memref<80x128xf32, #tpu.memory_space<vmem_shared>>
      %dma_wait3A_254 = arith.constant 0 : i32
      %dma_wait3A_255 = arith.constant 0 : i32
      %dma_wait3A_256 = tpu.memref_slice %arg11[%run_scoped3A_87, %dma_wait3A_254, %dma_wait3A_255] : memref<2x80x128xf32, #tpu.memory_space<vmem>> -> memref<1x80x128xf32, #tpu.memory_space<vmem>>
      %dma_wait3A_257 = tpu.memref_squeeze %dma_wait3A_256 : memref<1x80x128xf32, #tpu.memory_space<vmem>> -> memref<80x128xf32, #tpu.memory_space<vmem>>
      tpu.wait_dma2 semaphore(%run_scoped3A_234 : memref<!tpu.dma_semaphore, #tpu.memory_space<semaphore_mem>>) src(%dma_wait3A_257 : memref<80x128xf32, #tpu.memory_space<vmem>>) dst(%dma_wait3A_253 : memref<80x128xf32, #tpu.memory_space<vmem_shared>>)
      tpu.yield
    }) : () -> ()
    %mul3A_88 = arith.constant 640 : i32
    %mul3A_89 = arith.muli %arg1, %mul3A_88 : i32
    %add3A_90 = arith.constant 240 : i32
    %add3A_91 = arith.addi %mul3A_89, %add3A_90 : i32
    %run_scoped3A_92 = arith.constant 0 : i32
    "tpu.region"() ({
      %run_scoped3A_234 = tpu.sem_alloc : memref<!tpu.dma_semaphore, #tpu.memory_space<semaphore_mem>>
      %dma_start3A = arith.constant 0 : i32
      %dma_start3A_235 = arith.constant 0 : i32
      %dma_start3A_236 = tpu.memref_slice %arg11[%run_scoped3A_92, %dma_start3A, %dma_start3A_235] : memref<2x80x128xf32, #tpu.memory_space<vmem>> -> memref<1x80x128xf32, #tpu.memory_space<vmem>>
      %dma_start3A_237 = tpu.memref_squeeze %dma_start3A_236 : memref<1x80x128xf32, #tpu.memory_space<vmem>> -> memref<80x128xf32, #tpu.memory_space<vmem>>
      %dma_start3A_238 = arith.constant 0 : i32
      %dma_start3A_239 = tpu.memref_slice %arg8[%add3A_91, %dma_start3A_238] : memref<10240x128xf32, #tpu.memory_space<vmem_shared>> -> memref<80x128xf32, #tpu.memory_space<vmem_shared>>
      %dma_start3A_240 = arith.constant 0 : i32
      %dma_start3A_241 = tpu.memref_slice %arg8[%add3A_91, %dma_start3A_240] : memref<10240x128xf32, #tpu.memory_space<vmem_shared>> -> memref<80x128xf32, #tpu.memory_space<vmem_shared>>
      %dma_start3A_242 = arith.constant 0 : i32
      %dma_start3A_243 = arith.constant 0 : i32
      %dma_start3A_244 = tpu.memref_slice %arg11[%run_scoped3A_92, %dma_start3A_242, %dma_start3A_243] : memref<2x80x128xf32, #tpu.memory_space<vmem>> -> memref<1x80x128xf32, #tpu.memory_space<vmem>>
      %dma_start3A_245 = tpu.memref_squeeze %dma_start3A_244 : memref<1x80x128xf32, #tpu.memory_space<vmem>> -> memref<80x128xf32, #tpu.memory_space<vmem>>
      tpu.enqueue_dma source(%dma_start3A_245 : memref<80x128xf32, #tpu.memory_space<vmem>>) target(%dma_start3A_241 : memref<80x128xf32, #tpu.memory_space<vmem_shared>>) target_semaphore(%run_scoped3A_234 : memref<!tpu.dma_semaphore, #tpu.memory_space<semaphore_mem>>)
      %dma_wait3A_246 = arith.constant 0 : i32
      %dma_wait3A_247 = arith.constant 0 : i32
      %dma_wait3A_248 = tpu.memref_slice %arg11[%run_scoped3A_92, %dma_wait3A_246, %dma_wait3A_247] : memref<2x80x128xf32, #tpu.memory_space<vmem>> -> memref<1x80x128xf32, #tpu.memory_space<vmem>>
      %dma_wait3A_249 = tpu.memref_squeeze %dma_wait3A_248 : memref<1x80x128xf32, #tpu.memory_space<vmem>> -> memref<80x128xf32, #tpu.memory_space<vmem>>
      %dma_wait3A_250 = arith.constant 0 : i32
      %dma_wait3A_251 = tpu.memref_slice %arg8[%add3A_91, %dma_wait3A_250] : memref<10240x128xf32, #tpu.memory_space<vmem_shared>> -> memref<80x128xf32, #tpu.memory_space<vmem_shared>>
      %dma_wait3A_252 = arith.constant 0 : i32
      %dma_wait3A_253 = tpu.memref_slice %arg8[%add3A_91, %dma_wait3A_252] : memref<10240x128xf32, #tpu.memory_space<vmem_shared>> -> memref<80x128xf32, #tpu.memory_space<vmem_shared>>
      %dma_wait3A_254 = arith.constant 0 : i32
      %dma_wait3A_255 = arith.constant 0 : i32
      %dma_wait3A_256 = tpu.memref_slice %arg11[%run_scoped3A_92, %dma_wait3A_254, %dma_wait3A_255] : memref<2x80x128xf32, #tpu.memory_space<vmem>> -> memref<1x80x128xf32, #tpu.memory_space<vmem>>
      %dma_wait3A_257 = tpu.memref_squeeze %dma_wait3A_256 : memref<1x80x128xf32, #tpu.memory_space<vmem>> -> memref<80x128xf32, #tpu.memory_space<vmem>>
      tpu.wait_dma2 semaphore(%run_scoped3A_234 : memref<!tpu.dma_semaphore, #tpu.memory_space<semaphore_mem>>) src(%dma_wait3A_257 : memref<80x128xf32, #tpu.memory_space<vmem>>) dst(%dma_wait3A_253 : memref<80x128xf32, #tpu.memory_space<vmem_shared>>)
      tpu.yield
    }) : () -> ()
    %mul3A_93 = arith.constant 640 : i32
    %mul3A_94 = arith.muli %arg1, %mul3A_93 : i32
    %add3A_95 = arith.constant 320 : i32
    %add3A_96 = arith.addi %mul3A_94, %add3A_95 : i32
    %run_scoped3A_97 = arith.constant 0 : i32
    "tpu.region"() ({
      %run_scoped3A_234 = tpu.sem_alloc : memref<!tpu.dma_semaphore, #tpu.memory_space<semaphore_mem>>
      %dma_start3A = arith.constant 0 : i32
      %dma_start3A_235 = arith.constant 0 : i32
      %dma_start3A_236 = tpu.memref_slice %arg11[%run_scoped3A_97, %dma_start3A, %dma_start3A_235] : memref<2x80x128xf32, #tpu.memory_space<vmem>> -> memref<1x80x128xf32, #tpu.memory_space<vmem>>
      %dma_start3A_237 = tpu.memref_squeeze %dma_start3A_236 : memref<1x80x128xf32, #tpu.memory_space<vmem>> -> memref<80x128xf32, #tpu.memory_space<vmem>>
      %dma_start3A_238 = arith.constant 0 : i32
      %dma_start3A_239 = tpu.memref_slice %arg8[%add3A_96, %dma_start3A_238] : memref<10240x128xf32, #tpu.memory_space<vmem_shared>> -> memref<80x128xf32, #tpu.memory_space<vmem_shared>>
      %dma_start3A_240 = arith.constant 0 : i32
      %dma_start3A_241 = tpu.memref_slice %arg8[%add3A_96, %dma_start3A_240] : memref<10240x128xf32, #tpu.memory_space<vmem_shared>> -> memref<80x128xf32, #tpu.memory_space<vmem_shared>>
      %dma_start3A_242 = arith.constant 0 : i32
      %dma_start3A_243 = arith.constant 0 : i32
      %dma_start3A_244 = tpu.memref_slice %arg11[%run_scoped3A_97, %dma_start3A_242, %dma_start3A_243] : memref<2x80x128xf32, #tpu.memory_space<vmem>> -> memref<1x80x128xf32, #tpu.memory_space<vmem>>
      %dma_start3A_245 = tpu.memref_squeeze %dma_start3A_244 : memref<1x80x128xf32, #tpu.memory_space<vmem>> -> memref<80x128xf32, #tpu.memory_space<vmem>>
      tpu.enqueue_dma source(%dma_start3A_245 : memref<80x128xf32, #tpu.memory_space<vmem>>) target(%dma_start3A_241 : memref<80x128xf32, #tpu.memory_space<vmem_shared>>) target_semaphore(%run_scoped3A_234 : memref<!tpu.dma_semaphore, #tpu.memory_space<semaphore_mem>>)
      %dma_wait3A_246 = arith.constant 0 : i32
      %dma_wait3A_247 = arith.constant 0 : i32
      %dma_wait3A_248 = tpu.memref_slice %arg11[%run_scoped3A_97, %dma_wait3A_246, %dma_wait3A_247] : memref<2x80x128xf32, #tpu.memory_space<vmem>> -> memref<1x80x128xf32, #tpu.memory_space<vmem>>
      %dma_wait3A_249 = tpu.memref_squeeze %dma_wait3A_248 : memref<1x80x128xf32, #tpu.memory_space<vmem>> -> memref<80x128xf32, #tpu.memory_space<vmem>>
      %dma_wait3A_250 = arith.constant 0 : i32
      %dma_wait3A_251 = tpu.memref_slice %arg8[%add3A_96, %dma_wait3A_250] : memref<10240x128xf32, #tpu.memory_space<vmem_shared>> -> memref<80x128xf32, #tpu.memory_space<vmem_shared>>
      %dma_wait3A_252 = arith.constant 0 : i32
      %dma_wait3A_253 = tpu.memref_slice %arg8[%add3A_96, %dma_wait3A_252] : memref<10240x128xf32, #tpu.memory_space<vmem_shared>> -> memref<80x128xf32, #tpu.memory_space<vmem_shared>>
      %dma_wait3A_254 = arith.constant 0 : i32
      %dma_wait3A_255 = arith.constant 0 : i32
      %dma_wait3A_256 = tpu.memref_slice %arg11[%run_scoped3A_97, %dma_wait3A_254, %dma_wait3A_255] : memref<2x80x128xf32, #tpu.memory_space<vmem>> -> memref<1x80x128xf32, #tpu.memory_space<vmem>>
      %dma_wait3A_257 = tpu.memref_squeeze %dma_wait3A_256 : memref<1x80x128xf32, #tpu.memory_space<vmem>> -> memref<80x128xf32, #tpu.memory_space<vmem>>
      tpu.wait_dma2 semaphore(%run_scoped3A_234 : memref<!tpu.dma_semaphore, #tpu.memory_space<semaphore_mem>>) src(%dma_wait3A_257 : memref<80x128xf32, #tpu.memory_space<vmem>>) dst(%dma_wait3A_253 : memref<80x128xf32, #tpu.memory_space<vmem_shared>>)
      tpu.yield
    }) : () -> ()
    %mul3A_98 = arith.constant 640 : i32
    %mul3A_99 = arith.muli %arg1, %mul3A_98 : i32
    %add3A_100 = arith.constant 400 : i32
    %add3A_101 = arith.addi %mul3A_99, %add3A_100 : i32
    %run_scoped3A_102 = arith.constant 0 : i32
    "tpu.region"() ({
      %run_scoped3A_234 = tpu.sem_alloc : memref<!tpu.dma_semaphore, #tpu.memory_space<semaphore_mem>>
      %dma_start3A = arith.constant 0 : i32
      %dma_start3A_235 = arith.constant 0 : i32
      %dma_start3A_236 = tpu.memref_slice %arg11[%run_scoped3A_102, %dma_start3A, %dma_start3A_235] : memref<2x80x128xf32, #tpu.memory_space<vmem>> -> memref<1x80x128xf32, #tpu.memory_space<vmem>>
      %dma_start3A_237 = tpu.memref_squeeze %dma_start3A_236 : memref<1x80x128xf32, #tpu.memory_space<vmem>> -> memref<80x128xf32, #tpu.memory_space<vmem>>
      %dma_start3A_238 = arith.constant 0 : i32
      %dma_start3A_239 = tpu.memref_slice %arg8[%add3A_101, %dma_start3A_238] : memref<10240x128xf32, #tpu.memory_space<vmem_shared>> -> memref<80x128xf32, #tpu.memory_space<vmem_shared>>
      %dma_start3A_240 = arith.constant 0 : i32
      %dma_start3A_241 = tpu.memref_slice %arg8[%add3A_101, %dma_start3A_240] : memref<10240x128xf32, #tpu.memory_space<vmem_shared>> -> memref<80x128xf32, #tpu.memory_space<vmem_shared>>
      %dma_start3A_242 = arith.constant 0 : i32
      %dma_start3A_243 = arith.constant 0 : i32
      %dma_start3A_244 = tpu.memref_slice %arg11[%run_scoped3A_102, %dma_start3A_242, %dma_start3A_243] : memref<2x80x128xf32, #tpu.memory_space<vmem>> -> memref<1x80x128xf32, #tpu.memory_space<vmem>>
      %dma_start3A_245 = tpu.memref_squeeze %dma_start3A_244 : memref<1x80x128xf32, #tpu.memory_space<vmem>> -> memref<80x128xf32, #tpu.memory_space<vmem>>
      tpu.enqueue_dma source(%dma_start3A_245 : memref<80x128xf32, #tpu.memory_space<vmem>>) target(%dma_start3A_241 : memref<80x128xf32, #tpu.memory_space<vmem_shared>>) target_semaphore(%run_scoped3A_234 : memref<!tpu.dma_semaphore, #tpu.memory_space<semaphore_mem>>)
      %dma_wait3A_246 = arith.constant 0 : i32
      %dma_wait3A_247 = arith.constant 0 : i32
      %dma_wait3A_248 = tpu.memref_slice %arg11[%run_scoped3A_102, %dma_wait3A_246, %dma_wait3A_247] : memref<2x80x128xf32, #tpu.memory_space<vmem>> -> memref<1x80x128xf32, #tpu.memory_space<vmem>>
      %dma_wait3A_249 = tpu.memref_squeeze %dma_wait3A_248 : memref<1x80x128xf32, #tpu.memory_space<vmem>> -> memref<80x128xf32, #tpu.memory_space<vmem>>
      %dma_wait3A_250 = arith.constant 0 : i32
      %dma_wait3A_251 = tpu.memref_slice %arg8[%add3A_101, %dma_wait3A_250] : memref<10240x128xf32, #tpu.memory_space<vmem_shared>> -> memref<80x128xf32, #tpu.memory_space<vmem_shared>>
      %dma_wait3A_252 = arith.constant 0 : i32
      %dma_wait3A_253 = tpu.memref_slice %arg8[%add3A_101, %dma_wait3A_252] : memref<10240x128xf32, #tpu.memory_space<vmem_shared>> -> memref<80x128xf32, #tpu.memory_space<vmem_shared>>
      %dma_wait3A_254 = arith.constant 0 : i32
      %dma_wait3A_255 = arith.constant 0 : i32
      %dma_wait3A_256 = tpu.memref_slice %arg11[%run_scoped3A_102, %dma_wait3A_254, %dma_wait3A_255] : memref<2x80x128xf32, #tpu.memory_space<vmem>> -> memref<1x80x128xf32, #tpu.memory_space<vmem>>
      %dma_wait3A_257 = tpu.memref_squeeze %dma_wait3A_256 : memref<1x80x128xf32, #tpu.memory_space<vmem>> -> memref<80x128xf32, #tpu.memory_space<vmem>>
      tpu.wait_dma2 semaphore(%run_scoped3A_234 : memref<!tpu.dma_semaphore, #tpu.memory_space<semaphore_mem>>) src(%dma_wait3A_257 : memref<80x128xf32, #tpu.memory_space<vmem>>) dst(%dma_wait3A_253 : memref<80x128xf32, #tpu.memory_space<vmem_shared>>)
      tpu.yield
    }) : () -> ()
    %mul3A_103 = arith.constant 640 : i32
    %mul3A_104 = arith.muli %arg1, %mul3A_103 : i32
    %add3A_105 = arith.constant 480 : i32
    %add3A_106 = arith.addi %mul3A_104, %add3A_105 : i32
    %run_scoped3A_107 = arith.constant 0 : i32
    "tpu.region"() ({
      %run_scoped3A_234 = tpu.sem_alloc : memref<!tpu.dma_semaphore, #tpu.memory_space<semaphore_mem>>
      %dma_start3A = arith.constant 0 : i32
      %dma_start3A_235 = arith.constant 0 : i32
      %dma_start3A_236 = tpu.memref_slice %arg11[%run_scoped3A_107, %dma_start3A, %dma_start3A_235] : memref<2x80x128xf32, #tpu.memory_space<vmem>> -> memref<1x80x128xf32, #tpu.memory_space<vmem>>
      %dma_start3A_237 = tpu.memref_squeeze %dma_start3A_236 : memref<1x80x128xf32, #tpu.memory_space<vmem>> -> memref<80x128xf32, #tpu.memory_space<vmem>>
      %dma_start3A_238 = arith.constant 0 : i32
      %dma_start3A_239 = tpu.memref_slice %arg8[%add3A_106, %dma_start3A_238] : memref<10240x128xf32, #tpu.memory_space<vmem_shared>> -> memref<80x128xf32, #tpu.memory_space<vmem_shared>>
      %dma_start3A_240 = arith.constant 0 : i32
      %dma_start3A_241 = tpu.memref_slice %arg8[%add3A_106, %dma_start3A_240] : memref<10240x128xf32, #tpu.memory_space<vmem_shared>> -> memref<80x128xf32, #tpu.memory_space<vmem_shared>>
      %dma_start3A_242 = arith.constant 0 : i32
      %dma_start3A_243 = arith.constant 0 : i32
      %dma_start3A_244 = tpu.memref_slice %arg11[%run_scoped3A_107, %dma_start3A_242, %dma_start3A_243] : memref<2x80x128xf32, #tpu.memory_space<vmem>> -> memref<1x80x128xf32, #tpu.memory_space<vmem>>
      %dma_start3A_245 = tpu.memref_squeeze %dma_start3A_244 : memref<1x80x128xf32, #tpu.memory_space<vmem>> -> memref<80x128xf32, #tpu.memory_space<vmem>>
      tpu.enqueue_dma source(%dma_start3A_245 : memref<80x128xf32, #tpu.memory_space<vmem>>) target(%dma_start3A_241 : memref<80x128xf32, #tpu.memory_space<vmem_shared>>) target_semaphore(%run_scoped3A_234 : memref<!tpu.dma_semaphore, #tpu.memory_space<semaphore_mem>>)
      %dma_wait3A_246 = arith.constant 0 : i32
      %dma_wait3A_247 = arith.constant 0 : i32
      %dma_wait3A_248 = tpu.memref_slice %arg11[%run_scoped3A_107, %dma_wait3A_246, %dma_wait3A_247] : memref<2x80x128xf32, #tpu.memory_space<vmem>> -> memref<1x80x128xf32, #tpu.memory_space<vmem>>
      %dma_wait3A_249 = tpu.memref_squeeze %dma_wait3A_248 : memref<1x80x128xf32, #tpu.memory_space<vmem>> -> memref<80x128xf32, #tpu.memory_space<vmem>>
      %dma_wait3A_250 = arith.constant 0 : i32
      %dma_wait3A_251 = tpu.memref_slice %arg8[%add3A_106, %dma_wait3A_250] : memref<10240x128xf32, #tpu.memory_space<vmem_shared>> -> memref<80x128xf32, #tpu.memory_space<vmem_shared>>
      %dma_wait3A_252 = arith.constant 0 : i32
      %dma_wait3A_253 = tpu.memref_slice %arg8[%add3A_106, %dma_wait3A_252] : memref<10240x128xf32, #tpu.memory_space<vmem_shared>> -> memref<80x128xf32, #tpu.memory_space<vmem_shared>>
      %dma_wait3A_254 = arith.constant 0 : i32
      %dma_wait3A_255 = arith.constant 0 : i32
      %dma_wait3A_256 = tpu.memref_slice %arg11[%run_scoped3A_107, %dma_wait3A_254, %dma_wait3A_255] : memref<2x80x128xf32, #tpu.memory_space<vmem>> -> memref<1x80x128xf32, #tpu.memory_space<vmem>>
      %dma_wait3A_257 = tpu.memref_squeeze %dma_wait3A_256 : memref<1x80x128xf32, #tpu.memory_space<vmem>> -> memref<80x128xf32, #tpu.memory_space<vmem>>
      tpu.wait_dma2 semaphore(%run_scoped3A_234 : memref<!tpu.dma_semaphore, #tpu.memory_space<semaphore_mem>>) src(%dma_wait3A_257 : memref<80x128xf32, #tpu.memory_space<vmem>>) dst(%dma_wait3A_253 : memref<80x128xf32, #tpu.memory_space<vmem_shared>>)
      tpu.yield
    }) : () -> ()
    %mul3A_108 = arith.constant 640 : i32
    %mul3A_109 = arith.muli %arg1, %mul3A_108 : i32
    %add3A_110 = arith.constant 560 : i32
    %add3A_111 = arith.addi %mul3A_109, %add3A_110 : i32
    %run_scoped3A_112 = arith.constant 0 : i32
    "tpu.region"() ({
      %run_scoped3A_234 = tpu.sem_alloc : memref<!tpu.dma_semaphore, #tpu.memory_space<semaphore_mem>>
      %dma_start3A = arith.constant 0 : i32
      %dma_start3A_235 = arith.constant 0 : i32
      %dma_start3A_236 = tpu.memref_slice %arg11[%run_scoped3A_112, %dma_start3A, %dma_start3A_235] : memref<2x80x128xf32, #tpu.memory_space<vmem>> -> memref<1x80x128xf32, #tpu.memory_space<vmem>>
      %dma_start3A_237 = tpu.memref_squeeze %dma_start3A_236 : memref<1x80x128xf32, #tpu.memory_space<vmem>> -> memref<80x128xf32, #tpu.memory_space<vmem>>
      %dma_start3A_238 = arith.constant 0 : i32
      %dma_start3A_239 = tpu.memref_slice %arg8[%add3A_111, %dma_start3A_238] : memref<10240x128xf32, #tpu.memory_space<vmem_shared>> -> memref<80x128xf32, #tpu.memory_space<vmem_shared>>
      %dma_start3A_240 = arith.constant 0 : i32
      %dma_start3A_241 = tpu.memref_slice %arg8[%add3A_111, %dma_start3A_240] : memref<10240x128xf32, #tpu.memory_space<vmem_shared>> -> memref<80x128xf32, #tpu.memory_space<vmem_shared>>
      %dma_start3A_242 = arith.constant 0 : i32
      %dma_start3A_243 = arith.constant 0 : i32
      %dma_start3A_244 = tpu.memref_slice %arg11[%run_scoped3A_112, %dma_start3A_242, %dma_start3A_243] : memref<2x80x128xf32, #tpu.memory_space<vmem>> -> memref<1x80x128xf32, #tpu.memory_space<vmem>>
      %dma_start3A_245 = tpu.memref_squeeze %dma_start3A_244 : memref<1x80x128xf32, #tpu.memory_space<vmem>> -> memref<80x128xf32, #tpu.memory_space<vmem>>
      tpu.enqueue_dma source(%dma_start3A_245 : memref<80x128xf32, #tpu.memory_space<vmem>>) target(%dma_start3A_241 : memref<80x128xf32, #tpu.memory_space<vmem_shared>>) target_semaphore(%run_scoped3A_234 : memref<!tpu.dma_semaphore, #tpu.memory_space<semaphore_mem>>)
      %dma_wait3A_246 = arith.constant 0 : i32
      %dma_wait3A_247 = arith.constant 0 : i32
      %dma_wait3A_248 = tpu.memref_slice %arg11[%run_scoped3A_112, %dma_wait3A_246, %dma_wait3A_247] : memref<2x80x128xf32, #tpu.memory_space<vmem>> -> memref<1x80x128xf32, #tpu.memory_space<vmem>>
      %dma_wait3A_249 = tpu.memref_squeeze %dma_wait3A_248 : memref<1x80x128xf32, #tpu.memory_space<vmem>> -> memref<80x128xf32, #tpu.memory_space<vmem>>
      %dma_wait3A_250 = arith.constant 0 : i32
      %dma_wait3A_251 = tpu.memref_slice %arg8[%add3A_111, %dma_wait3A_250] : memref<10240x128xf32, #tpu.memory_space<vmem_shared>> -> memref<80x128xf32, #tpu.memory_space<vmem_shared>>
      %dma_wait3A_252 = arith.constant 0 : i32
      %dma_wait3A_253 = tpu.memref_slice %arg8[%add3A_111, %dma_wait3A_252] : memref<10240x128xf32, #tpu.memory_space<vmem_shared>> -> memref<80x128xf32, #tpu.memory_space<vmem_shared>>
      %dma_wait3A_254 = arith.constant 0 : i32
      %dma_wait3A_255 = arith.constant 0 : i32
      %dma_wait3A_256 = tpu.memref_slice %arg11[%run_scoped3A_112, %dma_wait3A_254, %dma_wait3A_255] : memref<2x80x128xf32, #tpu.memory_space<vmem>> -> memref<1x80x128xf32, #tpu.memory_space<vmem>>
      %dma_wait3A_257 = tpu.memref_squeeze %dma_wait3A_256 : memref<1x80x128xf32, #tpu.memory_space<vmem>> -> memref<80x128xf32, #tpu.memory_space<vmem>>
      tpu.wait_dma2 semaphore(%run_scoped3A_234 : memref<!tpu.dma_semaphore, #tpu.memory_space<semaphore_mem>>) src(%dma_wait3A_257 : memref<80x128xf32, #tpu.memory_space<vmem>>) dst(%dma_wait3A_253 : memref<80x128xf32, #tpu.memory_space<vmem_shared>>)
      tpu.yield
    }) : () -> ()
    %add3A_113 = arith.constant 16 : i32
    %add3A_114 = arith.addi %add3A_113, %arg1 : i32
    %mul3A_115 = arith.constant 10000 : i32
    %mul3A_116 = arith.muli %add3A_114, %mul3A_115 : i32
    "tpu.region"() ({
      %run_scoped3A_234 = tpu.sem_alloc : memref<!tpu.dma_semaphore, #tpu.memory_space<semaphore_mem>>
      %dma_start3A = tpu.memref_slice %arg4[%mul3A_116] : memref<480000xi32, #tpu.memory_space<hbm>> -> memref<10000xi32, #tpu.memory_space<hbm>>
      %dma_start3A_235 = tpu.memref_slice %arg4[%mul3A_116] : memref<480000xi32, #tpu.memory_space<hbm>> -> memref<10000xi32, #tpu.memory_space<hbm>>
      tpu.enqueue_dma source(%dma_start3A_235 : memref<10000xi32, #tpu.memory_space<hbm>>) target(%arg9 : memref<10000xi32, #tpu.memory_space<vmem>>) target_semaphore(%run_scoped3A_234 : memref<!tpu.dma_semaphore, #tpu.memory_space<semaphore_mem>>)
      %dma_wait3A_236 = tpu.memref_slice %arg4[%mul3A_116] : memref<480000xi32, #tpu.memory_space<hbm>> -> memref<10000xi32, #tpu.memory_space<hbm>>
      %dma_wait3A_237 = tpu.memref_slice %arg4[%mul3A_116] : memref<480000xi32, #tpu.memory_space<hbm>> -> memref<10000xi32, #tpu.memory_space<hbm>>
      tpu.wait_dma2 semaphore(%run_scoped3A_234 : memref<!tpu.dma_semaphore, #tpu.memory_space<semaphore_mem>>) src(%dma_wait3A_237 : memref<10000xi32, #tpu.memory_space<hbm>>) dst(%arg9 : memref<10000xi32, #tpu.memory_space<vmem>>)
      tpu.yield
    }) : () -> ()
    %run_scoped3A_117 = arith.constant 1 : i32
    "tpu.region"() ({
      %run_scoped3A_234 = tpu.sem_alloc : memref<!tpu.dma_semaphore, #tpu.memory_space<semaphore_mem>>
      %dma_start3A = arith.constant 0 : i32
      %dma_start3A_235 = arith.constant 0 : i32
      %dma_start3A_236 = tpu.memref_slice %arg5[%run_scoped3A_117, %arg1, %dma_start3A, %dma_start3A_235] : memref<3x16x125x80xi32, #tpu.memory_space<hbm>> -> memref<1x1x125x80xi32, #tpu.memory_space<hbm>>
      %dma_start3A_237 = tpu.memref_squeeze %dma_start3A_236 : memref<1x1x125x80xi32, #tpu.memory_space<hbm>> -> memref<125x80xi32, #tpu.memory_space<hbm>>
      %dma_start3A_238 = arith.constant 0 : i32
      %dma_start3A_239 = arith.constant 0 : i32
      %dma_start3A_240 = tpu.memref_slice %arg5[%run_scoped3A_117, %arg1, %dma_start3A_238, %dma_start3A_239] : memref<3x16x125x80xi32, #tpu.memory_space<hbm>> -> memref<1x1x125x80xi32, #tpu.memory_space<hbm>>
      %dma_start3A_241 = tpu.memref_squeeze %dma_start3A_240 : memref<1x1x125x80xi32, #tpu.memory_space<hbm>> -> memref<125x80xi32, #tpu.memory_space<hbm>>
      tpu.enqueue_dma source(%dma_start3A_241 : memref<125x80xi32, #tpu.memory_space<hbm>>) target(%arg10 : memref<125x80xi32, #tpu.memory_space<vmem>>) target_semaphore(%run_scoped3A_234 : memref<!tpu.dma_semaphore, #tpu.memory_space<semaphore_mem>>)
      %dma_wait3A_242 = arith.constant 0 : i32
      %dma_wait3A_243 = arith.constant 0 : i32
      %dma_wait3A_244 = tpu.memref_slice %arg5[%run_scoped3A_117, %arg1, %dma_wait3A_242, %dma_wait3A_243] : memref<3x16x125x80xi32, #tpu.memory_space<hbm>> -> memref<1x1x125x80xi32, #tpu.memory_space<hbm>>
      %dma_wait3A_245 = tpu.memref_squeeze %dma_wait3A_244 : memref<1x1x125x80xi32, #tpu.memory_space<hbm>> -> memref<125x80xi32, #tpu.memory_space<hbm>>
      %dma_wait3A_246 = arith.constant 0 : i32
      %dma_wait3A_247 = arith.constant 0 : i32
      %dma_wait3A_248 = tpu.memref_slice %arg5[%run_scoped3A_117, %arg1, %dma_wait3A_246, %dma_wait3A_247] : memref<3x16x125x80xi32, #tpu.memory_space<hbm>> -> memref<1x1x125x80xi32, #tpu.memory_space<hbm>>
      %dma_wait3A_249 = tpu.memref_squeeze %dma_wait3A_248 : memref<1x1x125x80xi32, #tpu.memory_space<hbm>> -> memref<125x80xi32, #tpu.memory_space<hbm>>
      tpu.wait_dma2 semaphore(%run_scoped3A_234 : memref<!tpu.dma_semaphore, #tpu.memory_space<semaphore_mem>>) src(%dma_wait3A_249 : memref<125x80xi32, #tpu.memory_space<hbm>>) dst(%arg10 : memref<125x80xi32, #tpu.memory_space<vmem>>)
      tpu.yield
    }) : () -> ()
    %eq3A_118 = arith.constant 0 : i32
    %eq3A_119 = arith.cmpi eq, %arg0, %eq3A_118 : i32
    %convert_element_type3A_120 = arith.extui %eq3A_119 : i1 to i32
    %cond3A_121 = arith.constant 0 : i32
    %cond3A_122 = arith.cmpi ne, %convert_element_type3A_120, %cond3A_121 : i32
    scf.if %cond3A_122 {
      %dma_start3A = arith.constant 0 : i32
      %dma_start3A_234 = arith.constant 0 : i32
      %dma_start3A_235 = arith.constant 0 : i32
      %dma_start3A_236 = tpu.memref_slice %arg11[%dma_start3A, %dma_start3A_234, %dma_start3A_235] : memref<2x80x128xf32, #tpu.memory_space<vmem>> -> memref<1x80x128xf32, #tpu.memory_space<vmem>>
      %dma_start3A_237 = tpu.memref_squeeze %dma_start3A_236 : memref<1x80x128xf32, #tpu.memory_space<vmem>> -> memref<80x128xf32, #tpu.memory_space<vmem>>
      %dma_start3A_238 = arith.constant 0 : i32
      %dma_start3A_239 = tpu.memref_slice %arg9[%dma_start3A_238] : memref<10000xi32, #tpu.memory_space<vmem>> -> memref<80xi32, #tpu.memory_space<vmem>>
      %dma_start3A_240 = arith.constant 0 : i32
      %dma_start3A_241 = arith.constant 0 : i32
      %dma_start3A_242 = tpu.memref_slice %arg2[%dma_start3A_240, %dma_start3A_241] : memref<30000x128xf32, #tpu.memory_space<hbm>> -> memref<30000x128xf32, #tpu.memory_space<hbm>>
      tpu.enqueue_indirect_dma source(%dma_start3A_242 : memref<30000x128xf32, #tpu.memory_space<hbm>>) target(%dma_start3A_237 : memref<80x128xf32, #tpu.memory_space<vmem>>) offsets(%dma_start3A_239 : memref<80xi32, #tpu.memory_space<vmem>>) semaphore(%arg12 : memref<!tpu.dma_semaphore, #tpu.memory_space<semaphore_mem>>)
    } else {
    }
    %eq3A_123 = arith.constant 1 : i32
    %eq3A_124 = arith.cmpi eq, %arg0, %eq3A_123 : i32
    %convert_element_type3A_125 = arith.extui %eq3A_124 : i1 to i32
    %cond3A_126 = arith.constant 0 : i32
    %cond3A_127 = arith.cmpi ne, %convert_element_type3A_125, %cond3A_126 : i32
    scf.if %cond3A_127 {
      %dma_start3A = arith.constant 0 : i32
      %dma_start3A_234 = arith.constant 0 : i32
      %dma_start3A_235 = arith.constant 0 : i32
      %dma_start3A_236 = tpu.memref_slice %arg11[%dma_start3A, %dma_start3A_234, %dma_start3A_235] : memref<2x80x128xf32, #tpu.memory_space<vmem>> -> memref<1x80x128xf32, #tpu.memory_space<vmem>>
      %dma_start3A_237 = tpu.memref_squeeze %dma_start3A_236 : memref<1x80x128xf32, #tpu.memory_space<vmem>> -> memref<80x128xf32, #tpu.memory_space<vmem>>
      %dma_start3A_238 = arith.constant 0 : i32
      %dma_start3A_239 = tpu.memref_slice %arg9[%dma_start3A_238] : memref<10000xi32, #tpu.memory_space<vmem>> -> memref<80xi32, #tpu.memory_space<vmem>>
      %dma_start3A_240 = arith.constant 0 : i32
      %dma_start3A_241 = arith.constant 0 : i32
      %dma_start3A_242 = tpu.memref_slice %arg3[%dma_start3A_240, %dma_start3A_241] : memref<30000x128xf32, #tpu.memory_space<hbm>> -> memref<30000x128xf32, #tpu.memory_space<hbm>>
      tpu.enqueue_indirect_dma source(%dma_start3A_242 : memref<30000x128xf32, #tpu.memory_space<hbm>>) target(%dma_start3A_237 : memref<80x128xf32, #tpu.memory_space<vmem>>) offsets(%dma_start3A_239 : memref<80xi32, #tpu.memory_space<vmem>>) semaphore(%arg12 : memref<!tpu.dma_semaphore, #tpu.memory_space<semaphore_mem>>)
    } else {
    }
    %barrier3A_128 = arith.constant 0 : index
    tpu.barrier barrier_id(%barrier3A_128)
    %scan3A_129 = arith.constant 0 : i32
    %scan3A_130 = arith.constant 0 : i32
    %scan3A_131 = arith.constant 125 : i32
    %scan3A_132 = arith.addi %scan3A_130, %scan3A_131 : i32
    %scan3A_133 = arith.constant 1 : i32
    scf.for %scan3A_234 = %scan3A_130 to %scan3A_132 step %scan3A_133  : i32 {
      %rem3A = arith.constant 2 : i32
      %rem3A_235 = arith.remsi %scan3A_234, %rem3A : i32
      %add3A_236 = arith.constant 1 : i32
      %add3A_237 = arith.addi %scan3A_234, %add3A_236 : i32
      %rem3A_238 = arith.constant 2 : i32
      %rem3A_239 = arith.remsi %add3A_237, %rem3A_238 : i32
      %ge3A = arith.constant 1 : i32
      %ge3A_240 = arith.cmpi sge, %scan3A_234, %ge3A : i32
      %convert_element_type3A_241 = arith.extui %ge3A_240 : i1 to i32
      %cond3A_242 = arith.constant 0 : i32
      %cond3A_243 = arith.cmpi ne, %convert_element_type3A_241, %cond3A_242 : i32
      scf.if %cond3A_243 {
        %sub3A = arith.constant 1 : i32
        %sub3A_269 = arith.subi %scan3A_234, %sub3A : i32
        %dma_wait3A_270 = arith.constant 0 : i32
        %dma_wait3A_271 = arith.constant 0 : i32
        %dma_wait3A_272 = tpu.memref_slice %arg11[%rem3A_239, %dma_wait3A_270, %dma_wait3A_271] : memref<2x80x128xf32, #tpu.memory_space<vmem>> -> memref<1x80x128xf32, #tpu.memory_space<vmem>>
        %dma_wait3A_273 = tpu.memref_squeeze %dma_wait3A_272 : memref<1x80x128xf32, #tpu.memory_space<vmem>> -> memref<80x128xf32, #tpu.memory_space<vmem>>
        %dma_wait3A_274 = arith.constant 0 : i32
        %dma_wait3A_275 = tpu.memref_slice %arg10[%sub3A_269, %dma_wait3A_274] : memref<125x80xi32, #tpu.memory_space<vmem>> -> memref<1x80xi32, #tpu.memory_space<vmem>>
        %dma_wait3A_276 = tpu.memref_squeeze %dma_wait3A_275 : memref<1x80xi32, #tpu.memory_space<vmem>> -> memref<80xi32, #tpu.memory_space<vmem>>
        %dma_wait3A_277 = arith.constant 0 : i32
        %dma_wait3A_278 = arith.constant 0 : i32
        %dma_wait3A_279 = tpu.memref_slice %arg8[%dma_wait3A_277, %dma_wait3A_278] : memref<10240x128xf32, #tpu.memory_space<vmem_shared>> -> memref<10240x128xf32, #tpu.memory_space<vmem_shared>>
        tpu.wait_indirect_dma semaphore(%arg13 : memref<!tpu.dma_semaphore, #tpu.memory_space<semaphore_mem>>) src(%dma_wait3A_273 : memref<80x128xf32, #tpu.memory_space<vmem>>) dst(%dma_wait3A_279 : memref<10240x128xf32, #tpu.memory_space<vmem_shared>>)
      } else {
      }
      %add3A_244 = arith.constant 1 : i32
      %add3A_245 = arith.addi %scan3A_234, %add3A_244 : i32
      %lt3A = arith.constant 125 : i32
      %lt3A_246 = arith.cmpi slt, %add3A_245, %lt3A : i32
      %convert_element_type3A_247 = arith.extui %lt3A_246 : i1 to i32
      %cond3A_248 = arith.constant 0 : i32
      %cond3A_249 = arith.cmpi ne, %convert_element_type3A_247, %cond3A_248 : i32
      scf.if %cond3A_249 {
        %add3A_269 = arith.constant 1 : i32
        %add3A_270 = arith.addi %scan3A_234, %add3A_269 : i32
        %mul3A_271 = arith.constant 80 : i32
        %mul3A_272 = arith.muli %add3A_270, %mul3A_271 : i32
        %eq3A_273 = arith.constant 0 : i32
        %eq3A_274 = arith.cmpi eq, %arg0, %eq3A_273 : i32
        %convert_element_type3A_275 = arith.extui %eq3A_274 : i1 to i32
        %cond3A_276 = arith.constant 0 : i32
        %cond3A_277 = arith.cmpi ne, %convert_element_type3A_275, %cond3A_276 : i32
        scf.if %cond3A_277 {
          %dma_start3A_283 = arith.constant 0 : i32
          %dma_start3A_284 = arith.constant 0 : i32
          %dma_start3A_285 = tpu.memref_slice %arg11[%rem3A_239, %dma_start3A_283, %dma_start3A_284] : memref<2x80x128xf32, #tpu.memory_space<vmem>> -> memref<1x80x128xf32, #tpu.memory_space<vmem>>
          %dma_start3A_286 = tpu.memref_squeeze %dma_start3A_285 : memref<1x80x128xf32, #tpu.memory_space<vmem>> -> memref<80x128xf32, #tpu.memory_space<vmem>>
          %dma_start3A_287 = tpu.memref_slice %arg9[%mul3A_272] : memref<10000xi32, #tpu.memory_space<vmem>> -> memref<80xi32, #tpu.memory_space<vmem>>
          %dma_start3A_288 = arith.constant 0 : i32
          %dma_start3A_289 = arith.constant 0 : i32
          %dma_start3A_290 = tpu.memref_slice %arg2[%dma_start3A_288, %dma_start3A_289] : memref<30000x128xf32, #tpu.memory_space<hbm>> -> memref<30000x128xf32, #tpu.memory_space<hbm>>
          tpu.enqueue_indirect_dma source(%dma_start3A_290 : memref<30000x128xf32, #tpu.memory_space<hbm>>) target(%dma_start3A_286 : memref<80x128xf32, #tpu.memory_space<vmem>>) offsets(%dma_start3A_287 : memref<80xi32, #tpu.memory_space<vmem>>) semaphore(%arg12 : memref<!tpu.dma_semaphore, #tpu.memory_space<semaphore_mem>>)
        } else {
        }
        %eq3A_278 = arith.constant 1 : i32
        %eq3A_279 = arith.cmpi eq, %arg0, %eq3A_278 : i32
        %convert_element_type3A_280 = arith.extui %eq3A_279 : i1 to i32
        %cond3A_281 = arith.constant 0 : i32
        %cond3A_282 = arith.cmpi ne, %convert_element_type3A_280, %cond3A_281 : i32
        scf.if %cond3A_282 {
          %dma_start3A_283 = arith.constant 0 : i32
          %dma_start3A_284 = arith.constant 0 : i32
          %dma_start3A_285 = tpu.memref_slice %arg11[%rem3A_239, %dma_start3A_283, %dma_start3A_284] : memref<2x80x128xf32, #tpu.memory_space<vmem>> -> memref<1x80x128xf32, #tpu.memory_space<vmem>>
          %dma_start3A_286 = tpu.memref_squeeze %dma_start3A_285 : memref<1x80x128xf32, #tpu.memory_space<vmem>> -> memref<80x128xf32, #tpu.memory_space<vmem>>
          %dma_start3A_287 = tpu.memref_slice %arg9[%mul3A_272] : memref<10000xi32, #tpu.memory_space<vmem>> -> memref<80xi32, #tpu.memory_space<vmem>>
          %dma_start3A_288 = arith.constant 0 : i32
          %dma_start3A_289 = arith.constant 0 : i32
          %dma_start3A_290 = tpu.memref_slice %arg3[%dma_start3A_288, %dma_start3A_289] : memref<30000x128xf32, #tpu.memory_space<hbm>> -> memref<30000x128xf32, #tpu.memory_space<hbm>>
          tpu.enqueue_indirect_dma source(%dma_start3A_290 : memref<30000x128xf32, #tpu.memory_space<hbm>>) target(%dma_start3A_286 : memref<80x128xf32, #tpu.memory_space<vmem>>) offsets(%dma_start3A_287 : memref<80xi32, #tpu.memory_space<vmem>>) semaphore(%arg12 : memref<!tpu.dma_semaphore, #tpu.memory_space<semaphore_mem>>)
        } else {
        }
      } else {
      }
      %mul3A_250 = arith.constant 80 : i32
      %mul3A_251 = arith.muli %scan3A_234, %mul3A_250 : i32
      %dma_wait3A_252 = arith.constant 0 : i32
      %dma_wait3A_253 = arith.constant 0 : i32
      %dma_wait3A_254 = tpu.memref_slice %arg11[%rem3A_235, %dma_wait3A_252, %dma_wait3A_253] : memref<2x80x128xf32, #tpu.memory_space<vmem>> -> memref<1x80x128xf32, #tpu.memory_space<vmem>>
      %dma_wait3A_255 = tpu.memref_squeeze %dma_wait3A_254 : memref<1x80x128xf32, #tpu.memory_space<vmem>> -> memref<80x128xf32, #tpu.memory_space<vmem>>
      %dma_wait3A_256 = tpu.memref_slice %arg9[%mul3A_251] : memref<10000xi32, #tpu.memory_space<vmem>> -> memref<80xi32, #tpu.memory_space<vmem>>
      %dma_wait3A_257 = arith.constant 0 : i32
      %dma_wait3A_258 = arith.constant 0 : i32
      %dma_wait3A_259 = tpu.memref_slice %arg2[%dma_wait3A_257, %dma_wait3A_258] : memref<30000x128xf32, #tpu.memory_space<hbm>> -> memref<30000x128xf32, #tpu.memory_space<hbm>>
      tpu.wait_indirect_dma semaphore(%arg12 : memref<!tpu.dma_semaphore, #tpu.memory_space<semaphore_mem>>) src(%dma_wait3A_259 : memref<30000x128xf32, #tpu.memory_space<hbm>>) dst(%dma_wait3A_255 : memref<80x128xf32, #tpu.memory_space<vmem>>)
      %dma_start3A = arith.constant 0 : i32
      %dma_start3A_260 = arith.constant 0 : i32
      %dma_start3A_261 = tpu.memref_slice %arg11[%rem3A_235, %dma_start3A, %dma_start3A_260] : memref<2x80x128xf32, #tpu.memory_space<vmem>> -> memref<1x80x128xf32, #tpu.memory_space<vmem>>
      %dma_start3A_262 = tpu.memref_squeeze %dma_start3A_261 : memref<1x80x128xf32, #tpu.memory_space<vmem>> -> memref<80x128xf32, #tpu.memory_space<vmem>>
      %dma_start3A_263 = arith.constant 0 : i32
      %dma_start3A_264 = tpu.memref_slice %arg10[%scan3A_234, %dma_start3A_263] : memref<125x80xi32, #tpu.memory_space<vmem>> -> memref<1x80xi32, #tpu.memory_space<vmem>>
      %dma_start3A_265 = tpu.memref_squeeze %dma_start3A_264 : memref<1x80xi32, #tpu.memory_space<vmem>> -> memref<80xi32, #tpu.memory_space<vmem>>
      %dma_start3A_266 = arith.constant 0 : i32
      %dma_start3A_267 = arith.constant 0 : i32
      %dma_start3A_268 = tpu.memref_slice %arg8[%dma_start3A_266, %dma_start3A_267] : memref<10240x128xf32, #tpu.memory_space<vmem_shared>> -> memref<10240x128xf32, #tpu.memory_space<vmem_shared>>
      tpu.enqueue_indirect_dma source(%dma_start3A_262 : memref<80x128xf32, #tpu.memory_space<vmem>>) target(%dma_start3A_268 : memref<10240x128xf32, #tpu.memory_space<vmem_shared>>) offsets(%dma_start3A_265 : memref<80xi32, #tpu.memory_space<vmem>>) semaphore(%arg13 : memref<!tpu.dma_semaphore, #tpu.memory_space<semaphore_mem>>) {add = true}
    }
    %scan3A_134 = arith.constant 125 : i32
    %dma_wait3A_135 = arith.constant 0 : i32
    %dma_wait3A_136 = arith.constant 124 : i32
    %dma_wait3A_137 = arith.constant 0 : i32
    %dma_wait3A_138 = arith.constant 0 : i32
    %dma_wait3A_139 = tpu.memref_slice %arg11[%dma_wait3A_135, %dma_wait3A_137, %dma_wait3A_138] : memref<2x80x128xf32, #tpu.memory_space<vmem>> -> memref<1x80x128xf32, #tpu.memory_space<vmem>>
    %dma_wait3A_140 = tpu.memref_squeeze %dma_wait3A_139 : memref<1x80x128xf32, #tpu.memory_space<vmem>> -> memref<80x128xf32, #tpu.memory_space<vmem>>
    %dma_wait3A_141 = arith.constant 0 : i32
    %dma_wait3A_142 = tpu.memref_slice %arg10[%dma_wait3A_136, %dma_wait3A_141] : memref<125x80xi32, #tpu.memory_space<vmem>> -> memref<1x80xi32, #tpu.memory_space<vmem>>
    %dma_wait3A_143 = tpu.memref_squeeze %dma_wait3A_142 : memref<1x80xi32, #tpu.memory_space<vmem>> -> memref<80xi32, #tpu.memory_space<vmem>>
    %dma_wait3A_144 = arith.constant 0 : i32
    %dma_wait3A_145 = arith.constant 0 : i32
    %dma_wait3A_146 = tpu.memref_slice %arg8[%dma_wait3A_144, %dma_wait3A_145] : memref<10240x128xf32, #tpu.memory_space<vmem_shared>> -> memref<10240x128xf32, #tpu.memory_space<vmem_shared>>
    tpu.wait_indirect_dma semaphore(%arg13 : memref<!tpu.dma_semaphore, #tpu.memory_space<semaphore_mem>>) src(%dma_wait3A_140 : memref<80x128xf32, #tpu.memory_space<vmem>>) dst(%dma_wait3A_146 : memref<10240x128xf32, #tpu.memory_space<vmem_shared>>)
    %barrier3A_147 = arith.constant 0 : index
    tpu.barrier barrier_id(%barrier3A_147)
    %mul3A_148 = arith.constant 640 : i32
    %mul3A_149 = arith.muli %arg1, %mul3A_148 : i32
    %mul3A_150 = arith.constant 640 : i32
    %mul3A_151 = arith.muli %arg1, %mul3A_150 : i32
    %run_scoped3A_152 = arith.constant 1 : i32
    "tpu.region"() ({
      %run_scoped3A_234 = tpu.sem_alloc : memref<!tpu.dma_semaphore, #tpu.memory_space<semaphore_mem>>
      %dma_start3A = arith.constant 0 : i32
      %dma_start3A_235 = tpu.memref_slice %arg7[%run_scoped3A_152, %arg0, %mul3A_151, %dma_start3A] : memref<3x2x10240x128xf32, #tpu.memory_space<hbm>> -> memref<1x1x640x128xf32, #tpu.memory_space<hbm>>
      %dma_start3A_236 = tpu.memref_squeeze %dma_start3A_235 : memref<1x1x640x128xf32, #tpu.memory_space<hbm>> -> memref<640x128xf32, #tpu.memory_space<hbm>>
      %dma_start3A_237 = arith.constant 0 : i32
      %dma_start3A_238 = tpu.memref_slice %arg8[%mul3A_149, %dma_start3A_237] : memref<10240x128xf32, #tpu.memory_space<vmem_shared>> -> memref<640x128xf32, #tpu.memory_space<vmem_shared>>
      tpu.enqueue_dma source(%dma_start3A_238 : memref<640x128xf32, #tpu.memory_space<vmem_shared>>) target(%dma_start3A_236 : memref<640x128xf32, #tpu.memory_space<hbm>>) target_semaphore(%run_scoped3A_234 : memref<!tpu.dma_semaphore, #tpu.memory_space<semaphore_mem>>)
      %dma_wait3A_239 = arith.constant 0 : i32
      %dma_wait3A_240 = tpu.memref_slice %arg7[%run_scoped3A_152, %arg0, %mul3A_151, %dma_wait3A_239] : memref<3x2x10240x128xf32, #tpu.memory_space<hbm>> -> memref<1x1x640x128xf32, #tpu.memory_space<hbm>>
      %dma_wait3A_241 = tpu.memref_squeeze %dma_wait3A_240 : memref<1x1x640x128xf32, #tpu.memory_space<hbm>> -> memref<640x128xf32, #tpu.memory_space<hbm>>
      %dma_wait3A_242 = arith.constant 0 : i32
      %dma_wait3A_243 = tpu.memref_slice %arg8[%mul3A_149, %dma_wait3A_242] : memref<10240x128xf32, #tpu.memory_space<vmem_shared>> -> memref<640x128xf32, #tpu.memory_space<vmem_shared>>
      tpu.wait_dma2 semaphore(%run_scoped3A_234 : memref<!tpu.dma_semaphore, #tpu.memory_space<semaphore_mem>>) src(%dma_wait3A_243 : memref<640x128xf32, #tpu.memory_space<vmem_shared>>) dst(%dma_wait3A_241 : memref<640x128xf32, #tpu.memory_space<hbm>>)
      tpu.yield
    }) : () -> ()
    %run_scoped3A_153 = arith.constant 0 : i32
    "tpu.region"() ({
      %run_scoped3A_234 = tpu.sem_alloc : memref<!tpu.dma_semaphore, #tpu.memory_space<semaphore_mem>>
      %dma_start3A = arith.constant 0 : i32
      %dma_start3A_235 = arith.constant 0 : i32
      %dma_start3A_236 = tpu.memref_slice %arg11[%run_scoped3A_153, %dma_start3A, %dma_start3A_235] : memref<2x80x128xf32, #tpu.memory_space<vmem>> -> memref<1x80x128xf32, #tpu.memory_space<vmem>>
      %dma_start3A_237 = tpu.memref_squeeze %dma_start3A_236 : memref<1x80x128xf32, #tpu.memory_space<vmem>> -> memref<80x128xf32, #tpu.memory_space<vmem>>
      %dma_start3A_238 = arith.constant 0 : i32
      %dma_start3A_239 = arith.constant 0 : i32
      %dma_start3A_240 = tpu.memref_slice %arg11[%run_scoped3A_153, %dma_start3A_238, %dma_start3A_239] : memref<2x80x128xf32, #tpu.memory_space<vmem>> -> memref<1x80x128xf32, #tpu.memory_space<vmem>>
      %dma_start3A_241 = tpu.memref_squeeze %dma_start3A_240 : memref<1x80x128xf32, #tpu.memory_space<vmem>> -> memref<80x128xf32, #tpu.memory_space<vmem>>
      tpu.enqueue_dma source(%arg6 : memref<80x128xf32, #tpu.memory_space<hbm>>) target(%dma_start3A_241 : memref<80x128xf32, #tpu.memory_space<vmem>>) target_semaphore(%run_scoped3A_234 : memref<!tpu.dma_semaphore, #tpu.memory_space<semaphore_mem>>)
      %dma_wait3A_242 = arith.constant 0 : i32
      %dma_wait3A_243 = arith.constant 0 : i32
      %dma_wait3A_244 = tpu.memref_slice %arg11[%run_scoped3A_153, %dma_wait3A_242, %dma_wait3A_243] : memref<2x80x128xf32, #tpu.memory_space<vmem>> -> memref<1x80x128xf32, #tpu.memory_space<vmem>>
      %dma_wait3A_245 = tpu.memref_squeeze %dma_wait3A_244 : memref<1x80x128xf32, #tpu.memory_space<vmem>> -> memref<80x128xf32, #tpu.memory_space<vmem>>
      %dma_wait3A_246 = arith.constant 0 : i32
      %dma_wait3A_247 = arith.constant 0 : i32
      %dma_wait3A_248 = tpu.memref_slice %arg11[%run_scoped3A_153, %dma_wait3A_246, %dma_wait3A_247] : memref<2x80x128xf32, #tpu.memory_space<vmem>> -> memref<1x80x128xf32, #tpu.memory_space<vmem>>
      %dma_wait3A_249 = tpu.memref_squeeze %dma_wait3A_248 : memref<1x80x128xf32, #tpu.memory_space<vmem>> -> memref<80x128xf32, #tpu.memory_space<vmem>>
      tpu.wait_dma2 semaphore(%run_scoped3A_234 : memref<!tpu.dma_semaphore, #tpu.memory_space<semaphore_mem>>) src(%arg6 : memref<80x128xf32, #tpu.memory_space<hbm>>) dst(%dma_wait3A_249 : memref<80x128xf32, #tpu.memory_space<vmem>>)
      tpu.yield
    }) : () -> ()
    %mul3A_154 = arith.constant 640 : i32
    %mul3A_155 = arith.muli %arg1, %mul3A_154 : i32
    %add3A_156 = arith.constant 0 : i32
    %add3A_157 = arith.addi %mul3A_155, %add3A_156 : i32
    %run_scoped3A_158 = arith.constant 0 : i32
    "tpu.region"() ({
      %run_scoped3A_234 = tpu.sem_alloc : memref<!tpu.dma_semaphore, #tpu.memory_space<semaphore_mem>>
      %dma_start3A = arith.constant 0 : i32
      %dma_start3A_235 = arith.constant 0 : i32
      %dma_start3A_236 = tpu.memref_slice %arg11[%run_scoped3A_158, %dma_start3A, %dma_start3A_235] : memref<2x80x128xf32, #tpu.memory_space<vmem>> -> memref<1x80x128xf32, #tpu.memory_space<vmem>>
      %dma_start3A_237 = tpu.memref_squeeze %dma_start3A_236 : memref<1x80x128xf32, #tpu.memory_space<vmem>> -> memref<80x128xf32, #tpu.memory_space<vmem>>
      %dma_start3A_238 = arith.constant 0 : i32
      %dma_start3A_239 = tpu.memref_slice %arg8[%add3A_157, %dma_start3A_238] : memref<10240x128xf32, #tpu.memory_space<vmem_shared>> -> memref<80x128xf32, #tpu.memory_space<vmem_shared>>
      %dma_start3A_240 = arith.constant 0 : i32
      %dma_start3A_241 = tpu.memref_slice %arg8[%add3A_157, %dma_start3A_240] : memref<10240x128xf32, #tpu.memory_space<vmem_shared>> -> memref<80x128xf32, #tpu.memory_space<vmem_shared>>
      %dma_start3A_242 = arith.constant 0 : i32
      %dma_start3A_243 = arith.constant 0 : i32
      %dma_start3A_244 = tpu.memref_slice %arg11[%run_scoped3A_158, %dma_start3A_242, %dma_start3A_243] : memref<2x80x128xf32, #tpu.memory_space<vmem>> -> memref<1x80x128xf32, #tpu.memory_space<vmem>>
      %dma_start3A_245 = tpu.memref_squeeze %dma_start3A_244 : memref<1x80x128xf32, #tpu.memory_space<vmem>> -> memref<80x128xf32, #tpu.memory_space<vmem>>
      tpu.enqueue_dma source(%dma_start3A_245 : memref<80x128xf32, #tpu.memory_space<vmem>>) target(%dma_start3A_241 : memref<80x128xf32, #tpu.memory_space<vmem_shared>>) target_semaphore(%run_scoped3A_234 : memref<!tpu.dma_semaphore, #tpu.memory_space<semaphore_mem>>)
      %dma_wait3A_246 = arith.constant 0 : i32
      %dma_wait3A_247 = arith.constant 0 : i32
      %dma_wait3A_248 = tpu.memref_slice %arg11[%run_scoped3A_158, %dma_wait3A_246, %dma_wait3A_247] : memref<2x80x128xf32, #tpu.memory_space<vmem>> -> memref<1x80x128xf32, #tpu.memory_space<vmem>>
      %dma_wait3A_249 = tpu.memref_squeeze %dma_wait3A_248 : memref<1x80x128xf32, #tpu.memory_space<vmem>> -> memref<80x128xf32, #tpu.memory_space<vmem>>
      %dma_wait3A_250 = arith.constant 0 : i32
      %dma_wait3A_251 = tpu.memref_slice %arg8[%add3A_157, %dma_wait3A_250] : memref<10240x128xf32, #tpu.memory_space<vmem_shared>> -> memref<80x128xf32, #tpu.memory_space<vmem_shared>>
      %dma_wait3A_252 = arith.constant 0 : i32
      %dma_wait3A_253 = tpu.memref_slice %arg8[%add3A_157, %dma_wait3A_252] : memref<10240x128xf32, #tpu.memory_space<vmem_shared>> -> memref<80x128xf32, #tpu.memory_space<vmem_shared>>
      %dma_wait3A_254 = arith.constant 0 : i32
      %dma_wait3A_255 = arith.constant 0 : i32
      %dma_wait3A_256 = tpu.memref_slice %arg11[%run_scoped3A_158, %dma_wait3A_254, %dma_wait3A_255] : memref<2x80x128xf32, #tpu.memory_space<vmem>> -> memref<1x80x128xf32, #tpu.memory_space<vmem>>
      %dma_wait3A_257 = tpu.memref_squeeze %dma_wait3A_256 : memref<1x80x128xf32, #tpu.memory_space<vmem>> -> memref<80x128xf32, #tpu.memory_space<vmem>>
      tpu.wait_dma2 semaphore(%run_scoped3A_234 : memref<!tpu.dma_semaphore, #tpu.memory_space<semaphore_mem>>) src(%dma_wait3A_257 : memref<80x128xf32, #tpu.memory_space<vmem>>) dst(%dma_wait3A_253 : memref<80x128xf32, #tpu.memory_space<vmem_shared>>)
      tpu.yield
    }) : () -> ()
    %mul3A_159 = arith.constant 640 : i32
    %mul3A_160 = arith.muli %arg1, %mul3A_159 : i32
    %add3A_161 = arith.constant 80 : i32
    %add3A_162 = arith.addi %mul3A_160, %add3A_161 : i32
    %run_scoped3A_163 = arith.constant 0 : i32
    "tpu.region"() ({
      %run_scoped3A_234 = tpu.sem_alloc : memref<!tpu.dma_semaphore, #tpu.memory_space<semaphore_mem>>
      %dma_start3A = arith.constant 0 : i32
      %dma_start3A_235 = arith.constant 0 : i32
      %dma_start3A_236 = tpu.memref_slice %arg11[%run_scoped3A_163, %dma_start3A, %dma_start3A_235] : memref<2x80x128xf32, #tpu.memory_space<vmem>> -> memref<1x80x128xf32, #tpu.memory_space<vmem>>
      %dma_start3A_237 = tpu.memref_squeeze %dma_start3A_236 : memref<1x80x128xf32, #tpu.memory_space<vmem>> -> memref<80x128xf32, #tpu.memory_space<vmem>>
      %dma_start3A_238 = arith.constant 0 : i32
      %dma_start3A_239 = tpu.memref_slice %arg8[%add3A_162, %dma_start3A_238] : memref<10240x128xf32, #tpu.memory_space<vmem_shared>> -> memref<80x128xf32, #tpu.memory_space<vmem_shared>>
      %dma_start3A_240 = arith.constant 0 : i32
      %dma_start3A_241 = tpu.memref_slice %arg8[%add3A_162, %dma_start3A_240] : memref<10240x128xf32, #tpu.memory_space<vmem_shared>> -> memref<80x128xf32, #tpu.memory_space<vmem_shared>>
      %dma_start3A_242 = arith.constant 0 : i32
      %dma_start3A_243 = arith.constant 0 : i32
      %dma_start3A_244 = tpu.memref_slice %arg11[%run_scoped3A_163, %dma_start3A_242, %dma_start3A_243] : memref<2x80x128xf32, #tpu.memory_space<vmem>> -> memref<1x80x128xf32, #tpu.memory_space<vmem>>
      %dma_start3A_245 = tpu.memref_squeeze %dma_start3A_244 : memref<1x80x128xf32, #tpu.memory_space<vmem>> -> memref<80x128xf32, #tpu.memory_space<vmem>>
      tpu.enqueue_dma source(%dma_start3A_245 : memref<80x128xf32, #tpu.memory_space<vmem>>) target(%dma_start3A_241 : memref<80x128xf32, #tpu.memory_space<vmem_shared>>) target_semaphore(%run_scoped3A_234 : memref<!tpu.dma_semaphore, #tpu.memory_space<semaphore_mem>>)
      %dma_wait3A_246 = arith.constant 0 : i32
      %dma_wait3A_247 = arith.constant 0 : i32
      %dma_wait3A_248 = tpu.memref_slice %arg11[%run_scoped3A_163, %dma_wait3A_246, %dma_wait3A_247] : memref<2x80x128xf32, #tpu.memory_space<vmem>> -> memref<1x80x128xf32, #tpu.memory_space<vmem>>
      %dma_wait3A_249 = tpu.memref_squeeze %dma_wait3A_248 : memref<1x80x128xf32, #tpu.memory_space<vmem>> -> memref<80x128xf32, #tpu.memory_space<vmem>>
      %dma_wait3A_250 = arith.constant 0 : i32
      %dma_wait3A_251 = tpu.memref_slice %arg8[%add3A_162, %dma_wait3A_250] : memref<10240x128xf32, #tpu.memory_space<vmem_shared>> -> memref<80x128xf32, #tpu.memory_space<vmem_shared>>
      %dma_wait3A_252 = arith.constant 0 : i32
      %dma_wait3A_253 = tpu.memref_slice %arg8[%add3A_162, %dma_wait3A_252] : memref<10240x128xf32, #tpu.memory_space<vmem_shared>> -> memref<80x128xf32, #tpu.memory_space<vmem_shared>>
      %dma_wait3A_254 = arith.constant 0 : i32
      %dma_wait3A_255 = arith.constant 0 : i32
      %dma_wait3A_256 = tpu.memref_slice %arg11[%run_scoped3A_163, %dma_wait3A_254, %dma_wait3A_255] : memref<2x80x128xf32, #tpu.memory_space<vmem>> -> memref<1x80x128xf32, #tpu.memory_space<vmem>>
      %dma_wait3A_257 = tpu.memref_squeeze %dma_wait3A_256 : memref<1x80x128xf32, #tpu.memory_space<vmem>> -> memref<80x128xf32, #tpu.memory_space<vmem>>
      tpu.wait_dma2 semaphore(%run_scoped3A_234 : memref<!tpu.dma_semaphore, #tpu.memory_space<semaphore_mem>>) src(%dma_wait3A_257 : memref<80x128xf32, #tpu.memory_space<vmem>>) dst(%dma_wait3A_253 : memref<80x128xf32, #tpu.memory_space<vmem_shared>>)
      tpu.yield
    }) : () -> ()
    %mul3A_164 = arith.constant 640 : i32
    %mul3A_165 = arith.muli %arg1, %mul3A_164 : i32
    %add3A_166 = arith.constant 160 : i32
    %add3A_167 = arith.addi %mul3A_165, %add3A_166 : i32
    %run_scoped3A_168 = arith.constant 0 : i32
    "tpu.region"() ({
      %run_scoped3A_234 = tpu.sem_alloc : memref<!tpu.dma_semaphore, #tpu.memory_space<semaphore_mem>>
      %dma_start3A = arith.constant 0 : i32
      %dma_start3A_235 = arith.constant 0 : i32
      %dma_start3A_236 = tpu.memref_slice %arg11[%run_scoped3A_168, %dma_start3A, %dma_start3A_235] : memref<2x80x128xf32, #tpu.memory_space<vmem>> -> memref<1x80x128xf32, #tpu.memory_space<vmem>>
      %dma_start3A_237 = tpu.memref_squeeze %dma_start3A_236 : memref<1x80x128xf32, #tpu.memory_space<vmem>> -> memref<80x128xf32, #tpu.memory_space<vmem>>
      %dma_start3A_238 = arith.constant 0 : i32
      %dma_start3A_239 = tpu.memref_slice %arg8[%add3A_167, %dma_start3A_238] : memref<10240x128xf32, #tpu.memory_space<vmem_shared>> -> memref<80x128xf32, #tpu.memory_space<vmem_shared>>
      %dma_start3A_240 = arith.constant 0 : i32
      %dma_start3A_241 = tpu.memref_slice %arg8[%add3A_167, %dma_start3A_240] : memref<10240x128xf32, #tpu.memory_space<vmem_shared>> -> memref<80x128xf32, #tpu.memory_space<vmem_shared>>
      %dma_start3A_242 = arith.constant 0 : i32
      %dma_start3A_243 = arith.constant 0 : i32
      %dma_start3A_244 = tpu.memref_slice %arg11[%run_scoped3A_168, %dma_start3A_242, %dma_start3A_243] : memref<2x80x128xf32, #tpu.memory_space<vmem>> -> memref<1x80x128xf32, #tpu.memory_space<vmem>>
      %dma_start3A_245 = tpu.memref_squeeze %dma_start3A_244 : memref<1x80x128xf32, #tpu.memory_space<vmem>> -> memref<80x128xf32, #tpu.memory_space<vmem>>
      tpu.enqueue_dma source(%dma_start3A_245 : memref<80x128xf32, #tpu.memory_space<vmem>>) target(%dma_start3A_241 : memref<80x128xf32, #tpu.memory_space<vmem_shared>>) target_semaphore(%run_scoped3A_234 : memref<!tpu.dma_semaphore, #tpu.memory_space<semaphore_mem>>)
      %dma_wait3A_246 = arith.constant 0 : i32
      %dma_wait3A_247 = arith.constant 0 : i32
      %dma_wait3A_248 = tpu.memref_slice %arg11[%run_scoped3A_168, %dma_wait3A_246, %dma_wait3A_247] : memref<2x80x128xf32, #tpu.memory_space<vmem>> -> memref<1x80x128xf32, #tpu.memory_space<vmem>>
      %dma_wait3A_249 = tpu.memref_squeeze %dma_wait3A_248 : memref<1x80x128xf32, #tpu.memory_space<vmem>> -> memref<80x128xf32, #tpu.memory_space<vmem>>
      %dma_wait3A_250 = arith.constant 0 : i32
      %dma_wait3A_251 = tpu.memref_slice %arg8[%add3A_167, %dma_wait3A_250] : memref<10240x128xf32, #tpu.memory_space<vmem_shared>> -> memref<80x128xf32, #tpu.memory_space<vmem_shared>>
      %dma_wait3A_252 = arith.constant 0 : i32
      %dma_wait3A_253 = tpu.memref_slice %arg8[%add3A_167, %dma_wait3A_252] : memref<10240x128xf32, #tpu.memory_space<vmem_shared>> -> memref<80x128xf32, #tpu.memory_space<vmem_shared>>
      %dma_wait3A_254 = arith.constant 0 : i32
      %dma_wait3A_255 = arith.constant 0 : i32
      %dma_wait3A_256 = tpu.memref_slice %arg11[%run_scoped3A_168, %dma_wait3A_254, %dma_wait3A_255] : memref<2x80x128xf32, #tpu.memory_space<vmem>> -> memref<1x80x128xf32, #tpu.memory_space<vmem>>
      %dma_wait3A_257 = tpu.memref_squeeze %dma_wait3A_256 : memref<1x80x128xf32, #tpu.memory_space<vmem>> -> memref<80x128xf32, #tpu.memory_space<vmem>>
      tpu.wait_dma2 semaphore(%run_scoped3A_234 : memref<!tpu.dma_semaphore, #tpu.memory_space<semaphore_mem>>) src(%dma_wait3A_257 : memref<80x128xf32, #tpu.memory_space<vmem>>) dst(%dma_wait3A_253 : memref<80x128xf32, #tpu.memory_space<vmem_shared>>)
      tpu.yield
    }) : () -> ()
    %mul3A_169 = arith.constant 640 : i32
    %mul3A_170 = arith.muli %arg1, %mul3A_169 : i32
    %add3A_171 = arith.constant 240 : i32
    %add3A_172 = arith.addi %mul3A_170, %add3A_171 : i32
    %run_scoped3A_173 = arith.constant 0 : i32
    "tpu.region"() ({
      %run_scoped3A_234 = tpu.sem_alloc : memref<!tpu.dma_semaphore, #tpu.memory_space<semaphore_mem>>
      %dma_start3A = arith.constant 0 : i32
      %dma_start3A_235 = arith.constant 0 : i32
      %dma_start3A_236 = tpu.memref_slice %arg11[%run_scoped3A_173, %dma_start3A, %dma_start3A_235] : memref<2x80x128xf32, #tpu.memory_space<vmem>> -> memref<1x80x128xf32, #tpu.memory_space<vmem>>
      %dma_start3A_237 = tpu.memref_squeeze %dma_start3A_236 : memref<1x80x128xf32, #tpu.memory_space<vmem>> -> memref<80x128xf32, #tpu.memory_space<vmem>>
      %dma_start3A_238 = arith.constant 0 : i32
      %dma_start3A_239 = tpu.memref_slice %arg8[%add3A_172, %dma_start3A_238] : memref<10240x128xf32, #tpu.memory_space<vmem_shared>> -> memref<80x128xf32, #tpu.memory_space<vmem_shared>>
      %dma_start3A_240 = arith.constant 0 : i32
      %dma_start3A_241 = tpu.memref_slice %arg8[%add3A_172, %dma_start3A_240] : memref<10240x128xf32, #tpu.memory_space<vmem_shared>> -> memref<80x128xf32, #tpu.memory_space<vmem_shared>>
      %dma_start3A_242 = arith.constant 0 : i32
      %dma_start3A_243 = arith.constant 0 : i32
      %dma_start3A_244 = tpu.memref_slice %arg11[%run_scoped3A_173, %dma_start3A_242, %dma_start3A_243] : memref<2x80x128xf32, #tpu.memory_space<vmem>> -> memref<1x80x128xf32, #tpu.memory_space<vmem>>
      %dma_start3A_245 = tpu.memref_squeeze %dma_start3A_244 : memref<1x80x128xf32, #tpu.memory_space<vmem>> -> memref<80x128xf32, #tpu.memory_space<vmem>>
      tpu.enqueue_dma source(%dma_start3A_245 : memref<80x128xf32, #tpu.memory_space<vmem>>) target(%dma_start3A_241 : memref<80x128xf32, #tpu.memory_space<vmem_shared>>) target_semaphore(%run_scoped3A_234 : memref<!tpu.dma_semaphore, #tpu.memory_space<semaphore_mem>>)
      %dma_wait3A_246 = arith.constant 0 : i32
      %dma_wait3A_247 = arith.constant 0 : i32
      %dma_wait3A_248 = tpu.memref_slice %arg11[%run_scoped3A_173, %dma_wait3A_246, %dma_wait3A_247] : memref<2x80x128xf32, #tpu.memory_space<vmem>> -> memref<1x80x128xf32, #tpu.memory_space<vmem>>
      %dma_wait3A_249 = tpu.memref_squeeze %dma_wait3A_248 : memref<1x80x128xf32, #tpu.memory_space<vmem>> -> memref<80x128xf32, #tpu.memory_space<vmem>>
      %dma_wait3A_250 = arith.constant 0 : i32
      %dma_wait3A_251 = tpu.memref_slice %arg8[%add3A_172, %dma_wait3A_250] : memref<10240x128xf32, #tpu.memory_space<vmem_shared>> -> memref<80x128xf32, #tpu.memory_space<vmem_shared>>
      %dma_wait3A_252 = arith.constant 0 : i32
      %dma_wait3A_253 = tpu.memref_slice %arg8[%add3A_172, %dma_wait3A_252] : memref<10240x128xf32, #tpu.memory_space<vmem_shared>> -> memref<80x128xf32, #tpu.memory_space<vmem_shared>>
      %dma_wait3A_254 = arith.constant 0 : i32
      %dma_wait3A_255 = arith.constant 0 : i32
      %dma_wait3A_256 = tpu.memref_slice %arg11[%run_scoped3A_173, %dma_wait3A_254, %dma_wait3A_255] : memref<2x80x128xf32, #tpu.memory_space<vmem>> -> memref<1x80x128xf32, #tpu.memory_space<vmem>>
      %dma_wait3A_257 = tpu.memref_squeeze %dma_wait3A_256 : memref<1x80x128xf32, #tpu.memory_space<vmem>> -> memref<80x128xf32, #tpu.memory_space<vmem>>
      tpu.wait_dma2 semaphore(%run_scoped3A_234 : memref<!tpu.dma_semaphore, #tpu.memory_space<semaphore_mem>>) src(%dma_wait3A_257 : memref<80x128xf32, #tpu.memory_space<vmem>>) dst(%dma_wait3A_253 : memref<80x128xf32, #tpu.memory_space<vmem_shared>>)
      tpu.yield
    }) : () -> ()
    %mul3A_174 = arith.constant 640 : i32
    %mul3A_175 = arith.muli %arg1, %mul3A_174 : i32
    %add3A_176 = arith.constant 320 : i32
    %add3A_177 = arith.addi %mul3A_175, %add3A_176 : i32
    %run_scoped3A_178 = arith.constant 0 : i32
    "tpu.region"() ({
      %run_scoped3A_234 = tpu.sem_alloc : memref<!tpu.dma_semaphore, #tpu.memory_space<semaphore_mem>>
      %dma_start3A = arith.constant 0 : i32
      %dma_start3A_235 = arith.constant 0 : i32
      %dma_start3A_236 = tpu.memref_slice %arg11[%run_scoped3A_178, %dma_start3A, %dma_start3A_235] : memref<2x80x128xf32, #tpu.memory_space<vmem>> -> memref<1x80x128xf32, #tpu.memory_space<vmem>>
      %dma_start3A_237 = tpu.memref_squeeze %dma_start3A_236 : memref<1x80x128xf32, #tpu.memory_space<vmem>> -> memref<80x128xf32, #tpu.memory_space<vmem>>
      %dma_start3A_238 = arith.constant 0 : i32
      %dma_start3A_239 = tpu.memref_slice %arg8[%add3A_177, %dma_start3A_238] : memref<10240x128xf32, #tpu.memory_space<vmem_shared>> -> memref<80x128xf32, #tpu.memory_space<vmem_shared>>
      %dma_start3A_240 = arith.constant 0 : i32
      %dma_start3A_241 = tpu.memref_slice %arg8[%add3A_177, %dma_start3A_240] : memref<10240x128xf32, #tpu.memory_space<vmem_shared>> -> memref<80x128xf32, #tpu.memory_space<vmem_shared>>
      %dma_start3A_242 = arith.constant 0 : i32
      %dma_start3A_243 = arith.constant 0 : i32
      %dma_start3A_244 = tpu.memref_slice %arg11[%run_scoped3A_178, %dma_start3A_242, %dma_start3A_243] : memref<2x80x128xf32, #tpu.memory_space<vmem>> -> memref<1x80x128xf32, #tpu.memory_space<vmem>>
      %dma_start3A_245 = tpu.memref_squeeze %dma_start3A_244 : memref<1x80x128xf32, #tpu.memory_space<vmem>> -> memref<80x128xf32, #tpu.memory_space<vmem>>
      tpu.enqueue_dma source(%dma_start3A_245 : memref<80x128xf32, #tpu.memory_space<vmem>>) target(%dma_start3A_241 : memref<80x128xf32, #tpu.memory_space<vmem_shared>>) target_semaphore(%run_scoped3A_234 : memref<!tpu.dma_semaphore, #tpu.memory_space<semaphore_mem>>)
      %dma_wait3A_246 = arith.constant 0 : i32
      %dma_wait3A_247 = arith.constant 0 : i32
      %dma_wait3A_248 = tpu.memref_slice %arg11[%run_scoped3A_178, %dma_wait3A_246, %dma_wait3A_247] : memref<2x80x128xf32, #tpu.memory_space<vmem>> -> memref<1x80x128xf32, #tpu.memory_space<vmem>>
      %dma_wait3A_249 = tpu.memref_squeeze %dma_wait3A_248 : memref<1x80x128xf32, #tpu.memory_space<vmem>> -> memref<80x128xf32, #tpu.memory_space<vmem>>
      %dma_wait3A_250 = arith.constant 0 : i32
      %dma_wait3A_251 = tpu.memref_slice %arg8[%add3A_177, %dma_wait3A_250] : memref<10240x128xf32, #tpu.memory_space<vmem_shared>> -> memref<80x128xf32, #tpu.memory_space<vmem_shared>>
      %dma_wait3A_252 = arith.constant 0 : i32
      %dma_wait3A_253 = tpu.memref_slice %arg8[%add3A_177, %dma_wait3A_252] : memref<10240x128xf32, #tpu.memory_space<vmem_shared>> -> memref<80x128xf32, #tpu.memory_space<vmem_shared>>
      %dma_wait3A_254 = arith.constant 0 : i32
      %dma_wait3A_255 = arith.constant 0 : i32
      %dma_wait3A_256 = tpu.memref_slice %arg11[%run_scoped3A_178, %dma_wait3A_254, %dma_wait3A_255] : memref<2x80x128xf32, #tpu.memory_space<vmem>> -> memref<1x80x128xf32, #tpu.memory_space<vmem>>
      %dma_wait3A_257 = tpu.memref_squeeze %dma_wait3A_256 : memref<1x80x128xf32, #tpu.memory_space<vmem>> -> memref<80x128xf32, #tpu.memory_space<vmem>>
      tpu.wait_dma2 semaphore(%run_scoped3A_234 : memref<!tpu.dma_semaphore, #tpu.memory_space<semaphore_mem>>) src(%dma_wait3A_257 : memref<80x128xf32, #tpu.memory_space<vmem>>) dst(%dma_wait3A_253 : memref<80x128xf32, #tpu.memory_space<vmem_shared>>)
      tpu.yield
    }) : () -> ()
    %mul3A_179 = arith.constant 640 : i32
    %mul3A_180 = arith.muli %arg1, %mul3A_179 : i32
    %add3A_181 = arith.constant 400 : i32
    %add3A_182 = arith.addi %mul3A_180, %add3A_181 : i32
    %run_scoped3A_183 = arith.constant 0 : i32
    "tpu.region"() ({
      %run_scoped3A_234 = tpu.sem_alloc : memref<!tpu.dma_semaphore, #tpu.memory_space<semaphore_mem>>
      %dma_start3A = arith.constant 0 : i32
      %dma_start3A_235 = arith.constant 0 : i32
      %dma_start3A_236 = tpu.memref_slice %arg11[%run_scoped3A_183, %dma_start3A, %dma_start3A_235] : memref<2x80x128xf32, #tpu.memory_space<vmem>> -> memref<1x80x128xf32, #tpu.memory_space<vmem>>
      %dma_start3A_237 = tpu.memref_squeeze %dma_start3A_236 : memref<1x80x128xf32, #tpu.memory_space<vmem>> -> memref<80x128xf32, #tpu.memory_space<vmem>>
      %dma_start3A_238 = arith.constant 0 : i32
      %dma_start3A_239 = tpu.memref_slice %arg8[%add3A_182, %dma_start3A_238] : memref<10240x128xf32, #tpu.memory_space<vmem_shared>> -> memref<80x128xf32, #tpu.memory_space<vmem_shared>>
      %dma_start3A_240 = arith.constant 0 : i32
      %dma_start3A_241 = tpu.memref_slice %arg8[%add3A_182, %dma_start3A_240] : memref<10240x128xf32, #tpu.memory_space<vmem_shared>> -> memref<80x128xf32, #tpu.memory_space<vmem_shared>>
      %dma_start3A_242 = arith.constant 0 : i32
      %dma_start3A_243 = arith.constant 0 : i32
      %dma_start3A_244 = tpu.memref_slice %arg11[%run_scoped3A_183, %dma_start3A_242, %dma_start3A_243] : memref<2x80x128xf32, #tpu.memory_space<vmem>> -> memref<1x80x128xf32, #tpu.memory_space<vmem>>
      %dma_start3A_245 = tpu.memref_squeeze %dma_start3A_244 : memref<1x80x128xf32, #tpu.memory_space<vmem>> -> memref<80x128xf32, #tpu.memory_space<vmem>>
      tpu.enqueue_dma source(%dma_start3A_245 : memref<80x128xf32, #tpu.memory_space<vmem>>) target(%dma_start3A_241 : memref<80x128xf32, #tpu.memory_space<vmem_shared>>) target_semaphore(%run_scoped3A_234 : memref<!tpu.dma_semaphore, #tpu.memory_space<semaphore_mem>>)
      %dma_wait3A_246 = arith.constant 0 : i32
      %dma_wait3A_247 = arith.constant 0 : i32
      %dma_wait3A_248 = tpu.memref_slice %arg11[%run_scoped3A_183, %dma_wait3A_246, %dma_wait3A_247] : memref<2x80x128xf32, #tpu.memory_space<vmem>> -> memref<1x80x128xf32, #tpu.memory_space<vmem>>
      %dma_wait3A_249 = tpu.memref_squeeze %dma_wait3A_248 : memref<1x80x128xf32, #tpu.memory_space<vmem>> -> memref<80x128xf32, #tpu.memory_space<vmem>>
      %dma_wait3A_250 = arith.constant 0 : i32
      %dma_wait3A_251 = tpu.memref_slice %arg8[%add3A_182, %dma_wait3A_250] : memref<10240x128xf32, #tpu.memory_space<vmem_shared>> -> memref<80x128xf32, #tpu.memory_space<vmem_shared>>
      %dma_wait3A_252 = arith.constant 0 : i32
      %dma_wait3A_253 = tpu.memref_slice %arg8[%add3A_182, %dma_wait3A_252] : memref<10240x128xf32, #tpu.memory_space<vmem_shared>> -> memref<80x128xf32, #tpu.memory_space<vmem_shared>>
      %dma_wait3A_254 = arith.constant 0 : i32
      %dma_wait3A_255 = arith.constant 0 : i32
      %dma_wait3A_256 = tpu.memref_slice %arg11[%run_scoped3A_183, %dma_wait3A_254, %dma_wait3A_255] : memref<2x80x128xf32, #tpu.memory_space<vmem>> -> memref<1x80x128xf32, #tpu.memory_space<vmem>>
      %dma_wait3A_257 = tpu.memref_squeeze %dma_wait3A_256 : memref<1x80x128xf32, #tpu.memory_space<vmem>> -> memref<80x128xf32, #tpu.memory_space<vmem>>
      tpu.wait_dma2 semaphore(%run_scoped3A_234 : memref<!tpu.dma_semaphore, #tpu.memory_space<semaphore_mem>>) src(%dma_wait3A_257 : memref<80x128xf32, #tpu.memory_space<vmem>>) dst(%dma_wait3A_253 : memref<80x128xf32, #tpu.memory_space<vmem_shared>>)
      tpu.yield
    }) : () -> ()
    %mul3A_184 = arith.constant 640 : i32
    %mul3A_185 = arith.muli %arg1, %mul3A_184 : i32
    %add3A_186 = arith.constant 480 : i32
    %add3A_187 = arith.addi %mul3A_185, %add3A_186 : i32
    %run_scoped3A_188 = arith.constant 0 : i32
    "tpu.region"() ({
      %run_scoped3A_234 = tpu.sem_alloc : memref<!tpu.dma_semaphore, #tpu.memory_space<semaphore_mem>>
      %dma_start3A = arith.constant 0 : i32
      %dma_start3A_235 = arith.constant 0 : i32
      %dma_start3A_236 = tpu.memref_slice %arg11[%run_scoped3A_188, %dma_start3A, %dma_start3A_235] : memref<2x80x128xf32, #tpu.memory_space<vmem>> -> memref<1x80x128xf32, #tpu.memory_space<vmem>>
      %dma_start3A_237 = tpu.memref_squeeze %dma_start3A_236 : memref<1x80x128xf32, #tpu.memory_space<vmem>> -> memref<80x128xf32, #tpu.memory_space<vmem>>
      %dma_start3A_238 = arith.constant 0 : i32
      %dma_start3A_239 = tpu.memref_slice %arg8[%add3A_187, %dma_start3A_238] : memref<10240x128xf32, #tpu.memory_space<vmem_shared>> -> memref<80x128xf32, #tpu.memory_space<vmem_shared>>
      %dma_start3A_240 = arith.constant 0 : i32
      %dma_start3A_241 = tpu.memref_slice %arg8[%add3A_187, %dma_start3A_240] : memref<10240x128xf32, #tpu.memory_space<vmem_shared>> -> memref<80x128xf32, #tpu.memory_space<vmem_shared>>
      %dma_start3A_242 = arith.constant 0 : i32
      %dma_start3A_243 = arith.constant 0 : i32
      %dma_start3A_244 = tpu.memref_slice %arg11[%run_scoped3A_188, %dma_start3A_242, %dma_start3A_243] : memref<2x80x128xf32, #tpu.memory_space<vmem>> -> memref<1x80x128xf32, #tpu.memory_space<vmem>>
      %dma_start3A_245 = tpu.memref_squeeze %dma_start3A_244 : memref<1x80x128xf32, #tpu.memory_space<vmem>> -> memref<80x128xf32, #tpu.memory_space<vmem>>
      tpu.enqueue_dma source(%dma_start3A_245 : memref<80x128xf32, #tpu.memory_space<vmem>>) target(%dma_start3A_241 : memref<80x128xf32, #tpu.memory_space<vmem_shared>>) target_semaphore(%run_scoped3A_234 : memref<!tpu.dma_semaphore, #tpu.memory_space<semaphore_mem>>)
      %dma_wait3A_246 = arith.constant 0 : i32
      %dma_wait3A_247 = arith.constant 0 : i32
      %dma_wait3A_248 = tpu.memref_slice %arg11[%run_scoped3A_188, %dma_wait3A_246, %dma_wait3A_247] : memref<2x80x128xf32, #tpu.memory_space<vmem>> -> memref<1x80x128xf32, #tpu.memory_space<vmem>>
      %dma_wait3A_249 = tpu.memref_squeeze %dma_wait3A_248 : memref<1x80x128xf32, #tpu.memory_space<vmem>> -> memref<80x128xf32, #tpu.memory_space<vmem>>
      %dma_wait3A_250 = arith.constant 0 : i32
      %dma_wait3A_251 = tpu.memref_slice %arg8[%add3A_187, %dma_wait3A_250] : memref<10240x128xf32, #tpu.memory_space<vmem_shared>> -> memref<80x128xf32, #tpu.memory_space<vmem_shared>>
      %dma_wait3A_252 = arith.constant 0 : i32
      %dma_wait3A_253 = tpu.memref_slice %arg8[%add3A_187, %dma_wait3A_252] : memref<10240x128xf32, #tpu.memory_space<vmem_shared>> -> memref<80x128xf32, #tpu.memory_space<vmem_shared>>
      %dma_wait3A_254 = arith.constant 0 : i32
      %dma_wait3A_255 = arith.constant 0 : i32
      %dma_wait3A_256 = tpu.memref_slice %arg11[%run_scoped3A_188, %dma_wait3A_254, %dma_wait3A_255] : memref<2x80x128xf32, #tpu.memory_space<vmem>> -> memref<1x80x128xf32, #tpu.memory_space<vmem>>
      %dma_wait3A_257 = tpu.memref_squeeze %dma_wait3A_256 : memref<1x80x128xf32, #tpu.memory_space<vmem>> -> memref<80x128xf32, #tpu.memory_space<vmem>>
      tpu.wait_dma2 semaphore(%run_scoped3A_234 : memref<!tpu.dma_semaphore, #tpu.memory_space<semaphore_mem>>) src(%dma_wait3A_257 : memref<80x128xf32, #tpu.memory_space<vmem>>) dst(%dma_wait3A_253 : memref<80x128xf32, #tpu.memory_space<vmem_shared>>)
      tpu.yield
    }) : () -> ()
    %mul3A_189 = arith.constant 640 : i32
    %mul3A_190 = arith.muli %arg1, %mul3A_189 : i32
    %add3A_191 = arith.constant 560 : i32
    %add3A_192 = arith.addi %mul3A_190, %add3A_191 : i32
    %run_scoped3A_193 = arith.constant 0 : i32
    "tpu.region"() ({
      %run_scoped3A_234 = tpu.sem_alloc : memref<!tpu.dma_semaphore, #tpu.memory_space<semaphore_mem>>
      %dma_start3A = arith.constant 0 : i32
      %dma_start3A_235 = arith.constant 0 : i32
      %dma_start3A_236 = tpu.memref_slice %arg11[%run_scoped3A_193, %dma_start3A, %dma_start3A_235] : memref<2x80x128xf32, #tpu.memory_space<vmem>> -> memref<1x80x128xf32, #tpu.memory_space<vmem>>
      %dma_start3A_237 = tpu.memref_squeeze %dma_start3A_236 : memref<1x80x128xf32, #tpu.memory_space<vmem>> -> memref<80x128xf32, #tpu.memory_space<vmem>>
      %dma_start3A_238 = arith.constant 0 : i32
      %dma_start3A_239 = tpu.memref_slice %arg8[%add3A_192, %dma_start3A_238] : memref<10240x128xf32, #tpu.memory_space<vmem_shared>> -> memref<80x128xf32, #tpu.memory_space<vmem_shared>>
      %dma_start3A_240 = arith.constant 0 : i32
      %dma_start3A_241 = tpu.memref_slice %arg8[%add3A_192, %dma_start3A_240] : memref<10240x128xf32, #tpu.memory_space<vmem_shared>> -> memref<80x128xf32, #tpu.memory_space<vmem_shared>>
      %dma_start3A_242 = arith.constant 0 : i32
      %dma_start3A_243 = arith.constant 0 : i32
      %dma_start3A_244 = tpu.memref_slice %arg11[%run_scoped3A_193, %dma_start3A_242, %dma_start3A_243] : memref<2x80x128xf32, #tpu.memory_space<vmem>> -> memref<1x80x128xf32, #tpu.memory_space<vmem>>
      %dma_start3A_245 = tpu.memref_squeeze %dma_start3A_244 : memref<1x80x128xf32, #tpu.memory_space<vmem>> -> memref<80x128xf32, #tpu.memory_space<vmem>>
      tpu.enqueue_dma source(%dma_start3A_245 : memref<80x128xf32, #tpu.memory_space<vmem>>) target(%dma_start3A_241 : memref<80x128xf32, #tpu.memory_space<vmem_shared>>) target_semaphore(%run_scoped3A_234 : memref<!tpu.dma_semaphore, #tpu.memory_space<semaphore_mem>>)
      %dma_wait3A_246 = arith.constant 0 : i32
      %dma_wait3A_247 = arith.constant 0 : i32
      %dma_wait3A_248 = tpu.memref_slice %arg11[%run_scoped3A_193, %dma_wait3A_246, %dma_wait3A_247] : memref<2x80x128xf32, #tpu.memory_space<vmem>> -> memref<1x80x128xf32, #tpu.memory_space<vmem>>
      %dma_wait3A_249 = tpu.memref_squeeze %dma_wait3A_248 : memref<1x80x128xf32, #tpu.memory_space<vmem>> -> memref<80x128xf32, #tpu.memory_space<vmem>>
      %dma_wait3A_250 = arith.constant 0 : i32
      %dma_wait3A_251 = tpu.memref_slice %arg8[%add3A_192, %dma_wait3A_250] : memref<10240x128xf32, #tpu.memory_space<vmem_shared>> -> memref<80x128xf32, #tpu.memory_space<vmem_shared>>
      %dma_wait3A_252 = arith.constant 0 : i32
      %dma_wait3A_253 = tpu.memref_slice %arg8[%add3A_192, %dma_wait3A_252] : memref<10240x128xf32, #tpu.memory_space<vmem_shared>> -> memref<80x128xf32, #tpu.memory_space<vmem_shared>>
      %dma_wait3A_254 = arith.constant 0 : i32
      %dma_wait3A_255 = arith.constant 0 : i32
      %dma_wait3A_256 = tpu.memref_slice %arg11[%run_scoped3A_193, %dma_wait3A_254, %dma_wait3A_255] : memref<2x80x128xf32, #tpu.memory_space<vmem>> -> memref<1x80x128xf32, #tpu.memory_space<vmem>>
      %dma_wait3A_257 = tpu.memref_squeeze %dma_wait3A_256 : memref<1x80x128xf32, #tpu.memory_space<vmem>> -> memref<80x128xf32, #tpu.memory_space<vmem>>
      tpu.wait_dma2 semaphore(%run_scoped3A_234 : memref<!tpu.dma_semaphore, #tpu.memory_space<semaphore_mem>>) src(%dma_wait3A_257 : memref<80x128xf32, #tpu.memory_space<vmem>>) dst(%dma_wait3A_253 : memref<80x128xf32, #tpu.memory_space<vmem_shared>>)
      tpu.yield
    }) : () -> ()
    %add3A_194 = arith.constant 32 : i32
    %add3A_195 = arith.addi %add3A_194, %arg1 : i32
    %mul3A_196 = arith.constant 10000 : i32
    %mul3A_197 = arith.muli %add3A_195, %mul3A_196 : i32
    "tpu.region"() ({
      %run_scoped3A_234 = tpu.sem_alloc : memref<!tpu.dma_semaphore, #tpu.memory_space<semaphore_mem>>
      %dma_start3A = tpu.memref_slice %arg4[%mul3A_197] : memref<480000xi32, #tpu.memory_space<hbm>> -> memref<10000xi32, #tpu.memory_space<hbm>>
      %dma_start3A_235 = tpu.memref_slice %arg4[%mul3A_197] : memref<480000xi32, #tpu.memory_space<hbm>> -> memref<10000xi32, #tpu.memory_space<hbm>>
      tpu.enqueue_dma source(%dma_start3A_235 : memref<10000xi32, #tpu.memory_space<hbm>>) target(%arg9 : memref<10000xi32, #tpu.memory_space<vmem>>) target_semaphore(%run_scoped3A_234 : memref<!tpu.dma_semaphore, #tpu.memory_space<semaphore_mem>>)
      %dma_wait3A_236 = tpu.memref_slice %arg4[%mul3A_197] : memref<480000xi32, #tpu.memory_space<hbm>> -> memref<10000xi32, #tpu.memory_space<hbm>>
      %dma_wait3A_237 = tpu.memref_slice %arg4[%mul3A_197] : memref<480000xi32, #tpu.memory_space<hbm>> -> memref<10000xi32, #tpu.memory_space<hbm>>
      tpu.wait_dma2 semaphore(%run_scoped3A_234 : memref<!tpu.dma_semaphore, #tpu.memory_space<semaphore_mem>>) src(%dma_wait3A_237 : memref<10000xi32, #tpu.memory_space<hbm>>) dst(%arg9 : memref<10000xi32, #tpu.memory_space<vmem>>)
      tpu.yield
    }) : () -> ()
    %run_scoped3A_198 = arith.constant 2 : i32
    "tpu.region"() ({
      %run_scoped3A_234 = tpu.sem_alloc : memref<!tpu.dma_semaphore, #tpu.memory_space<semaphore_mem>>
      %dma_start3A = arith.constant 0 : i32
      %dma_start3A_235 = arith.constant 0 : i32
      %dma_start3A_236 = tpu.memref_slice %arg5[%run_scoped3A_198, %arg1, %dma_start3A, %dma_start3A_235] : memref<3x16x125x80xi32, #tpu.memory_space<hbm>> -> memref<1x1x125x80xi32, #tpu.memory_space<hbm>>
      %dma_start3A_237 = tpu.memref_squeeze %dma_start3A_236 : memref<1x1x125x80xi32, #tpu.memory_space<hbm>> -> memref<125x80xi32, #tpu.memory_space<hbm>>
      %dma_start3A_238 = arith.constant 0 : i32
      %dma_start3A_239 = arith.constant 0 : i32
      %dma_start3A_240 = tpu.memref_slice %arg5[%run_scoped3A_198, %arg1, %dma_start3A_238, %dma_start3A_239] : memref<3x16x125x80xi32, #tpu.memory_space<hbm>> -> memref<1x1x125x80xi32, #tpu.memory_space<hbm>>
      %dma_start3A_241 = tpu.memref_squeeze %dma_start3A_240 : memref<1x1x125x80xi32, #tpu.memory_space<hbm>> -> memref<125x80xi32, #tpu.memory_space<hbm>>
      tpu.enqueue_dma source(%dma_start3A_241 : memref<125x80xi32, #tpu.memory_space<hbm>>) target(%arg10 : memref<125x80xi32, #tpu.memory_space<vmem>>) target_semaphore(%run_scoped3A_234 : memref<!tpu.dma_semaphore, #tpu.memory_space<semaphore_mem>>)
      %dma_wait3A_242 = arith.constant 0 : i32
      %dma_wait3A_243 = arith.constant 0 : i32
      %dma_wait3A_244 = tpu.memref_slice %arg5[%run_scoped3A_198, %arg1, %dma_wait3A_242, %dma_wait3A_243] : memref<3x16x125x80xi32, #tpu.memory_space<hbm>> -> memref<1x1x125x80xi32, #tpu.memory_space<hbm>>
      %dma_wait3A_245 = tpu.memref_squeeze %dma_wait3A_244 : memref<1x1x125x80xi32, #tpu.memory_space<hbm>> -> memref<125x80xi32, #tpu.memory_space<hbm>>
      %dma_wait3A_246 = arith.constant 0 : i32
      %dma_wait3A_247 = arith.constant 0 : i32
      %dma_wait3A_248 = tpu.memref_slice %arg5[%run_scoped3A_198, %arg1, %dma_wait3A_246, %dma_wait3A_247] : memref<3x16x125x80xi32, #tpu.memory_space<hbm>> -> memref<1x1x125x80xi32, #tpu.memory_space<hbm>>
      %dma_wait3A_249 = tpu.memref_squeeze %dma_wait3A_248 : memref<1x1x125x80xi32, #tpu.memory_space<hbm>> -> memref<125x80xi32, #tpu.memory_space<hbm>>
      tpu.wait_dma2 semaphore(%run_scoped3A_234 : memref<!tpu.dma_semaphore, #tpu.memory_space<semaphore_mem>>) src(%dma_wait3A_249 : memref<125x80xi32, #tpu.memory_space<hbm>>) dst(%arg10 : memref<125x80xi32, #tpu.memory_space<vmem>>)
      tpu.yield
    }) : () -> ()
    %eq3A_199 = arith.constant 0 : i32
    %eq3A_200 = arith.cmpi eq, %arg0, %eq3A_199 : i32
    %convert_element_type3A_201 = arith.extui %eq3A_200 : i1 to i32
    %cond3A_202 = arith.constant 0 : i32
    %cond3A_203 = arith.cmpi ne, %convert_element_type3A_201, %cond3A_202 : i32
    scf.if %cond3A_203 {
      %dma_start3A = arith.constant 0 : i32
      %dma_start3A_234 = arith.constant 0 : i32
      %dma_start3A_235 = arith.constant 0 : i32
      %dma_start3A_236 = tpu.memref_slice %arg11[%dma_start3A, %dma_start3A_234, %dma_start3A_235] : memref<2x80x128xf32, #tpu.memory_space<vmem>> -> memref<1x80x128xf32, #tpu.memory_space<vmem>>
      %dma_start3A_237 = tpu.memref_squeeze %dma_start3A_236 : memref<1x80x128xf32, #tpu.memory_space<vmem>> -> memref<80x128xf32, #tpu.memory_space<vmem>>
      %dma_start3A_238 = arith.constant 0 : i32
      %dma_start3A_239 = tpu.memref_slice %arg9[%dma_start3A_238] : memref<10000xi32, #tpu.memory_space<vmem>> -> memref<80xi32, #tpu.memory_space<vmem>>
      %dma_start3A_240 = arith.constant 0 : i32
      %dma_start3A_241 = arith.constant 0 : i32
      %dma_start3A_242 = tpu.memref_slice %arg2[%dma_start3A_240, %dma_start3A_241] : memref<30000x128xf32, #tpu.memory_space<hbm>> -> memref<30000x128xf32, #tpu.memory_space<hbm>>
      tpu.enqueue_indirect_dma source(%dma_start3A_242 : memref<30000x128xf32, #tpu.memory_space<hbm>>) target(%dma_start3A_237 : memref<80x128xf32, #tpu.memory_space<vmem>>) offsets(%dma_start3A_239 : memref<80xi32, #tpu.memory_space<vmem>>) semaphore(%arg12 : memref<!tpu.dma_semaphore, #tpu.memory_space<semaphore_mem>>)
    } else {
    }
    %eq3A_204 = arith.constant 1 : i32
    %eq3A_205 = arith.cmpi eq, %arg0, %eq3A_204 : i32
    %convert_element_type3A_206 = arith.extui %eq3A_205 : i1 to i32
    %cond3A_207 = arith.constant 0 : i32
    %cond3A_208 = arith.cmpi ne, %convert_element_type3A_206, %cond3A_207 : i32
    scf.if %cond3A_208 {
      %dma_start3A = arith.constant 0 : i32
      %dma_start3A_234 = arith.constant 0 : i32
      %dma_start3A_235 = arith.constant 0 : i32
      %dma_start3A_236 = tpu.memref_slice %arg11[%dma_start3A, %dma_start3A_234, %dma_start3A_235] : memref<2x80x128xf32, #tpu.memory_space<vmem>> -> memref<1x80x128xf32, #tpu.memory_space<vmem>>
      %dma_start3A_237 = tpu.memref_squeeze %dma_start3A_236 : memref<1x80x128xf32, #tpu.memory_space<vmem>> -> memref<80x128xf32, #tpu.memory_space<vmem>>
      %dma_start3A_238 = arith.constant 0 : i32
      %dma_start3A_239 = tpu.memref_slice %arg9[%dma_start3A_238] : memref<10000xi32, #tpu.memory_space<vmem>> -> memref<80xi32, #tpu.memory_space<vmem>>
      %dma_start3A_240 = arith.constant 0 : i32
      %dma_start3A_241 = arith.constant 0 : i32
      %dma_start3A_242 = tpu.memref_slice %arg3[%dma_start3A_240, %dma_start3A_241] : memref<30000x128xf32, #tpu.memory_space<hbm>> -> memref<30000x128xf32, #tpu.memory_space<hbm>>
      tpu.enqueue_indirect_dma source(%dma_start3A_242 : memref<30000x128xf32, #tpu.memory_space<hbm>>) target(%dma_start3A_237 : memref<80x128xf32, #tpu.memory_space<vmem>>) offsets(%dma_start3A_239 : memref<80xi32, #tpu.memory_space<vmem>>) semaphore(%arg12 : memref<!tpu.dma_semaphore, #tpu.memory_space<semaphore_mem>>)
    } else {
    }
    %barrier3A_209 = arith.constant 0 : index
    tpu.barrier barrier_id(%barrier3A_209)
    %scan3A_210 = arith.constant 0 : i32
    %scan3A_211 = arith.constant 0 : i32
    %scan3A_212 = arith.constant 125 : i32
    %scan3A_213 = arith.addi %scan3A_211, %scan3A_212 : i32
    %scan3A_214 = arith.constant 1 : i32
    scf.for %scan3A_234 = %scan3A_211 to %scan3A_213 step %scan3A_214  : i32 {
      %rem3A = arith.constant 2 : i32
      %rem3A_235 = arith.remsi %scan3A_234, %rem3A : i32
      %add3A_236 = arith.constant 1 : i32
      %add3A_237 = arith.addi %scan3A_234, %add3A_236 : i32
      %rem3A_238 = arith.constant 2 : i32
      %rem3A_239 = arith.remsi %add3A_237, %rem3A_238 : i32
      %ge3A = arith.constant 1 : i32
      %ge3A_240 = arith.cmpi sge, %scan3A_234, %ge3A : i32
      %convert_element_type3A_241 = arith.extui %ge3A_240 : i1 to i32
      %cond3A_242 = arith.constant 0 : i32
      %cond3A_243 = arith.cmpi ne, %convert_element_type3A_241, %cond3A_242 : i32
      scf.if %cond3A_243 {
        %sub3A = arith.constant 1 : i32
        %sub3A_269 = arith.subi %scan3A_234, %sub3A : i32
        %dma_wait3A_270 = arith.constant 0 : i32
        %dma_wait3A_271 = arith.constant 0 : i32
        %dma_wait3A_272 = tpu.memref_slice %arg11[%rem3A_239, %dma_wait3A_270, %dma_wait3A_271] : memref<2x80x128xf32, #tpu.memory_space<vmem>> -> memref<1x80x128xf32, #tpu.memory_space<vmem>>
        %dma_wait3A_273 = tpu.memref_squeeze %dma_wait3A_272 : memref<1x80x128xf32, #tpu.memory_space<vmem>> -> memref<80x128xf32, #tpu.memory_space<vmem>>
        %dma_wait3A_274 = arith.constant 0 : i32
        %dma_wait3A_275 = tpu.memref_slice %arg10[%sub3A_269, %dma_wait3A_274] : memref<125x80xi32, #tpu.memory_space<vmem>> -> memref<1x80xi32, #tpu.memory_space<vmem>>
        %dma_wait3A_276 = tpu.memref_squeeze %dma_wait3A_275 : memref<1x80xi32, #tpu.memory_space<vmem>> -> memref<80xi32, #tpu.memory_space<vmem>>
        %dma_wait3A_277 = arith.constant 0 : i32
        %dma_wait3A_278 = arith.constant 0 : i32
        %dma_wait3A_279 = tpu.memref_slice %arg8[%dma_wait3A_277, %dma_wait3A_278] : memref<10240x128xf32, #tpu.memory_space<vmem_shared>> -> memref<10240x128xf32, #tpu.memory_space<vmem_shared>>
        tpu.wait_indirect_dma semaphore(%arg13 : memref<!tpu.dma_semaphore, #tpu.memory_space<semaphore_mem>>) src(%dma_wait3A_273 : memref<80x128xf32, #tpu.memory_space<vmem>>) dst(%dma_wait3A_279 : memref<10240x128xf32, #tpu.memory_space<vmem_shared>>)
      } else {
      }
      %add3A_244 = arith.constant 1 : i32
      %add3A_245 = arith.addi %scan3A_234, %add3A_244 : i32
      %lt3A = arith.constant 125 : i32
      %lt3A_246 = arith.cmpi slt, %add3A_245, %lt3A : i32
      %convert_element_type3A_247 = arith.extui %lt3A_246 : i1 to i32
      %cond3A_248 = arith.constant 0 : i32
      %cond3A_249 = arith.cmpi ne, %convert_element_type3A_247, %cond3A_248 : i32
      scf.if %cond3A_249 {
        %add3A_269 = arith.constant 1 : i32
        %add3A_270 = arith.addi %scan3A_234, %add3A_269 : i32
        %mul3A_271 = arith.constant 80 : i32
        %mul3A_272 = arith.muli %add3A_270, %mul3A_271 : i32
        %eq3A_273 = arith.constant 0 : i32
        %eq3A_274 = arith.cmpi eq, %arg0, %eq3A_273 : i32
        %convert_element_type3A_275 = arith.extui %eq3A_274 : i1 to i32
        %cond3A_276 = arith.constant 0 : i32
        %cond3A_277 = arith.cmpi ne, %convert_element_type3A_275, %cond3A_276 : i32
        scf.if %cond3A_277 {
          %dma_start3A_283 = arith.constant 0 : i32
          %dma_start3A_284 = arith.constant 0 : i32
          %dma_start3A_285 = tpu.memref_slice %arg11[%rem3A_239, %dma_start3A_283, %dma_start3A_284] : memref<2x80x128xf32, #tpu.memory_space<vmem>> -> memref<1x80x128xf32, #tpu.memory_space<vmem>>
          %dma_start3A_286 = tpu.memref_squeeze %dma_start3A_285 : memref<1x80x128xf32, #tpu.memory_space<vmem>> -> memref<80x128xf32, #tpu.memory_space<vmem>>
          %dma_start3A_287 = tpu.memref_slice %arg9[%mul3A_272] : memref<10000xi32, #tpu.memory_space<vmem>> -> memref<80xi32, #tpu.memory_space<vmem>>
          %dma_start3A_288 = arith.constant 0 : i32
          %dma_start3A_289 = arith.constant 0 : i32
          %dma_start3A_290 = tpu.memref_slice %arg2[%dma_start3A_288, %dma_start3A_289] : memref<30000x128xf32, #tpu.memory_space<hbm>> -> memref<30000x128xf32, #tpu.memory_space<hbm>>
          tpu.enqueue_indirect_dma source(%dma_start3A_290 : memref<30000x128xf32, #tpu.memory_space<hbm>>) target(%dma_start3A_286 : memref<80x128xf32, #tpu.memory_space<vmem>>) offsets(%dma_start3A_287 : memref<80xi32, #tpu.memory_space<vmem>>) semaphore(%arg12 : memref<!tpu.dma_semaphore, #tpu.memory_space<semaphore_mem>>)
        } else {
        }
        %eq3A_278 = arith.constant 1 : i32
        %eq3A_279 = arith.cmpi eq, %arg0, %eq3A_278 : i32
        %convert_element_type3A_280 = arith.extui %eq3A_279 : i1 to i32
        %cond3A_281 = arith.constant 0 : i32
        %cond3A_282 = arith.cmpi ne, %convert_element_type3A_280, %cond3A_281 : i32
        scf.if %cond3A_282 {
          %dma_start3A_283 = arith.constant 0 : i32
          %dma_start3A_284 = arith.constant 0 : i32
          %dma_start3A_285 = tpu.memref_slice %arg11[%rem3A_239, %dma_start3A_283, %dma_start3A_284] : memref<2x80x128xf32, #tpu.memory_space<vmem>> -> memref<1x80x128xf32, #tpu.memory_space<vmem>>
          %dma_start3A_286 = tpu.memref_squeeze %dma_start3A_285 : memref<1x80x128xf32, #tpu.memory_space<vmem>> -> memref<80x128xf32, #tpu.memory_space<vmem>>
          %dma_start3A_287 = tpu.memref_slice %arg9[%mul3A_272] : memref<10000xi32, #tpu.memory_space<vmem>> -> memref<80xi32, #tpu.memory_space<vmem>>
          %dma_start3A_288 = arith.constant 0 : i32
          %dma_start3A_289 = arith.constant 0 : i32
          %dma_start3A_290 = tpu.memref_slice %arg3[%dma_start3A_288, %dma_start3A_289] : memref<30000x128xf32, #tpu.memory_space<hbm>> -> memref<30000x128xf32, #tpu.memory_space<hbm>>
          tpu.enqueue_indirect_dma source(%dma_start3A_290 : memref<30000x128xf32, #tpu.memory_space<hbm>>) target(%dma_start3A_286 : memref<80x128xf32, #tpu.memory_space<vmem>>) offsets(%dma_start3A_287 : memref<80xi32, #tpu.memory_space<vmem>>) semaphore(%arg12 : memref<!tpu.dma_semaphore, #tpu.memory_space<semaphore_mem>>)
        } else {
        }
      } else {
      }
      %mul3A_250 = arith.constant 80 : i32
      %mul3A_251 = arith.muli %scan3A_234, %mul3A_250 : i32
      %dma_wait3A_252 = arith.constant 0 : i32
      %dma_wait3A_253 = arith.constant 0 : i32
      %dma_wait3A_254 = tpu.memref_slice %arg11[%rem3A_235, %dma_wait3A_252, %dma_wait3A_253] : memref<2x80x128xf32, #tpu.memory_space<vmem>> -> memref<1x80x128xf32, #tpu.memory_space<vmem>>
      %dma_wait3A_255 = tpu.memref_squeeze %dma_wait3A_254 : memref<1x80x128xf32, #tpu.memory_space<vmem>> -> memref<80x128xf32, #tpu.memory_space<vmem>>
      %dma_wait3A_256 = tpu.memref_slice %arg9[%mul3A_251] : memref<10000xi32, #tpu.memory_space<vmem>> -> memref<80xi32, #tpu.memory_space<vmem>>
      %dma_wait3A_257 = arith.constant 0 : i32
      %dma_wait3A_258 = arith.constant 0 : i32
      %dma_wait3A_259 = tpu.memref_slice %arg2[%dma_wait3A_257, %dma_wait3A_258] : memref<30000x128xf32, #tpu.memory_space<hbm>> -> memref<30000x128xf32, #tpu.memory_space<hbm>>
      tpu.wait_indirect_dma semaphore(%arg12 : memref<!tpu.dma_semaphore, #tpu.memory_space<semaphore_mem>>) src(%dma_wait3A_259 : memref<30000x128xf32, #tpu.memory_space<hbm>>) dst(%dma_wait3A_255 : memref<80x128xf32, #tpu.memory_space<vmem>>)
      %dma_start3A = arith.constant 0 : i32
      %dma_start3A_260 = arith.constant 0 : i32
      %dma_start3A_261 = tpu.memref_slice %arg11[%rem3A_235, %dma_start3A, %dma_start3A_260] : memref<2x80x128xf32, #tpu.memory_space<vmem>> -> memref<1x80x128xf32, #tpu.memory_space<vmem>>
      %dma_start3A_262 = tpu.memref_squeeze %dma_start3A_261 : memref<1x80x128xf32, #tpu.memory_space<vmem>> -> memref<80x128xf32, #tpu.memory_space<vmem>>
      %dma_start3A_263 = arith.constant 0 : i32
      %dma_start3A_264 = tpu.memref_slice %arg10[%scan3A_234, %dma_start3A_263] : memref<125x80xi32, #tpu.memory_space<vmem>> -> memref<1x80xi32, #tpu.memory_space<vmem>>
      %dma_start3A_265 = tpu.memref_squeeze %dma_start3A_264 : memref<1x80xi32, #tpu.memory_space<vmem>> -> memref<80xi32, #tpu.memory_space<vmem>>
      %dma_start3A_266 = arith.constant 0 : i32
      %dma_start3A_267 = arith.constant 0 : i32
      %dma_start3A_268 = tpu.memref_slice %arg8[%dma_start3A_266, %dma_start3A_267] : memref<10240x128xf32, #tpu.memory_space<vmem_shared>> -> memref<10240x128xf32, #tpu.memory_space<vmem_shared>>
      tpu.enqueue_indirect_dma source(%dma_start3A_262 : memref<80x128xf32, #tpu.memory_space<vmem>>) target(%dma_start3A_268 : memref<10240x128xf32, #tpu.memory_space<vmem_shared>>) offsets(%dma_start3A_265 : memref<80xi32, #tpu.memory_space<vmem>>) semaphore(%arg13 : memref<!tpu.dma_semaphore, #tpu.memory_space<semaphore_mem>>) {add = true}
    }
    %scan3A_215 = arith.constant 125 : i32
    %dma_wait3A_216 = arith.constant 0 : i32
    %dma_wait3A_217 = arith.constant 124 : i32
    %dma_wait3A_218 = arith.constant 0 : i32
    %dma_wait3A_219 = arith.constant 0 : i32
    %dma_wait3A_220 = tpu.memref_slice %arg11[%dma_wait3A_216, %dma_wait3A_218, %dma_wait3A_219] : memref<2x80x128xf32, #tpu.memory_space<vmem>> -> memref<1x80x128xf32, #tpu.memory_space<vmem>>
    %dma_wait3A_221 = tpu.memref_squeeze %dma_wait3A_220 : memref<1x80x128xf32, #tpu.memory_space<vmem>> -> memref<80x128xf32, #tpu.memory_space<vmem>>
    %dma_wait3A_222 = arith.constant 0 : i32
    %dma_wait3A_223 = tpu.memref_slice %arg10[%dma_wait3A_217, %dma_wait3A_222] : memref<125x80xi32, #tpu.memory_space<vmem>> -> memref<1x80xi32, #tpu.memory_space<vmem>>
    %dma_wait3A_224 = tpu.memref_squeeze %dma_wait3A_223 : memref<1x80xi32, #tpu.memory_space<vmem>> -> memref<80xi32, #tpu.memory_space<vmem>>
    %dma_wait3A_225 = arith.constant 0 : i32
    %dma_wait3A_226 = arith.constant 0 : i32
    %dma_wait3A_227 = tpu.memref_slice %arg8[%dma_wait3A_225, %dma_wait3A_226] : memref<10240x128xf32, #tpu.memory_space<vmem_shared>> -> memref<10240x128xf32, #tpu.memory_space<vmem_shared>>
    tpu.wait_indirect_dma semaphore(%arg13 : memref<!tpu.dma_semaphore, #tpu.memory_space<semaphore_mem>>) src(%dma_wait3A_221 : memref<80x128xf32, #tpu.memory_space<vmem>>) dst(%dma_wait3A_227 : memref<10240x128xf32, #tpu.memory_space<vmem_shared>>)
    %barrier3A_228 = arith.constant 0 : index
    tpu.barrier barrier_id(%barrier3A_228)
    %mul3A_229 = arith.constant 640 : i32
    %mul3A_230 = arith.muli %arg1, %mul3A_229 : i32
    %mul3A_231 = arith.constant 640 : i32
    %mul3A_232 = arith.muli %arg1, %mul3A_231 : i32
    %run_scoped3A_233 = arith.constant 2 : i32
    "tpu.region"() ({
      %run_scoped3A_234 = tpu.sem_alloc : memref<!tpu.dma_semaphore, #tpu.memory_space<semaphore_mem>>
      %dma_start3A = arith.constant 0 : i32
      %dma_start3A_235 = tpu.memref_slice %arg7[%run_scoped3A_233, %arg0, %mul3A_232, %dma_start3A] : memref<3x2x10240x128xf32, #tpu.memory_space<hbm>> -> memref<1x1x640x128xf32, #tpu.memory_space<hbm>>
      %dma_start3A_236 = tpu.memref_squeeze %dma_start3A_235 : memref<1x1x640x128xf32, #tpu.memory_space<hbm>> -> memref<640x128xf32, #tpu.memory_space<hbm>>
      %dma_start3A_237 = arith.constant 0 : i32
      %dma_start3A_238 = tpu.memref_slice %arg8[%mul3A_230, %dma_start3A_237] : memref<10240x128xf32, #tpu.memory_space<vmem_shared>> -> memref<640x128xf32, #tpu.memory_space<vmem_shared>>
      tpu.enqueue_dma source(%dma_start3A_238 : memref<640x128xf32, #tpu.memory_space<vmem_shared>>) target(%dma_start3A_236 : memref<640x128xf32, #tpu.memory_space<hbm>>) target_semaphore(%run_scoped3A_234 : memref<!tpu.dma_semaphore, #tpu.memory_space<semaphore_mem>>)
      %dma_wait3A_239 = arith.constant 0 : i32
      %dma_wait3A_240 = tpu.memref_slice %arg7[%run_scoped3A_233, %arg0, %mul3A_232, %dma_wait3A_239] : memref<3x2x10240x128xf32, #tpu.memory_space<hbm>> -> memref<1x1x640x128xf32, #tpu.memory_space<hbm>>
      %dma_wait3A_241 = tpu.memref_squeeze %dma_wait3A_240 : memref<1x1x640x128xf32, #tpu.memory_space<hbm>> -> memref<640x128xf32, #tpu.memory_space<hbm>>
      %dma_wait3A_242 = arith.constant 0 : i32
      %dma_wait3A_243 = tpu.memref_slice %arg8[%mul3A_230, %dma_wait3A_242] : memref<10240x128xf32, #tpu.memory_space<vmem_shared>> -> memref<640x128xf32, #tpu.memory_space<vmem_shared>>
      tpu.wait_dma2 semaphore(%run_scoped3A_234 : memref<!tpu.dma_semaphore, #tpu.memory_space<semaphore_mem>>) src(%dma_wait3A_243 : memref<640x128xf32, #tpu.memory_space<vmem_shared>>) dst(%dma_wait3A_241 : memref<640x128xf32, #tpu.memory_space<hbm>>)
      tpu.yield
    }) : () -> ()
    return
  }
}

#map = affine_map<(d0, d1) -> (0, 0, 0, 0)>
#map1 = affine_map<(d0, d1) -> (0)>
#map2 = affine_map<(d0, d1) -> (0, 0, 0)>
module attributes {stable_mosaic.version = 14 : i64} {
  func.func @_deg_body(%arg0: i32, %arg1: i32, %arg2: memref<6x16x125x80xi32, #tpu.memory_space<hbm>>, %arg3: memref<10000xf32, #tpu.memory_space<hbm>>, %arg4: memref<80xf32, #tpu.memory_space<hbm>>, %arg5: memref<6x1x10000xf32, #tpu.memory_space<hbm>>, %arg6: memref<10000xf32, #tpu.memory_space<vmem_shared>>, %arg7: memref<10000xf32, #tpu.memory_space<vmem_shared>>, %arg8: memref<10000xf32, #tpu.memory_space<vmem_shared>>, %arg9: memref<125x80xi32, #tpu.memory_space<vmem>>, %arg10: memref<80xf32, #tpu.memory_space<vmem>>, %arg11: memref<10000xf32, #tpu.memory_space<vmem>>, %arg12: memref<1x10000xf32, #tpu.memory_space<vmem>>) attributes {dimension_semantics = [#tpu.dimension_semantics<core_parallel>, #tpu.dimension_semantics<subcore_parallel>], iteration_bounds = array<i64: 2, 16>, scalar_prefetch = 0 : i64, scratch_operands = 7 : i64, tpu.core_type = #tpu.core_type<sc_vector_subcore>, window_params = [{transform_indices = #map}, {transform_indices = #map1}, {transform_indices = #map1}, {transform_indices = #map2}]} {
    "tpu.region"() ({
      %run_scoped3A = tpu.sem_alloc : memref<!tpu.dma_semaphore, #tpu.memory_space<semaphore_mem>>
      tpu.enqueue_dma source(%arg4 : memref<80xf32, #tpu.memory_space<hbm>>) target(%arg10 : memref<80xf32, #tpu.memory_space<vmem>>) target_semaphore(%run_scoped3A : memref<!tpu.dma_semaphore, #tpu.memory_space<semaphore_mem>>)
      tpu.wait_dma2 semaphore(%run_scoped3A : memref<!tpu.dma_semaphore, #tpu.memory_space<semaphore_mem>>) src(%arg4 : memref<80xf32, #tpu.memory_space<hbm>>) dst(%arg10 : memref<80xf32, #tpu.memory_space<vmem>>)
      tpu.yield
    }) : () -> ()
    %lt3A = arith.constant 3 : i32
    %lt3A_0 = arith.cmpi slt, %arg1, %lt3A : i32
    %convert_element_type3A = arith.extui %lt3A_0 : i1 to i32
    %cond3A = arith.constant 0 : i32
    %cond3A_1 = arith.cmpi ne, %convert_element_type3A, %cond3A : i32
    scf.if %cond3A_1 {
      "tpu.region"() ({
        %run_scoped3A = tpu.sem_alloc : memref<!tpu.dma_semaphore, #tpu.memory_space<semaphore_mem>>
        tpu.enqueue_dma source(%arg3 : memref<10000xf32, #tpu.memory_space<hbm>>) target(%arg11 : memref<10000xf32, #tpu.memory_space<vmem>>) target_semaphore(%run_scoped3A : memref<!tpu.dma_semaphore, #tpu.memory_space<semaphore_mem>>)
        tpu.wait_dma2 semaphore(%run_scoped3A : memref<!tpu.dma_semaphore, #tpu.memory_space<semaphore_mem>>) src(%arg3 : memref<10000xf32, #tpu.memory_space<hbm>>) dst(%arg11 : memref<10000xf32, #tpu.memory_space<vmem>>)
        tpu.yield
      }) : () -> ()
    } else {
    }
    %eq3A = arith.constant 0 : i32
    %eq3A_2 = arith.cmpi eq, %arg1, %eq3A : i32
    %convert_element_type3A_3 = arith.extui %eq3A_2 : i1 to i32
    %cond3A_4 = arith.constant 0 : i32
    %cond3A_5 = arith.cmpi ne, %convert_element_type3A_3, %cond3A_4 : i32
    scf.if %cond3A_5 {
      "tpu.region"() ({
        %run_scoped3A = tpu.sem_alloc : memref<!tpu.dma_semaphore, #tpu.memory_space<semaphore_mem>>
        tpu.enqueue_dma source(%arg11 : memref<10000xf32, #tpu.memory_space<vmem>>) target(%arg6 : memref<10000xf32, #tpu.memory_space<vmem_shared>>) target_semaphore(%run_scoped3A : memref<!tpu.dma_semaphore, #tpu.memory_space<semaphore_mem>>)
        tpu.wait_dma2 semaphore(%run_scoped3A : memref<!tpu.dma_semaphore, #tpu.memory_space<semaphore_mem>>) src(%arg11 : memref<10000xf32, #tpu.memory_space<vmem>>) dst(%arg6 : memref<10000xf32, #tpu.memory_space<vmem_shared>>)
        tpu.yield
      }) : () -> ()
    } else {
    }
    %eq3A_6 = arith.constant 1 : i32
    %eq3A_7 = arith.cmpi eq, %arg1, %eq3A_6 : i32
    %convert_element_type3A_8 = arith.extui %eq3A_7 : i1 to i32
    %cond3A_9 = arith.constant 0 : i32
    %cond3A_10 = arith.cmpi ne, %convert_element_type3A_8, %cond3A_9 : i32
    scf.if %cond3A_10 {
      "tpu.region"() ({
        %run_scoped3A = tpu.sem_alloc : memref<!tpu.dma_semaphore, #tpu.memory_space<semaphore_mem>>
        tpu.enqueue_dma source(%arg11 : memref<10000xf32, #tpu.memory_space<vmem>>) target(%arg7 : memref<10000xf32, #tpu.memory_space<vmem_shared>>) target_semaphore(%run_scoped3A : memref<!tpu.dma_semaphore, #tpu.memory_space<semaphore_mem>>)
        tpu.wait_dma2 semaphore(%run_scoped3A : memref<!tpu.dma_semaphore, #tpu.memory_space<semaphore_mem>>) src(%arg11 : memref<10000xf32, #tpu.memory_space<vmem>>) dst(%arg7 : memref<10000xf32, #tpu.memory_space<vmem_shared>>)
        tpu.yield
      }) : () -> ()
    } else {
    }
    %eq3A_11 = arith.constant 2 : i32
    %eq3A_12 = arith.cmpi eq, %arg1, %eq3A_11 : i32
    %convert_element_type3A_13 = arith.extui %eq3A_12 : i1 to i32
    %cond3A_14 = arith.constant 0 : i32
    %cond3A_15 = arith.cmpi ne, %convert_element_type3A_13, %cond3A_14 : i32
    scf.if %cond3A_15 {
      "tpu.region"() ({
        %run_scoped3A = tpu.sem_alloc : memref<!tpu.dma_semaphore, #tpu.memory_space<semaphore_mem>>
        tpu.enqueue_dma source(%arg11 : memref<10000xf32, #tpu.memory_space<vmem>>) target(%arg8 : memref<10000xf32, #tpu.memory_space<vmem_shared>>) target_semaphore(%run_scoped3A : memref<!tpu.dma_semaphore, #tpu.memory_space<semaphore_mem>>)
        tpu.wait_dma2 semaphore(%run_scoped3A : memref<!tpu.dma_semaphore, #tpu.memory_space<semaphore_mem>>) src(%arg11 : memref<10000xf32, #tpu.memory_space<vmem>>) dst(%arg8 : memref<10000xf32, #tpu.memory_space<vmem_shared>>)
        tpu.yield
      }) : () -> ()
    } else {
    }
    %barrier3A = arith.constant 0 : index
    tpu.barrier barrier_id(%barrier3A)
    %mul3A = arith.constant 3 : i32
    %mul3A_16 = arith.muli %arg0, %mul3A : i32
    %add3A = arith.constant 0 : i32
    %add3A_17 = arith.addi %mul3A_16, %add3A : i32
    "tpu.region"() ({
      %run_scoped3A = tpu.sem_alloc : memref<!tpu.dma_semaphore, #tpu.memory_space<semaphore_mem>>
      %dma_start3A = arith.constant 0 : i32
      %dma_start3A_59 = arith.constant 0 : i32
      %dma_start3A_60 = tpu.memref_slice %arg2[%add3A_17, %arg1, %dma_start3A, %dma_start3A_59] : memref<6x16x125x80xi32, #tpu.memory_space<hbm>> -> memref<1x1x125x80xi32, #tpu.memory_space<hbm>>
      %dma_start3A_61 = tpu.memref_squeeze %dma_start3A_60 : memref<1x1x125x80xi32, #tpu.memory_space<hbm>> -> memref<125x80xi32, #tpu.memory_space<hbm>>
      %dma_start3A_62 = arith.constant 0 : i32
      %dma_start3A_63 = arith.constant 0 : i32
      %dma_start3A_64 = tpu.memref_slice %arg2[%add3A_17, %arg1, %dma_start3A_62, %dma_start3A_63] : memref<6x16x125x80xi32, #tpu.memory_space<hbm>> -> memref<1x1x125x80xi32, #tpu.memory_space<hbm>>
      %dma_start3A_65 = tpu.memref_squeeze %dma_start3A_64 : memref<1x1x125x80xi32, #tpu.memory_space<hbm>> -> memref<125x80xi32, #tpu.memory_space<hbm>>
      tpu.enqueue_dma source(%dma_start3A_65 : memref<125x80xi32, #tpu.memory_space<hbm>>) target(%arg9 : memref<125x80xi32, #tpu.memory_space<vmem>>) target_semaphore(%run_scoped3A : memref<!tpu.dma_semaphore, #tpu.memory_space<semaphore_mem>>)
      %dma_wait3A = arith.constant 0 : i32
      %dma_wait3A_66 = arith.constant 0 : i32
      %dma_wait3A_67 = tpu.memref_slice %arg2[%add3A_17, %arg1, %dma_wait3A, %dma_wait3A_66] : memref<6x16x125x80xi32, #tpu.memory_space<hbm>> -> memref<1x1x125x80xi32, #tpu.memory_space<hbm>>
      %dma_wait3A_68 = tpu.memref_squeeze %dma_wait3A_67 : memref<1x1x125x80xi32, #tpu.memory_space<hbm>> -> memref<125x80xi32, #tpu.memory_space<hbm>>
      %dma_wait3A_69 = arith.constant 0 : i32
      %dma_wait3A_70 = arith.constant 0 : i32
      %dma_wait3A_71 = tpu.memref_slice %arg2[%add3A_17, %arg1, %dma_wait3A_69, %dma_wait3A_70] : memref<6x16x125x80xi32, #tpu.memory_space<hbm>> -> memref<1x1x125x80xi32, #tpu.memory_space<hbm>>
      %dma_wait3A_72 = tpu.memref_squeeze %dma_wait3A_71 : memref<1x1x125x80xi32, #tpu.memory_space<hbm>> -> memref<125x80xi32, #tpu.memory_space<hbm>>
      tpu.wait_dma2 semaphore(%run_scoped3A : memref<!tpu.dma_semaphore, #tpu.memory_space<semaphore_mem>>) src(%dma_wait3A_72 : memref<125x80xi32, #tpu.memory_space<hbm>>) dst(%arg9 : memref<125x80xi32, #tpu.memory_space<vmem>>)
      tpu.yield
    }) : () -> ()
    %scan3A = arith.constant 0 : i32
    %scan3A_18 = arith.constant 0 : i32
    %scan3A_19 = arith.constant 125 : i32
    %scan3A_20 = arith.addi %scan3A_18, %scan3A_19 : i32
    %scan3A_21 = arith.constant 1 : i32
    scf.for %scan3A_59 = %scan3A_18 to %scan3A_20 step %scan3A_21  : i32 {
      "tpu.region"() ({
        %run_scoped3A = tpu.sem_alloc : memref<!tpu.dma_semaphore, #tpu.memory_space<semaphore_mem>>
        %dma_start3A = arith.constant 0 : i32
        %dma_start3A_60 = tpu.memref_slice %arg9[%scan3A_59, %dma_start3A] : memref<125x80xi32, #tpu.memory_space<vmem>> -> memref<1x80xi32, #tpu.memory_space<vmem>>
        %dma_start3A_61 = tpu.memref_squeeze %dma_start3A_60 : memref<1x80xi32, #tpu.memory_space<vmem>> -> memref<80xi32, #tpu.memory_space<vmem>>
        %dma_start3A_62 = arith.constant 0 : i32
        %dma_start3A_63 = tpu.memref_slice %arg6[%dma_start3A_62] : memref<10000xf32, #tpu.memory_space<vmem_shared>> -> memref<10000xf32, #tpu.memory_space<vmem_shared>>
        tpu.enqueue_indirect_dma source(%arg10 : memref<80xf32, #tpu.memory_space<vmem>>) target(%dma_start3A_63 : memref<10000xf32, #tpu.memory_space<vmem_shared>>) offsets(%dma_start3A_61 : memref<80xi32, #tpu.memory_space<vmem>>) semaphore(%run_scoped3A : memref<!tpu.dma_semaphore, #tpu.memory_space<semaphore_mem>>) {add = true}
        %dma_wait3A = arith.constant 0 : i32
        %dma_wait3A_64 = tpu.memref_slice %arg9[%scan3A_59, %dma_wait3A] : memref<125x80xi32, #tpu.memory_space<vmem>> -> memref<1x80xi32, #tpu.memory_space<vmem>>
        %dma_wait3A_65 = tpu.memref_squeeze %dma_wait3A_64 : memref<1x80xi32, #tpu.memory_space<vmem>> -> memref<80xi32, #tpu.memory_space<vmem>>
        %dma_wait3A_66 = arith.constant 0 : i32
        %dma_wait3A_67 = tpu.memref_slice %arg6[%dma_wait3A_66] : memref<10000xf32, #tpu.memory_space<vmem_shared>> -> memref<10000xf32, #tpu.memory_space<vmem_shared>>
        tpu.wait_indirect_dma semaphore(%run_scoped3A : memref<!tpu.dma_semaphore, #tpu.memory_space<semaphore_mem>>) src(%arg10 : memref<80xf32, #tpu.memory_space<vmem>>) dst(%dma_wait3A_67 : memref<10000xf32, #tpu.memory_space<vmem_shared>>)
        tpu.yield
      }) : () -> ()
    }
    %scan3A_22 = arith.constant 125 : i32
    %mul3A_23 = arith.constant 3 : i32
    %mul3A_24 = arith.muli %arg0, %mul3A_23 : i32
    %add3A_25 = arith.constant 1 : i32
    %add3A_26 = arith.addi %mul3A_24, %add3A_25 : i32
    "tpu.region"() ({
      %run_scoped3A = tpu.sem_alloc : memref<!tpu.dma_semaphore, #tpu.memory_space<semaphore_mem>>
      %dma_start3A = arith.constant 0 : i32
      %dma_start3A_59 = arith.constant 0 : i32
      %dma_start3A_60 = tpu.memref_slice %arg2[%add3A_26, %arg1, %dma_start3A, %dma_start3A_59] : memref<6x16x125x80xi32, #tpu.memory_space<hbm>> -> memref<1x1x125x80xi32, #tpu.memory_space<hbm>>
      %dma_start3A_61 = tpu.memref_squeeze %dma_start3A_60 : memref<1x1x125x80xi32, #tpu.memory_space<hbm>> -> memref<125x80xi32, #tpu.memory_space<hbm>>
      %dma_start3A_62 = arith.constant 0 : i32
      %dma_start3A_63 = arith.constant 0 : i32
      %dma_start3A_64 = tpu.memref_slice %arg2[%add3A_26, %arg1, %dma_start3A_62, %dma_start3A_63] : memref<6x16x125x80xi32, #tpu.memory_space<hbm>> -> memref<1x1x125x80xi32, #tpu.memory_space<hbm>>
      %dma_start3A_65 = tpu.memref_squeeze %dma_start3A_64 : memref<1x1x125x80xi32, #tpu.memory_space<hbm>> -> memref<125x80xi32, #tpu.memory_space<hbm>>
      tpu.enqueue_dma source(%dma_start3A_65 : memref<125x80xi32, #tpu.memory_space<hbm>>) target(%arg9 : memref<125x80xi32, #tpu.memory_space<vmem>>) target_semaphore(%run_scoped3A : memref<!tpu.dma_semaphore, #tpu.memory_space<semaphore_mem>>)
      %dma_wait3A = arith.constant 0 : i32
      %dma_wait3A_66 = arith.constant 0 : i32
      %dma_wait3A_67 = tpu.memref_slice %arg2[%add3A_26, %arg1, %dma_wait3A, %dma_wait3A_66] : memref<6x16x125x80xi32, #tpu.memory_space<hbm>> -> memref<1x1x125x80xi32, #tpu.memory_space<hbm>>
      %dma_wait3A_68 = tpu.memref_squeeze %dma_wait3A_67 : memref<1x1x125x80xi32, #tpu.memory_space<hbm>> -> memref<125x80xi32, #tpu.memory_space<hbm>>
      %dma_wait3A_69 = arith.constant 0 : i32
      %dma_wait3A_70 = arith.constant 0 : i32
      %dma_wait3A_71 = tpu.memref_slice %arg2[%add3A_26, %arg1, %dma_wait3A_69, %dma_wait3A_70] : memref<6x16x125x80xi32, #tpu.memory_space<hbm>> -> memref<1x1x125x80xi32, #tpu.memory_space<hbm>>
      %dma_wait3A_72 = tpu.memref_squeeze %dma_wait3A_71 : memref<1x1x125x80xi32, #tpu.memory_space<hbm>> -> memref<125x80xi32, #tpu.memory_space<hbm>>
      tpu.wait_dma2 semaphore(%run_scoped3A : memref<!tpu.dma_semaphore, #tpu.memory_space<semaphore_mem>>) src(%dma_wait3A_72 : memref<125x80xi32, #tpu.memory_space<hbm>>) dst(%arg9 : memref<125x80xi32, #tpu.memory_space<vmem>>)
      tpu.yield
    }) : () -> ()
    %scan3A_27 = arith.constant 0 : i32
    %scan3A_28 = arith.constant 0 : i32
    %scan3A_29 = arith.constant 125 : i32
    %scan3A_30 = arith.addi %scan3A_28, %scan3A_29 : i32
    %scan3A_31 = arith.constant 1 : i32
    scf.for %scan3A_59 = %scan3A_28 to %scan3A_30 step %scan3A_31  : i32 {
      "tpu.region"() ({
        %run_scoped3A = tpu.sem_alloc : memref<!tpu.dma_semaphore, #tpu.memory_space<semaphore_mem>>
        %dma_start3A = arith.constant 0 : i32
        %dma_start3A_60 = tpu.memref_slice %arg9[%scan3A_59, %dma_start3A] : memref<125x80xi32, #tpu.memory_space<vmem>> -> memref<1x80xi32, #tpu.memory_space<vmem>>
        %dma_start3A_61 = tpu.memref_squeeze %dma_start3A_60 : memref<1x80xi32, #tpu.memory_space<vmem>> -> memref<80xi32, #tpu.memory_space<vmem>>
        %dma_start3A_62 = arith.constant 0 : i32
        %dma_start3A_63 = tpu.memref_slice %arg7[%dma_start3A_62] : memref<10000xf32, #tpu.memory_space<vmem_shared>> -> memref<10000xf32, #tpu.memory_space<vmem_shared>>
        tpu.enqueue_indirect_dma source(%arg10 : memref<80xf32, #tpu.memory_space<vmem>>) target(%dma_start3A_63 : memref<10000xf32, #tpu.memory_space<vmem_shared>>) offsets(%dma_start3A_61 : memref<80xi32, #tpu.memory_space<vmem>>) semaphore(%run_scoped3A : memref<!tpu.dma_semaphore, #tpu.memory_space<semaphore_mem>>) {add = true}
        %dma_wait3A = arith.constant 0 : i32
        %dma_wait3A_64 = tpu.memref_slice %arg9[%scan3A_59, %dma_wait3A] : memref<125x80xi32, #tpu.memory_space<vmem>> -> memref<1x80xi32, #tpu.memory_space<vmem>>
        %dma_wait3A_65 = tpu.memref_squeeze %dma_wait3A_64 : memref<1x80xi32, #tpu.memory_space<vmem>> -> memref<80xi32, #tpu.memory_space<vmem>>
        %dma_wait3A_66 = arith.constant 0 : i32
        %dma_wait3A_67 = tpu.memref_slice %arg7[%dma_wait3A_66] : memref<10000xf32, #tpu.memory_space<vmem_shared>> -> memref<10000xf32, #tpu.memory_space<vmem_shared>>
        tpu.wait_indirect_dma semaphore(%run_scoped3A : memref<!tpu.dma_semaphore, #tpu.memory_space<semaphore_mem>>) src(%arg10 : memref<80xf32, #tpu.memory_space<vmem>>) dst(%dma_wait3A_67 : memref<10000xf32, #tpu.memory_space<vmem_shared>>)
        tpu.yield
      }) : () -> ()
    }
    %scan3A_32 = arith.constant 125 : i32
    %mul3A_33 = arith.constant 3 : i32
    %mul3A_34 = arith.muli %arg0, %mul3A_33 : i32
    %add3A_35 = arith.constant 2 : i32
    %add3A_36 = arith.addi %mul3A_34, %add3A_35 : i32
    "tpu.region"() ({
      %run_scoped3A = tpu.sem_alloc : memref<!tpu.dma_semaphore, #tpu.memory_space<semaphore_mem>>
      %dma_start3A = arith.constant 0 : i32
      %dma_start3A_59 = arith.constant 0 : i32
      %dma_start3A_60 = tpu.memref_slice %arg2[%add3A_36, %arg1, %dma_start3A, %dma_start3A_59] : memref<6x16x125x80xi32, #tpu.memory_space<hbm>> -> memref<1x1x125x80xi32, #tpu.memory_space<hbm>>
      %dma_start3A_61 = tpu.memref_squeeze %dma_start3A_60 : memref<1x1x125x80xi32, #tpu.memory_space<hbm>> -> memref<125x80xi32, #tpu.memory_space<hbm>>
      %dma_start3A_62 = arith.constant 0 : i32
      %dma_start3A_63 = arith.constant 0 : i32
      %dma_start3A_64 = tpu.memref_slice %arg2[%add3A_36, %arg1, %dma_start3A_62, %dma_start3A_63] : memref<6x16x125x80xi32, #tpu.memory_space<hbm>> -> memref<1x1x125x80xi32, #tpu.memory_space<hbm>>
      %dma_start3A_65 = tpu.memref_squeeze %dma_start3A_64 : memref<1x1x125x80xi32, #tpu.memory_space<hbm>> -> memref<125x80xi32, #tpu.memory_space<hbm>>
      tpu.enqueue_dma source(%dma_start3A_65 : memref<125x80xi32, #tpu.memory_space<hbm>>) target(%arg9 : memref<125x80xi32, #tpu.memory_space<vmem>>) target_semaphore(%run_scoped3A : memref<!tpu.dma_semaphore, #tpu.memory_space<semaphore_mem>>)
      %dma_wait3A = arith.constant 0 : i32
      %dma_wait3A_66 = arith.constant 0 : i32
      %dma_wait3A_67 = tpu.memref_slice %arg2[%add3A_36, %arg1, %dma_wait3A, %dma_wait3A_66] : memref<6x16x125x80xi32, #tpu.memory_space<hbm>> -> memref<1x1x125x80xi32, #tpu.memory_space<hbm>>
      %dma_wait3A_68 = tpu.memref_squeeze %dma_wait3A_67 : memref<1x1x125x80xi32, #tpu.memory_space<hbm>> -> memref<125x80xi32, #tpu.memory_space<hbm>>
      %dma_wait3A_69 = arith.constant 0 : i32
      %dma_wait3A_70 = arith.constant 0 : i32
      %dma_wait3A_71 = tpu.memref_slice %arg2[%add3A_36, %arg1, %dma_wait3A_69, %dma_wait3A_70] : memref<6x16x125x80xi32, #tpu.memory_space<hbm>> -> memref<1x1x125x80xi32, #tpu.memory_space<hbm>>
      %dma_wait3A_72 = tpu.memref_squeeze %dma_wait3A_71 : memref<1x1x125x80xi32, #tpu.memory_space<hbm>> -> memref<125x80xi32, #tpu.memory_space<hbm>>
      tpu.wait_dma2 semaphore(%run_scoped3A : memref<!tpu.dma_semaphore, #tpu.memory_space<semaphore_mem>>) src(%dma_wait3A_72 : memref<125x80xi32, #tpu.memory_space<hbm>>) dst(%arg9 : memref<125x80xi32, #tpu.memory_space<vmem>>)
      tpu.yield
    }) : () -> ()
    %scan3A_37 = arith.constant 0 : i32
    %scan3A_38 = arith.constant 0 : i32
    %scan3A_39 = arith.constant 125 : i32
    %scan3A_40 = arith.addi %scan3A_38, %scan3A_39 : i32
    %scan3A_41 = arith.constant 1 : i32
    scf.for %scan3A_59 = %scan3A_38 to %scan3A_40 step %scan3A_41  : i32 {
      "tpu.region"() ({
        %run_scoped3A = tpu.sem_alloc : memref<!tpu.dma_semaphore, #tpu.memory_space<semaphore_mem>>
        %dma_start3A = arith.constant 0 : i32
        %dma_start3A_60 = tpu.memref_slice %arg9[%scan3A_59, %dma_start3A] : memref<125x80xi32, #tpu.memory_space<vmem>> -> memref<1x80xi32, #tpu.memory_space<vmem>>
        %dma_start3A_61 = tpu.memref_squeeze %dma_start3A_60 : memref<1x80xi32, #tpu.memory_space<vmem>> -> memref<80xi32, #tpu.memory_space<vmem>>
        %dma_start3A_62 = arith.constant 0 : i32
        %dma_start3A_63 = tpu.memref_slice %arg8[%dma_start3A_62] : memref<10000xf32, #tpu.memory_space<vmem_shared>> -> memref<10000xf32, #tpu.memory_space<vmem_shared>>
        tpu.enqueue_indirect_dma source(%arg10 : memref<80xf32, #tpu.memory_space<vmem>>) target(%dma_start3A_63 : memref<10000xf32, #tpu.memory_space<vmem_shared>>) offsets(%dma_start3A_61 : memref<80xi32, #tpu.memory_space<vmem>>) semaphore(%run_scoped3A : memref<!tpu.dma_semaphore, #tpu.memory_space<semaphore_mem>>) {add = true}
        %dma_wait3A = arith.constant 0 : i32
        %dma_wait3A_64 = tpu.memref_slice %arg9[%scan3A_59, %dma_wait3A] : memref<125x80xi32, #tpu.memory_space<vmem>> -> memref<1x80xi32, #tpu.memory_space<vmem>>
        %dma_wait3A_65 = tpu.memref_squeeze %dma_wait3A_64 : memref<1x80xi32, #tpu.memory_space<vmem>> -> memref<80xi32, #tpu.memory_space<vmem>>
        %dma_wait3A_66 = arith.constant 0 : i32
        %dma_wait3A_67 = tpu.memref_slice %arg8[%dma_wait3A_66] : memref<10000xf32, #tpu.memory_space<vmem_shared>> -> memref<10000xf32, #tpu.memory_space<vmem_shared>>
        tpu.wait_indirect_dma semaphore(%run_scoped3A : memref<!tpu.dma_semaphore, #tpu.memory_space<semaphore_mem>>) src(%arg10 : memref<80xf32, #tpu.memory_space<vmem>>) dst(%dma_wait3A_67 : memref<10000xf32, #tpu.memory_space<vmem_shared>>)
        tpu.yield
      }) : () -> ()
    }
    %scan3A_42 = arith.constant 125 : i32
    %barrier3A_43 = arith.constant 0 : index
    tpu.barrier barrier_id(%barrier3A_43)
    %eq3A_44 = arith.constant 0 : i32
    %eq3A_45 = arith.cmpi eq, %arg1, %eq3A_44 : i32
    %convert_element_type3A_46 = arith.extui %eq3A_45 : i1 to i32
    %cond3A_47 = arith.constant 0 : i32
    %cond3A_48 = arith.cmpi ne, %convert_element_type3A_46, %cond3A_47 : i32
    scf.if %cond3A_48 {
      %run_scoped3A = arith.constant 0 : i32
      "tpu.region"() ({
        %run_scoped3A_63 = tpu.sem_alloc : memref<!tpu.dma_semaphore, #tpu.memory_space<semaphore_mem>>
        %dma_start3A = arith.constant 0 : i32
        %dma_start3A_64 = tpu.memref_slice %arg12[%run_scoped3A, %dma_start3A] : memref<1x10000xf32, #tpu.memory_space<vmem>> -> memref<1x10000xf32, #tpu.memory_space<vmem>>
        %dma_start3A_65 = tpu.memref_squeeze %dma_start3A_64 : memref<1x10000xf32, #tpu.memory_space<vmem>> -> memref<10000xf32, #tpu.memory_space<vmem>>
        %dma_start3A_66 = arith.constant 0 : i32
        %dma_start3A_67 = tpu.memref_slice %arg12[%run_scoped3A, %dma_start3A_66] : memref<1x10000xf32, #tpu.memory_space<vmem>> -> memref<1x10000xf32, #tpu.memory_space<vmem>>
        %dma_start3A_68 = tpu.memref_squeeze %dma_start3A_67 : memref<1x10000xf32, #tpu.memory_space<vmem>> -> memref<10000xf32, #tpu.memory_space<vmem>>
        tpu.enqueue_dma source(%arg6 : memref<10000xf32, #tpu.memory_space<vmem_shared>>) target(%dma_start3A_68 : memref<10000xf32, #tpu.memory_space<vmem>>) target_semaphore(%run_scoped3A_63 : memref<!tpu.dma_semaphore, #tpu.memory_space<semaphore_mem>>)
        %dma_wait3A = arith.constant 0 : i32
        %dma_wait3A_69 = tpu.memref_slice %arg12[%run_scoped3A, %dma_wait3A] : memref<1x10000xf32, #tpu.memory_space<vmem>> -> memref<1x10000xf32, #tpu.memory_space<vmem>>
        %dma_wait3A_70 = tpu.memref_squeeze %dma_wait3A_69 : memref<1x10000xf32, #tpu.memory_space<vmem>> -> memref<10000xf32, #tpu.memory_space<vmem>>
        %dma_wait3A_71 = arith.constant 0 : i32
        %dma_wait3A_72 = tpu.memref_slice %arg12[%run_scoped3A, %dma_wait3A_71] : memref<1x10000xf32, #tpu.memory_space<vmem>> -> memref<1x10000xf32, #tpu.memory_space<vmem>>
        %dma_wait3A_73 = tpu.memref_squeeze %dma_wait3A_72 : memref<1x10000xf32, #tpu.memory_space<vmem>> -> memref<10000xf32, #tpu.memory_space<vmem>>
        tpu.wait_dma2 semaphore(%run_scoped3A_63 : memref<!tpu.dma_semaphore, #tpu.memory_space<semaphore_mem>>) src(%arg6 : memref<10000xf32, #tpu.memory_space<vmem_shared>>) dst(%dma_wait3A_73 : memref<10000xf32, #tpu.memory_space<vmem>>)
        tpu.yield
      }) : () -> ()
      %mul3A_59 = arith.constant 3 : i32
      %mul3A_60 = arith.muli %arg0, %mul3A_59 : i32
      %add3A_61 = arith.constant 0 : i32
      %add3A_62 = arith.addi %mul3A_60, %add3A_61 : i32
      "tpu.region"() ({
        %run_scoped3A_63 = tpu.sem_alloc : memref<!tpu.dma_semaphore, #tpu.memory_space<semaphore_mem>>
        %dma_start3A = arith.constant 0 : i32
        %dma_start3A_64 = arith.constant 0 : i32
        %dma_start3A_65 = tpu.memref_slice %arg5[%add3A_62, %dma_start3A, %dma_start3A_64] : memref<6x1x10000xf32, #tpu.memory_space<hbm>> -> memref<1x1x10000xf32, #tpu.memory_space<hbm>>
        %dma_start3A_66 = tpu.memref_squeeze %dma_start3A_65 : memref<1x1x10000xf32, #tpu.memory_space<hbm>> -> memref<1x10000xf32, #tpu.memory_space<hbm>>
        %dma_start3A_67 = arith.constant 0 : i32
        %dma_start3A_68 = arith.constant 0 : i32
        %dma_start3A_69 = tpu.memref_slice %arg5[%add3A_62, %dma_start3A_67, %dma_start3A_68] : memref<6x1x10000xf32, #tpu.memory_space<hbm>> -> memref<1x1x10000xf32, #tpu.memory_space<hbm>>
        %dma_start3A_70 = tpu.memref_squeeze %dma_start3A_69 : memref<1x1x10000xf32, #tpu.memory_space<hbm>> -> memref<1x10000xf32, #tpu.memory_space<hbm>>
        tpu.enqueue_dma source(%arg12 : memref<1x10000xf32, #tpu.memory_space<vmem>>) target(%dma_start3A_70 : memref<1x10000xf32, #tpu.memory_space<hbm>>) target_semaphore(%run_scoped3A_63 : memref<!tpu.dma_semaphore, #tpu.memory_space<semaphore_mem>>)
        %dma_wait3A = arith.constant 0 : i32
        %dma_wait3A_71 = arith.constant 0 : i32
        %dma_wait3A_72 = tpu.memref_slice %arg5[%add3A_62, %dma_wait3A, %dma_wait3A_71] : memref<6x1x10000xf32, #tpu.memory_space<hbm>> -> memref<1x1x10000xf32, #tpu.memory_space<hbm>>
        %dma_wait3A_73 = tpu.memref_squeeze %dma_wait3A_72 : memref<1x1x10000xf32, #tpu.memory_space<hbm>> -> memref<1x10000xf32, #tpu.memory_space<hbm>>
        %dma_wait3A_74 = arith.constant 0 : i32
        %dma_wait3A_75 = arith.constant 0 : i32
        %dma_wait3A_76 = tpu.memref_slice %arg5[%add3A_62, %dma_wait3A_74, %dma_wait3A_75] : memref<6x1x10000xf32, #tpu.memory_space<hbm>> -> memref<1x1x10000xf32, #tpu.memory_space<hbm>>
        %dma_wait3A_77 = tpu.memref_squeeze %dma_wait3A_76 : memref<1x1x10000xf32, #tpu.memory_space<hbm>> -> memref<1x10000xf32, #tpu.memory_space<hbm>>
        tpu.wait_dma2 semaphore(%run_scoped3A_63 : memref<!tpu.dma_semaphore, #tpu.memory_space<semaphore_mem>>) src(%arg12 : memref<1x10000xf32, #tpu.memory_space<vmem>>) dst(%dma_wait3A_77 : memref<1x10000xf32, #tpu.memory_space<hbm>>)
        tpu.yield
      }) : () -> ()
    } else {
    }
    %eq3A_49 = arith.constant 1 : i32
    %eq3A_50 = arith.cmpi eq, %arg1, %eq3A_49 : i32
    %convert_element_type3A_51 = arith.extui %eq3A_50 : i1 to i32
    %cond3A_52 = arith.constant 0 : i32
    %cond3A_53 = arith.cmpi ne, %convert_element_type3A_51, %cond3A_52 : i32
    scf.if %cond3A_53 {
      %run_scoped3A = arith.constant 0 : i32
      "tpu.region"() ({
        %run_scoped3A_63 = tpu.sem_alloc : memref<!tpu.dma_semaphore, #tpu.memory_space<semaphore_mem>>
        %dma_start3A = arith.constant 0 : i32
        %dma_start3A_64 = tpu.memref_slice %arg12[%run_scoped3A, %dma_start3A] : memref<1x10000xf32, #tpu.memory_space<vmem>> -> memref<1x10000xf32, #tpu.memory_space<vmem>>
        %dma_start3A_65 = tpu.memref_squeeze %dma_start3A_64 : memref<1x10000xf32, #tpu.memory_space<vmem>> -> memref<10000xf32, #tpu.memory_space<vmem>>
        %dma_start3A_66 = arith.constant 0 : i32
        %dma_start3A_67 = tpu.memref_slice %arg12[%run_scoped3A, %dma_start3A_66] : memref<1x10000xf32, #tpu.memory_space<vmem>> -> memref<1x10000xf32, #tpu.memory_space<vmem>>
        %dma_start3A_68 = tpu.memref_squeeze %dma_start3A_67 : memref<1x10000xf32, #tpu.memory_space<vmem>> -> memref<10000xf32, #tpu.memory_space<vmem>>
        tpu.enqueue_dma source(%arg7 : memref<10000xf32, #tpu.memory_space<vmem_shared>>) target(%dma_start3A_68 : memref<10000xf32, #tpu.memory_space<vmem>>) target_semaphore(%run_scoped3A_63 : memref<!tpu.dma_semaphore, #tpu.memory_space<semaphore_mem>>)
        %dma_wait3A = arith.constant 0 : i32
        %dma_wait3A_69 = tpu.memref_slice %arg12[%run_scoped3A, %dma_wait3A] : memref<1x10000xf32, #tpu.memory_space<vmem>> -> memref<1x10000xf32, #tpu.memory_space<vmem>>
        %dma_wait3A_70 = tpu.memref_squeeze %dma_wait3A_69 : memref<1x10000xf32, #tpu.memory_space<vmem>> -> memref<10000xf32, #tpu.memory_space<vmem>>
        %dma_wait3A_71 = arith.constant 0 : i32
        %dma_wait3A_72 = tpu.memref_slice %arg12[%run_scoped3A, %dma_wait3A_71] : memref<1x10000xf32, #tpu.memory_space<vmem>> -> memref<1x10000xf32, #tpu.memory_space<vmem>>
        %dma_wait3A_73 = tpu.memref_squeeze %dma_wait3A_72 : memref<1x10000xf32, #tpu.memory_space<vmem>> -> memref<10000xf32, #tpu.memory_space<vmem>>
        tpu.wait_dma2 semaphore(%run_scoped3A_63 : memref<!tpu.dma_semaphore, #tpu.memory_space<semaphore_mem>>) src(%arg7 : memref<10000xf32, #tpu.memory_space<vmem_shared>>) dst(%dma_wait3A_73 : memref<10000xf32, #tpu.memory_space<vmem>>)
        tpu.yield
      }) : () -> ()
      %mul3A_59 = arith.constant 3 : i32
      %mul3A_60 = arith.muli %arg0, %mul3A_59 : i32
      %add3A_61 = arith.constant 1 : i32
      %add3A_62 = arith.addi %mul3A_60, %add3A_61 : i32
      "tpu.region"() ({
        %run_scoped3A_63 = tpu.sem_alloc : memref<!tpu.dma_semaphore, #tpu.memory_space<semaphore_mem>>
        %dma_start3A = arith.constant 0 : i32
        %dma_start3A_64 = arith.constant 0 : i32
        %dma_start3A_65 = tpu.memref_slice %arg5[%add3A_62, %dma_start3A, %dma_start3A_64] : memref<6x1x10000xf32, #tpu.memory_space<hbm>> -> memref<1x1x10000xf32, #tpu.memory_space<hbm>>
        %dma_start3A_66 = tpu.memref_squeeze %dma_start3A_65 : memref<1x1x10000xf32, #tpu.memory_space<hbm>> -> memref<1x10000xf32, #tpu.memory_space<hbm>>
        %dma_start3A_67 = arith.constant 0 : i32
        %dma_start3A_68 = arith.constant 0 : i32
        %dma_start3A_69 = tpu.memref_slice %arg5[%add3A_62, %dma_start3A_67, %dma_start3A_68] : memref<6x1x10000xf32, #tpu.memory_space<hbm>> -> memref<1x1x10000xf32, #tpu.memory_space<hbm>>
        %dma_start3A_70 = tpu.memref_squeeze %dma_start3A_69 : memref<1x1x10000xf32, #tpu.memory_space<hbm>> -> memref<1x10000xf32, #tpu.memory_space<hbm>>
        tpu.enqueue_dma source(%arg12 : memref<1x10000xf32, #tpu.memory_space<vmem>>) target(%dma_start3A_70 : memref<1x10000xf32, #tpu.memory_space<hbm>>) target_semaphore(%run_scoped3A_63 : memref<!tpu.dma_semaphore, #tpu.memory_space<semaphore_mem>>)
        %dma_wait3A = arith.constant 0 : i32
        %dma_wait3A_71 = arith.constant 0 : i32
        %dma_wait3A_72 = tpu.memref_slice %arg5[%add3A_62, %dma_wait3A, %dma_wait3A_71] : memref<6x1x10000xf32, #tpu.memory_space<hbm>> -> memref<1x1x10000xf32, #tpu.memory_space<hbm>>
        %dma_wait3A_73 = tpu.memref_squeeze %dma_wait3A_72 : memref<1x1x10000xf32, #tpu.memory_space<hbm>> -> memref<1x10000xf32, #tpu.memory_space<hbm>>
        %dma_wait3A_74 = arith.constant 0 : i32
        %dma_wait3A_75 = arith.constant 0 : i32
        %dma_wait3A_76 = tpu.memref_slice %arg5[%add3A_62, %dma_wait3A_74, %dma_wait3A_75] : memref<6x1x10000xf32, #tpu.memory_space<hbm>> -> memref<1x1x10000xf32, #tpu.memory_space<hbm>>
        %dma_wait3A_77 = tpu.memref_squeeze %dma_wait3A_76 : memref<1x1x10000xf32, #tpu.memory_space<hbm>> -> memref<1x10000xf32, #tpu.memory_space<hbm>>
        tpu.wait_dma2 semaphore(%run_scoped3A_63 : memref<!tpu.dma_semaphore, #tpu.memory_space<semaphore_mem>>) src(%arg12 : memref<1x10000xf32, #tpu.memory_space<vmem>>) dst(%dma_wait3A_77 : memref<1x10000xf32, #tpu.memory_space<hbm>>)
        tpu.yield
      }) : () -> ()
    } else {
    }
    %eq3A_54 = arith.constant 2 : i32
    %eq3A_55 = arith.cmpi eq, %arg1, %eq3A_54 : i32
    %convert_element_type3A_56 = arith.extui %eq3A_55 : i1 to i32
    %cond3A_57 = arith.constant 0 : i32
    %cond3A_58 = arith.cmpi ne, %convert_element_type3A_56, %cond3A_57 : i32
    scf.if %cond3A_58 {
      %run_scoped3A = arith.constant 0 : i32
      "tpu.region"() ({
        %run_scoped3A_63 = tpu.sem_alloc : memref<!tpu.dma_semaphore, #tpu.memory_space<semaphore_mem>>
        %dma_start3A = arith.constant 0 : i32
        %dma_start3A_64 = tpu.memref_slice %arg12[%run_scoped3A, %dma_start3A] : memref<1x10000xf32, #tpu.memory_space<vmem>> -> memref<1x10000xf32, #tpu.memory_space<vmem>>
        %dma_start3A_65 = tpu.memref_squeeze %dma_start3A_64 : memref<1x10000xf32, #tpu.memory_space<vmem>> -> memref<10000xf32, #tpu.memory_space<vmem>>
        %dma_start3A_66 = arith.constant 0 : i32
        %dma_start3A_67 = tpu.memref_slice %arg12[%run_scoped3A, %dma_start3A_66] : memref<1x10000xf32, #tpu.memory_space<vmem>> -> memref<1x10000xf32, #tpu.memory_space<vmem>>
        %dma_start3A_68 = tpu.memref_squeeze %dma_start3A_67 : memref<1x10000xf32, #tpu.memory_space<vmem>> -> memref<10000xf32, #tpu.memory_space<vmem>>
        tpu.enqueue_dma source(%arg8 : memref<10000xf32, #tpu.memory_space<vmem_shared>>) target(%dma_start3A_68 : memref<10000xf32, #tpu.memory_space<vmem>>) target_semaphore(%run_scoped3A_63 : memref<!tpu.dma_semaphore, #tpu.memory_space<semaphore_mem>>)
        %dma_wait3A = arith.constant 0 : i32
        %dma_wait3A_69 = tpu.memref_slice %arg12[%run_scoped3A, %dma_wait3A] : memref<1x10000xf32, #tpu.memory_space<vmem>> -> memref<1x10000xf32, #tpu.memory_space<vmem>>
        %dma_wait3A_70 = tpu.memref_squeeze %dma_wait3A_69 : memref<1x10000xf32, #tpu.memory_space<vmem>> -> memref<10000xf32, #tpu.memory_space<vmem>>
        %dma_wait3A_71 = arith.constant 0 : i32
        %dma_wait3A_72 = tpu.memref_slice %arg12[%run_scoped3A, %dma_wait3A_71] : memref<1x10000xf32, #tpu.memory_space<vmem>> -> memref<1x10000xf32, #tpu.memory_space<vmem>>
        %dma_wait3A_73 = tpu.memref_squeeze %dma_wait3A_72 : memref<1x10000xf32, #tpu.memory_space<vmem>> -> memref<10000xf32, #tpu.memory_space<vmem>>
        tpu.wait_dma2 semaphore(%run_scoped3A_63 : memref<!tpu.dma_semaphore, #tpu.memory_space<semaphore_mem>>) src(%arg8 : memref<10000xf32, #tpu.memory_space<vmem_shared>>) dst(%dma_wait3A_73 : memref<10000xf32, #tpu.memory_space<vmem>>)
        tpu.yield
      }) : () -> ()
      %mul3A_59 = arith.constant 3 : i32
      %mul3A_60 = arith.muli %arg0, %mul3A_59 : i32
      %add3A_61 = arith.constant 2 : i32
      %add3A_62 = arith.addi %mul3A_60, %add3A_61 : i32
      "tpu.region"() ({
        %run_scoped3A_63 = tpu.sem_alloc : memref<!tpu.dma_semaphore, #tpu.memory_space<semaphore_mem>>
        %dma_start3A = arith.constant 0 : i32
        %dma_start3A_64 = arith.constant 0 : i32
        %dma_start3A_65 = tpu.memref_slice %arg5[%add3A_62, %dma_start3A, %dma_start3A_64] : memref<6x1x10000xf32, #tpu.memory_space<hbm>> -> memref<1x1x10000xf32, #tpu.memory_space<hbm>>
        %dma_start3A_66 = tpu.memref_squeeze %dma_start3A_65 : memref<1x1x10000xf32, #tpu.memory_space<hbm>> -> memref<1x10000xf32, #tpu.memory_space<hbm>>
        %dma_start3A_67 = arith.constant 0 : i32
        %dma_start3A_68 = arith.constant 0 : i32
        %dma_start3A_69 = tpu.memref_slice %arg5[%add3A_62, %dma_start3A_67, %dma_start3A_68] : memref<6x1x10000xf32, #tpu.memory_space<hbm>> -> memref<1x1x10000xf32, #tpu.memory_space<hbm>>
        %dma_start3A_70 = tpu.memref_squeeze %dma_start3A_69 : memref<1x1x10000xf32, #tpu.memory_space<hbm>> -> memref<1x10000xf32, #tpu.memory_space<hbm>>
        tpu.enqueue_dma source(%arg12 : memref<1x10000xf32, #tpu.memory_space<vmem>>) target(%dma_start3A_70 : memref<1x10000xf32, #tpu.memory_space<hbm>>) target_semaphore(%run_scoped3A_63 : memref<!tpu.dma_semaphore, #tpu.memory_space<semaphore_mem>>)
        %dma_wait3A = arith.constant 0 : i32
        %dma_wait3A_71 = arith.constant 0 : i32
        %dma_wait3A_72 = tpu.memref_slice %arg5[%add3A_62, %dma_wait3A, %dma_wait3A_71] : memref<6x1x10000xf32, #tpu.memory_space<hbm>> -> memref<1x1x10000xf32, #tpu.memory_space<hbm>>
        %dma_wait3A_73 = tpu.memref_squeeze %dma_wait3A_72 : memref<1x1x10000xf32, #tpu.memory_space<hbm>> -> memref<1x10000xf32, #tpu.memory_space<hbm>>
        %dma_wait3A_74 = arith.constant 0 : i32
        %dma_wait3A_75 = arith.constant 0 : i32
        %dma_wait3A_76 = tpu.memref_slice %arg5[%add3A_62, %dma_wait3A_74, %dma_wait3A_75] : memref<6x1x10000xf32, #tpu.memory_space<hbm>> -> memref<1x1x10000xf32, #tpu.memory_space<hbm>>
        %dma_wait3A_77 = tpu.memref_squeeze %dma_wait3A_76 : memref<1x1x10000xf32, #tpu.memory_space<hbm>> -> memref<1x10000xf32, #tpu.memory_space<hbm>>
        tpu.wait_dma2 semaphore(%run_scoped3A_63 : memref<!tpu.dma_semaphore, #tpu.memory_space<semaphore_mem>>) src(%arg12 : memref<1x10000xf32, #tpu.memory_space<vmem>>) dst(%dma_wait3A_77 : memref<1x10000xf32, #tpu.memory_space<hbm>>)
        tpu.yield
      }) : () -> ()
    } else {
    }
    return
  }
}

module attributes {stable_mosaic.version = 14 : i64} {
  func.func @_mm_body(%arg0: i32, %arg1: i32, %arg2: memref<1000x256xf32, #tpu.memory_space<vmem>>, %arg3: memref<1x1000x1xf32, #tpu.memory_space<vmem>>, %arg4: memref<1x256x256xf32, #tpu.memory_space<vmem>>, %arg5: memref<1000x128xf32, #tpu.memory_space<vmem>>, %arg6: memref<1000x128xf32, #tpu.memory_space<vmem>>) attributes {dimension_semantics = [#tpu.dimension_semantics<arbitrary>, #tpu.dimension_semantics<arbitrary>], iteration_bounds = array<i64: 3, 10>, scalar_prefetch = 0 : i64, scratch_operands = 0 : i64, tpu.core_type = #tpu.core_type<tc>, window_params = [{transform_indices = @transform_0, window_bounds = array<i64: 1000, 256>}, {transform_indices = @transform_1, window_bounds = array<i64: 1, 1000, 1>}, {transform_indices = @transform_2, window_bounds = array<i64: 1, 256, 256>}, {transform_indices = @transform_3, window_bounds = array<i64: 1000, 128>}, {transform_indices = @transform_4, window_bounds = array<i64: 1000, 128>}]} {
    %get3A = arith.constant 0 : index
    %get3A_0 = arith.constant 0 : index
    %get3A_1 = vector.load %arg2[%get3A, %get3A_0] : memref<1000x256xf32, #tpu.memory_space<vmem>>, vector<1000x256xf32>
    %get3A_2 = arith.constant 0 : index
    %get3A_3 = arith.constant 0 : index
    %get3A_4 = arith.constant 0 : index
    %get3A_5 = vector.load %arg3[%get3A_2, %get3A_3, %get3A_4] : memref<1x1000x1xf32, #tpu.memory_space<vmem>>, vector<1x1000x1xf32>
    %get3A_6 = vector.shape_cast %get3A_5 : vector<1x1000x1xf32> to vector<1000x1xf32>
    %mul3A = vector.broadcast %get3A_6 : vector<1000x1xf32> to vector<1000x256xf32>
    %mul3A_7 = arith.mulf %get3A_1, %mul3A : vector<1000x256xf32>
    %get3A_8 = arith.constant 0 : index
    %get3A_9 = arith.constant 0 : index
    %get3A_10 = arith.constant 0 : index
    %get3A_11 = vector.load %arg4[%get3A_8, %get3A_9, %get3A_10] : memref<1x256x256xf32, #tpu.memory_space<vmem>>, vector<1x256x256xf32>
    %get3A_12 = vector.shape_cast %get3A_11 : vector<1x256x256xf32> to vector<256x256xf32>
    %slice3A = vector.extract_strided_slice %get3A_12 {offsets = [0, 0], sizes = [256, 128], strides = [1, 1]} : vector<256x256xf32> to vector<256x128xf32>
    %dot_general3A = arith.constant dense<0.000000e+00> : vector<1000x128xf32>
    %dot_general3A_13 = tpu.matmul %mul3A_7, %slice3A, %dot_general3A {dimension_numbers = #tpu.dot_dimension_numbers<[1], [0], [0], [1], [0, 0, 1, 1], [], []>, transpose_lhs_hint = false} : vector<1000x256xf32>, vector<256x128xf32>, vector<1000x128xf32> -> vector<1000x128xf32>
    %swap3A = arith.constant 0 : index
    %swap3A_14 = arith.constant 0 : index
    %swap3A_15 = vector.load %arg5[%swap3A, %swap3A_14] : memref<1000x128xf32, #tpu.memory_space<vmem>>, vector<1000x128xf32>
    tpu.vector_store %arg5[%swap3A, %swap3A_14], %dot_general3A_13 {strides = array<i32>} : memref<1000x128xf32, #tpu.memory_space<vmem>>, vector<1000x128xf32>,
    %slice3A_16 = vector.extract_strided_slice %get3A_12 {offsets = [0, 128], sizes = [256, 128], strides = [1, 1]} : vector<256x256xf32> to vector<256x128xf32>
    %dot_general3A_17 = arith.constant dense<0.000000e+00> : vector<1000x128xf32>
    %dot_general3A_18 = tpu.matmul %mul3A_7, %slice3A_16, %dot_general3A_17 {dimension_numbers = #tpu.dot_dimension_numbers<[1], [0], [0], [1], [0, 0, 1, 1], [], []>, transpose_lhs_hint = false} : vector<1000x256xf32>, vector<256x128xf32>, vector<1000x128xf32> -> vector<1000x128xf32>
    %swap3A_19 = arith.constant 0 : index
    %swap3A_20 = arith.constant 0 : index
    %swap3A_21 = vector.load %arg6[%swap3A_19, %swap3A_20] : memref<1000x128xf32, #tpu.memory_space<vmem>>, vector<1000x128xf32>
    tpu.vector_store %arg6[%swap3A_19, %swap3A_20], %dot_general3A_18 {strides = array<i32>} : memref<1000x128xf32, #tpu.memory_space<vmem>>, vector<1000x128xf32>,
    return
  }
  func.func @transform_0(%arg0: i32, %arg1: i32) -> (i32, i32) {
    %c0_i32 = arith.constant 0 : i32
    %c0_i32_0 = arith.constant 0 : i32
    return %arg1, %c0_i32 : i32, i32
  }
  func.func @transform_1(%arg0: i32, %arg1: i32) -> (i32, i32, i32) {
    %c0_i32 = arith.constant 0 : i32
    %c0_i32_0 = arith.constant 0 : i32
    return %arg0, %arg1, %c0_i32 : i32, i32, i32
  }
  func.func @transform_2(%arg0: i32, %arg1: i32) -> (i32, i32, i32) {
    %c0_i32 = arith.constant 0 : i32
    %c0_i32_0 = arith.constant 0 : i32
    %c0_i32_1 = arith.constant 0 : i32
    return %arg0, %c0_i32, %c0_i32_0 : i32, i32, i32
  }
  func.func @transform_3(%arg0: i32, %arg1: i32) -> (i32, i32) {
    %mul3A = arith.constant 10 : i32
    %mul3A_0 = arith.muli %arg0, %mul3A : i32
    %add3A = arith.addi %mul3A_0, %arg1 : i32
    %c0_i32 = arith.constant 0 : i32
    %c0_i32_1 = arith.constant 0 : i32
    return %add3A, %c0_i32 : i32, i32
  }
  func.func @transform_4(%arg0: i32, %arg1: i32) -> (i32, i32) {
    %mul3A = arith.constant 10 : i32
    %mul3A_0 = arith.muli %arg0, %mul3A : i32
    %add3A = arith.addi %mul3A_0, %arg1 : i32
    %c0_i32 = arith.constant 0 : i32
    %c0_i32_1 = arith.constant 0 : i32
    return %add3A, %c0_i32 : i32, i32
  }
}

module attributes {stable_mosaic.version = 14 : i64} {
  func.func @_comb_body(%arg0: i32, %arg1: memref<3x2x1000x128xf32, #tpu.memory_space<vmem>>, %arg2: memref<3x1000x1xf32, #tpu.memory_space<vmem>>, %arg3: memref<1000x256xf32, #tpu.memory_space<vmem>>, %arg4: memref<8x256xf32, #tpu.memory_space<vmem>>) attributes {dimension_semantics = [#tpu.dimension_semantics<arbitrary>], iteration_bounds = array<i64: 10>, scalar_prefetch = 0 : i64, scratch_operands = 0 : i64, tpu.core_type = #tpu.core_type<tc>, window_params = [{transform_indices = @transform_0, window_bounds = array<i64: 3, 2, 1000, 128>}, {transform_indices = @transform_1, window_bounds = array<i64: 3, 1000, 1>}, {transform_indices = @transform_2, window_bounds = array<i64: 1000, 256>}, {pipeline_mode = #tpu.pipeline_mode<synchronous>, transform_indices = @transform_3, window_bounds = array<i64: 8, 256>}]} {
    %get3A = arith.constant 0 : index
    %get3A_0 = arith.constant 0 : index
    %get3A_1 = arith.constant 0 : index
    %get3A_2 = vector.load %arg2[%get3A, %get3A_0, %get3A_1] : memref<3x1000x1xf32, #tpu.memory_space<vmem>>, vector<1x1000x1xf32>
    %get3A_3 = vector.shape_cast %get3A_2 : vector<1x1000x1xf32> to vector<1000x1xf32>
    %get3A_4 = arith.constant 1 : index
    %get3A_5 = arith.constant 0 : index
    %get3A_6 = arith.constant 0 : index
    %get3A_7 = vector.load %arg2[%get3A_4, %get3A_5, %get3A_6] : memref<3x1000x1xf32, #tpu.memory_space<vmem>>, vector<1x1000x1xf32>
    %get3A_8 = vector.shape_cast %get3A_7 : vector<1x1000x1xf32> to vector<1000x1xf32>
    %get3A_9 = arith.constant 2 : index
    %get3A_10 = arith.constant 0 : index
    %get3A_11 = arith.constant 0 : index
    %get3A_12 = vector.load %arg2[%get3A_9, %get3A_10, %get3A_11] : memref<3x1000x1xf32, #tpu.memory_space<vmem>>, vector<1x1000x1xf32>
    %get3A_13 = vector.shape_cast %get3A_12 : vector<1x1000x1xf32> to vector<1000x1xf32>
    %get3A_14 = arith.constant 0 : index
    %get3A_15 = arith.constant 0 : index
    %get3A_16 = arith.constant 0 : index
    %get3A_17 = arith.constant 0 : index
    %get3A_18 = vector.load %arg1[%get3A_14, %get3A_15, %get3A_16, %get3A_17] : memref<3x2x1000x128xf32, #tpu.memory_space<vmem>>, vector<1x1x1000x128xf32>
    %get3A_19 = vector.shape_cast %get3A_18 : vector<1x1x1000x128xf32> to vector<1000x128xf32>
    %mul3A = vector.broadcast %get3A_3 : vector<1000x1xf32> to vector<1000x128xf32>
    %mul3A_20 = arith.mulf %get3A_19, %mul3A : vector<1000x128xf32>
    %get3A_21 = arith.constant 1 : index
    %get3A_22 = arith.constant 0 : index
    %get3A_23 = arith.constant 0 : index
    %get3A_24 = arith.constant 0 : index
    %get3A_25 = vector.load %arg1[%get3A_21, %get3A_22, %get3A_23, %get3A_24] : memref<3x2x1000x128xf32, #tpu.memory_space<vmem>>, vector<1x1x1000x128xf32>
    %get3A_26 = vector.shape_cast %get3A_25 : vector<1x1x1000x128xf32> to vector<1000x128xf32>
    %mul3A_27 = vector.broadcast %get3A_8 : vector<1000x1xf32> to vector<1000x128xf32>
    %mul3A_28 = arith.mulf %get3A_26, %mul3A_27 : vector<1000x128xf32>
    %add3A = arith.addf %mul3A_20, %mul3A_28 : vector<1000x128xf32>
    %get3A_29 = arith.constant 2 : index
    %get3A_30 = arith.constant 0 : index
    %get3A_31 = arith.constant 0 : index
    %get3A_32 = arith.constant 0 : index
    %get3A_33 = vector.load %arg1[%get3A_29, %get3A_30, %get3A_31, %get3A_32] : memref<3x2x1000x128xf32, #tpu.memory_space<vmem>>, vector<1x1x1000x128xf32>
    %get3A_34 = vector.shape_cast %get3A_33 : vector<1x1x1000x128xf32> to vector<1000x128xf32>
    %mul3A_35 = vector.broadcast %get3A_13 : vector<1000x1xf32> to vector<1000x128xf32>
    %mul3A_36 = arith.mulf %get3A_34, %mul3A_35 : vector<1000x128xf32>
    %add3A_37 = arith.addf %add3A, %mul3A_36 : vector<1000x128xf32>
    %get3A_38 = arith.constant 0 : index
    %get3A_39 = arith.constant 1 : index
    %get3A_40 = arith.constant 0 : index
    %get3A_41 = arith.constant 0 : index
    %get3A_42 = vector.load %arg1[%get3A_38, %get3A_39, %get3A_40, %get3A_41] : memref<3x2x1000x128xf32, #tpu.memory_space<vmem>>, vector<1x1x1000x128xf32>
    %get3A_43 = vector.shape_cast %get3A_42 : vector<1x1x1000x128xf32> to vector<1000x128xf32>
    %mul3A_44 = vector.broadcast %get3A_3 : vector<1000x1xf32> to vector<1000x128xf32>
    %mul3A_45 = arith.mulf %get3A_43, %mul3A_44 : vector<1000x128xf32>
    %get3A_46 = arith.constant 1 : index
    %get3A_47 = arith.constant 1 : index
    %get3A_48 = arith.constant 0 : index
    %get3A_49 = arith.constant 0 : index
    %get3A_50 = vector.load %arg1[%get3A_46, %get3A_47, %get3A_48, %get3A_49] : memref<3x2x1000x128xf32, #tpu.memory_space<vmem>>, vector<1x1x1000x128xf32>
    %get3A_51 = vector.shape_cast %get3A_50 : vector<1x1x1000x128xf32> to vector<1000x128xf32>
    %mul3A_52 = vector.broadcast %get3A_8 : vector<1000x1xf32> to vector<1000x128xf32>
    %mul3A_53 = arith.mulf %get3A_51, %mul3A_52 : vector<1000x128xf32>
    %add3A_54 = arith.addf %mul3A_45, %mul3A_53 : vector<1000x128xf32>
    %get3A_55 = arith.constant 2 : index
    %get3A_56 = arith.constant 1 : index
    %get3A_57 = arith.constant 0 : index
    %get3A_58 = arith.constant 0 : index
    %get3A_59 = vector.load %arg1[%get3A_55, %get3A_56, %get3A_57, %get3A_58] : memref<3x2x1000x128xf32, #tpu.memory_space<vmem>>, vector<1x1x1000x128xf32>
    %get3A_60 = vector.shape_cast %get3A_59 : vector<1x1x1000x128xf32> to vector<1000x128xf32>
    %mul3A_61 = vector.broadcast %get3A_13 : vector<1000x1xf32> to vector<1000x128xf32>
    %mul3A_62 = arith.mulf %get3A_60, %mul3A_61 : vector<1000x128xf32>
    %add3A_63 = arith.addf %add3A_54, %mul3A_62 : vector<1000x128xf32>
    %concatenate3A = tpu.concatenate %add3A_37, %add3A_63 in 1 : vector<1000x128xf32>, vector<1000x128xf32> -> vector<1000x256xf32>
    %swap3A = arith.constant 0 : index
    %swap3A_64 = arith.constant 0 : index
    %swap3A_65 = vector.load %arg3[%swap3A, %swap3A_64] : memref<1000x256xf32, #tpu.memory_space<vmem>>, vector<1000x256xf32>
    tpu.vector_store %arg3[%swap3A, %swap3A_64], %concatenate3A {strides = array<i32>} : memref<1000x256xf32, #tpu.memory_space<vmem>>, vector<1000x256xf32>,
    %reduce_sum3A = arith.constant dense<0.000000e+00> : vector<256xf32>
    %reduce_sum3A_66 = vector.multi_reduction <add>, %concatenate3A, %reduce_sum3A [0] : vector<1000x256xf32> to vector<256xf32>
    %broadcast_in_dim3A = vector.shape_cast %reduce_sum3A_66 : vector<256xf32> to vector<1x256xf32>
    %mul3A_67 = arith.mulf %concatenate3A, %concatenate3A : vector<1000x256xf32>
    %reduce_sum3A_68 = arith.constant dense<0.000000e+00> : vector<256xf32>
    %reduce_sum3A_69 = vector.multi_reduction <add>, %mul3A_67, %reduce_sum3A_68 [0] : vector<1000x256xf32> to vector<256xf32>
    %broadcast_in_dim3A_70 = vector.shape_cast %reduce_sum3A_69 : vector<256xf32> to vector<1x256xf32>
    %broadcast_in_dim3A_71 = arith.constant 0.000000e+00 : f32
    %broadcast_in_dim3A_72 = vector.broadcast %broadcast_in_dim3A_71 : f32 to vector<6x256xf32>
    %concatenate3A_73 = tpu.concatenate %broadcast_in_dim3A, %broadcast_in_dim3A_70, %broadcast_in_dim3A_72 in 0 : vector<1x256xf32>, vector<1x256xf32>, vector<6x256xf32> -> vector<8x256xf32>
    %eq3A = arith.constant 0 : i32
    %eq3A_74 = arith.cmpi eq, %arg0, %eq3A : i32
    %convert_element_type3A = arith.extui %eq3A_74 : i1 to i32
    %cond3A = arith.constant 0 : i32
    %cond3A_75 = arith.cmpi ne, %convert_element_type3A, %cond3A : i32
    scf.if %cond3A_75 {
      %broadcast_in_dim3A_83 = arith.constant 0.000000e+00 : f32
      %broadcast_in_dim3A_84 = vector.broadcast %broadcast_in_dim3A_83 : f32 to vector<8x256xf32>
      %swap3A_85 = arith.constant 0 : index
      %swap3A_86 = arith.constant 0 : index
      %swap3A_87 = vector.load %arg4[%swap3A_85, %swap3A_86] : memref<8x256xf32, #tpu.memory_space<vmem>>, vector<8x256xf32>
      tpu.vector_store %arg4[%swap3A_85, %swap3A_86], %broadcast_in_dim3A_84 {strides = array<i32>} : memref<8x256xf32, #tpu.memory_space<vmem>>, vector<8x256xf32>,
    } else {
    }
    %get3A_76 = arith.constant 0 : index
    %get3A_77 = arith.constant 0 : index
    %get3A_78 = vector.load %arg4[%get3A_76, %get3A_77] : memref<8x256xf32, #tpu.memory_space<vmem>>, vector<8x256xf32>
    %add3A_79 = arith.addf %get3A_78, %concatenate3A_73 : vector<8x256xf32>
    %swap3A_80 = arith.constant 0 : index
    %swap3A_81 = arith.constant 0 : index
    %swap3A_82 = vector.load %arg4[%swap3A_80, %swap3A_81] : memref<8x256xf32, #tpu.memory_space<vmem>>, vector<8x256xf32>
    tpu.vector_store %arg4[%swap3A_80, %swap3A_81], %add3A_79 {strides = array<i32>} : memref<8x256xf32, #tpu.memory_space<vmem>>, vector<8x256xf32>,
    return
  }
  func.func @transform_0(%arg0: i32) -> (i32, i32, i32, i32) {
    %c0_i32 = arith.constant 0 : i32
    %c0_i32_0 = arith.constant 0 : i32
    %c0_i32_1 = arith.constant 0 : i32
    %c0_i32_2 = arith.constant 0 : i32
    return %c0_i32, %c0_i32_0, %arg0, %c0_i32_1 : i32, i32, i32, i32
  }
  func.func @transform_1(%arg0: i32) -> (i32, i32, i32) {
    %c0_i32 = arith.constant 0 : i32
    %c0_i32_0 = arith.constant 0 : i32
    %c0_i32_1 = arith.constant 0 : i32
    return %c0_i32, %arg0, %c0_i32_0 : i32, i32, i32
  }
  func.func @transform_2(%arg0: i32) -> (i32, i32) {
    %c0_i32 = arith.constant 0 : i32
    %c0_i32_0 = arith.constant 0 : i32
    return %arg0, %c0_i32 : i32, i32
  }
  func.func @transform_3(%arg0: i32) -> (i32, i32) {
    %c0_i32 = arith.constant 0 : i32
    %c0_i32_0 = arith.constant 0 : i32
    %c0_i32_1 = arith.constant 0 : i32
    return %c0_i32, %c0_i32_0 : i32, i32
  }
}

module attributes {stable_mosaic.version = 14 : i64} {
  func.func @_norm_body(%arg0: i32, %arg1: memref<1000x256xf32, #tpu.memory_space<vmem>>, %arg2: memref<1x256xf32, #tpu.memory_space<vmem>>, %arg3: memref<1x256xf32, #tpu.memory_space<vmem>>, %arg4: memref<1000x256xf32, #tpu.memory_space<vmem>>) attributes {dimension_semantics = [#tpu.dimension_semantics<arbitrary>], iteration_bounds = array<i64: 10>, scalar_prefetch = 0 : i64, scratch_operands = 0 : i64, tpu.core_type = #tpu.core_type<tc>, window_params = [{transform_indices = @transform_0, window_bounds = array<i64: 1000, 256>}, {pipeline_mode = #tpu.pipeline_mode<synchronous>, transform_indices = @transform_1, window_bounds = array<i64: 1, 256>}, {pipeline_mode = #tpu.pipeline_mode<synchronous>, transform_indices = @transform_2, window_bounds = array<i64: 1, 256>}, {transform_indices = @transform_3, window_bounds = array<i64: 1000, 256>}]} {
    %get3A = arith.constant 0 : index
    %get3A_0 = arith.constant 0 : index
    %get3A_1 = vector.load %arg1[%get3A, %get3A_0] : memref<1000x256xf32, #tpu.memory_space<vmem>>, vector<1000x256xf32>
    %get3A_2 = arith.constant 0 : index
    %get3A_3 = arith.constant 0 : index
    %get3A_4 = vector.load %arg2[%get3A_2, %get3A_3] : memref<1x256xf32, #tpu.memory_space<vmem>>, vector<1x256xf32>
    %mul3A = vector.broadcast %get3A_4 : vector<1x256xf32> to vector<1000x256xf32>
    %mul3A_5 = arith.mulf %get3A_1, %mul3A : vector<1000x256xf32>
    %get3A_6 = arith.constant 0 : index
    %get3A_7 = arith.constant 0 : index
    %get3A_8 = vector.load %arg3[%get3A_6, %get3A_7] : memref<1x256xf32, #tpu.memory_space<vmem>>, vector<1x256xf32>
    %add3A = vector.broadcast %get3A_8 : vector<1x256xf32> to vector<1000x256xf32>
    %add3A_9 = arith.addf %mul3A_5, %add3A : vector<1000x256xf32>
    %mul3A_10 = arith.mulf %add3A_9, %add3A_9 : vector<1000x256xf32>
    %reduce_sum3A = arith.constant dense<0.000000e+00> : vector<1000xf32>
    %reduce_sum3A_11 = vector.multi_reduction <add>, %mul3A_10, %reduce_sum3A [1] : vector<1000x256xf32> to vector<1000xf32>
    %broadcast_in_dim3A = vector.shape_cast %reduce_sum3A_11 : vector<1000xf32> to vector<1000x1xf32>
    %sqrt3A = math.sqrt %broadcast_in_dim3A : vector<1000x1xf32>
    %max3A = arith.constant 9.99999996E-13 : f32
    %max3A_12 = vector.broadcast %max3A : f32 to vector<1000x1xf32>
    %max3A_13 = arith.maximumf %sqrt3A, %max3A_12 : vector<1000x1xf32>
    %div3A = vector.broadcast %max3A_13 : vector<1000x1xf32> to vector<1000x256xf32>
    %div3A_14 = arith.divf %add3A_9, %div3A : vector<1000x256xf32>
    %swap3A = arith.constant 0 : index
    %swap3A_15 = arith.constant 0 : index
    %swap3A_16 = vector.load %arg4[%swap3A, %swap3A_15] : memref<1000x256xf32, #tpu.memory_space<vmem>>, vector<1000x256xf32>
    tpu.vector_store %arg4[%swap3A, %swap3A_15], %div3A_14 {strides = array<i32>} : memref<1000x256xf32, #tpu.memory_space<vmem>>, vector<1000x256xf32>,
    return
  }
  func.func @transform_0(%arg0: i32) -> (i32, i32) {
    %c0_i32 = arith.constant 0 : i32
    %c0_i32_0 = arith.constant 0 : i32
    return %arg0, %c0_i32 : i32, i32
  }
  func.func @transform_1(%arg0: i32) -> (i32, i32) {
    %c0_i32 = arith.constant 0 : i32
    %c0_i32_0 = arith.constant 0 : i32
    %c0_i32_1 = arith.constant 0 : i32
    return %c0_i32, %c0_i32_0 : i32, i32
  }
  func.func @transform_2(%arg0: i32) -> (i32, i32) {
    %c0_i32 = arith.constant 0 : i32
    %c0_i32_0 = arith.constant 0 : i32
    %c0_i32_1 = arith.constant 0 : i32
    return %c0_i32, %c0_i32_0 : i32, i32
  }
  func.func @transform_3(%arg0: i32) -> (i32, i32) {
    %c0_i32 = arith.constant 0 : i32
    %c0_i32_0 = arith.constant 0 : i32
    return %arg0, %c0_i32 : i32, i32
  }
}

</mosaic_0001>

<sc_bundles>
// kernel: kernel.10.cloned.1.call-start
scs
__scs_entry_jumppad:
0x0: {  	(pc) =	sbr.rel $0x88, $3  }
0x1: {  	(tag) =	ssettag $0x0;
	lr =	simm.s32 $0x1  }
0x2: {  	[smem:$0x3F98] =	sst lr;
	_ =	strace $0xD0000000  }
0x3: {  	_ = 	snop  }
0x4: {  	_ = 	snop  }
0x5: {  	_ = 	snop  }
0x6: {  	_ = 	snop  }
0x7: {  	_ = 	snop  }
__scs_overlays_trampoline_lowered:
0x8: {  	[smem:$0x3FA7] =	sst s0  }
0x9: {  	[smem:$0x3FA8] =	sst s1  }
0xa: {  	[smem:$0x3FA9] =	sst s2  }
0xb: {  	[smem:$0x3FAA] =	sst s3  }
0xc: {  	[smem:$0x3FAB] =	sst s4  }
0xd: {  	[smem:$0x3FAC] =	sst s5  }
0xe: {  	[smem:$0x3FAD] =	sst s6  }
0xf: {  	[smem:$0x3FAE] =	sst s7  }
0x10: {  	[smem:$0x3FAF] =	sst s8  }
0x11: {  	[smem:$0x3FB0] =	sst s9;
	s0 =	simm.s32 @!p0 $0x0  }
0x12: {  	s1 =	sld [smem:$0x3F96];
	s0 =	simm.s32 @p0 $0x1  }
0x13: {  	[smem:$0x3FB1] =	sst s0;
	s0 =	simm.s32 @!p1 $0x0  }
0x14: {  	s2 =	sld [smem:$0x3F95];
	s0 =	simm.s32 @p1 $0x1  }
0x15: {  	[smem:$0x3FB2] =	sst s0;
	s0 =	simm.s32 @!p2 $0x0  }
0x16: {  	s3 =	sld [smem:$0x3FDB];
	s0 =	simm.s32 @p2 $0x1  }
0x17: {  	s4 =	simm.s32 $0x1BF5;
	[smem:$0x3FB4] =	sst s0  }
0x18: {  	s0 =	sld [smem:$0x3F97];
	_ =	swait.ge [sflag:s4], $0x0  }
0x19: {  	s7 =	sld [smem:$0x3F98]  }
0x1a: {  	s8 =	sadd.s32 $0xFFFFE003, lr  }
0x1b: {  	s9 =	sadd.s32 $0xFFFFFEF7, lr;
	s5 =	simm.s32 $0xFFFFFFFF;
	p2 =	slt.u32 s8, $0xFFFFF086  }
0x1c: {  	p1 =	slt.u32 s9, $0xF7A;
	s5 =	simm.s32 @!p2 $0x0  }
0x1d: {  	s5 =	simm.s32 @p1 $0x1;
	p0 =	seq.s32 s7, s2  }
0x1e: {  	s7 =	smul.u32 @!p0 $0xF7A, s2;
	p2 =	seq.s32 @!p0 s5, $0x0  }
0x1f: {  	s9 =	smul.u32 $0xF7A, s1;
	s8 =	simm.s32 @!p0 $0x1BF5;
	p2 =	por !p2, p0  }
0x20: {  	[sflag:s8] =	ssyncset.s32 @!p0 $0xFFFFF086;
	s6 =	sadd.s32 @!p0 s3, s7;
	s7 =	simm.s32 @!p0 $0x108  }
0x21: {  	s3 =	sadd.s32 s3, s9;
	s6 =	sadd.s32 @!p0 $0x88, s6;
	s7 =	simm.s32 @p2 $0x1082  }
0x22: {  	[simem:s7], [sflag:s8] =	dma.local @!p0 [hbm:s6], $0xF7A  }
0x23: {  	s9 =	sor.u32 $0xD0000000, s2;
	s6 =	simm.s32 $0x108;
	_ =	swait.ge @!p0 [sflag:s8], $0x0  }
0x24: {  	s3 =	sadd.s32 $0x88, s3;
	s6 =	simm.s32 @!p1 $0x1082;
	[sflag:s4] =	ssyncset.s32 $0xFFFFF086  }
0x25: {  	[simem:s6], [sflag:s4] =	dma.local [hbm:s3], $0xF7A  }
0x26: {  	[smem:$0x3F98] =	sst s1;
	(tag) =	ssettag s2;
	_ =	strace s9  }
0x27: {  	s1 =	sld [smem:$0x3FA8]  }
0x28: {  	s2 =	sld [smem:$0x3FA9]  }
0x29: {  	s4 =	sld [smem:$0x3FAB]  }
0x2a: {  	p0 =	seq.s32 s5, $0x0;
	s5 =	sld [smem:$0x3FAC]  }
0x2b: {  	s6 =	sld [smem:$0x3FAD]  }
0x2c: {  	s7 =	sld [smem:$0x3FAE]  }
0x2d: {  	s3 =	simm.s32 $0x108;
	s8 =	sld [smem:$0x3FAF]  }
0x2e: {  	s3 =	simm.s32 @!p0 $0x1082;
	s9 =	sld [smem:$0x3FB0]  }
0x2f: {  	lr =	sadd.s32 s0, s3;
	s0 =	sld [smem:$0x3FA7]  }
0x30: {  	s3 =	sld [smem:$0x3FAA]  }
0x31: {  	[smem:$0x3FB3] =	sst s10  }
0x32: {  	s10 =	sld [smem:$0x3FB1];
	_ =	sdelay $0x3  }
0x33: {  	p0 =	seq.s32 s10, $0x1;
	s10 =	sld [smem:$0x3FB3];
	_ =	sdelay $0x3  }
0x34: {  	[smem:$0x3FB3] =	sst s10  }
0x35: {  	s10 =	sld [smem:$0x3FB2];
	_ =	sdelay $0x3  }
0x36: {  	p1 =	seq.s32 s10, $0x1;
	s10 =	sld [smem:$0x3FB3];
	_ =	sdelay $0x3  }
0x37: {  	[smem:$0x3FB3] =	sst s10  }
0x38: {  	s10 =	sld [smem:$0x3FB4]  }
0x39: {  	_ = 	snop;
	(pc) =	sbr.ind lr, $3  }
0x3a: {  	_ = 	snop  }
0x3b: {  	_ = 	snop  }
0x3c: {  	p2 =	seq.s32 s10, $0x1;
	s10 =	sld [smem:$0x3FB3]  }
0x3d: {  	_ =	shalt  }
0x3e: {  	_ =	shalt  }
0x3f: {  	_ =	shalt  }
0x40: {  	_ =	shalt  }
0x41: {  	_ =	shalt  }
0x42: {  	_ =	shalt  }
0x43: {  	_ =	shalt  }
0x44: {  	_ =	shalt  }
0x45: {  	_ =	shalt  }
0x46: {  	_ =	shalt  }
0x47: {  	_ =	shalt  }
0x48: {  	_ =	shalt  }
0x49: {  	_ =	shalt  }
0x4a: {  	_ =	shalt  }
0x4b: {  	_ =	shalt  }
0x4c: {  	_ =	shalt  }
0x4d: {  	_ =	shalt  }
0x4e: {  	_ =	shalt  }
0x4f: {  	_ =	shalt  }
0x50: {  	_ =	shalt  }
0x51: {  	_ =	shalt  }
0x52: {  	_ =	shalt  }
0x53: {  	_ =	shalt  }
0x54: {  	_ =	shalt  }
0x55: {  	_ =	shalt  }
0x56: {  	_ =	shalt  }
0x57: {  	_ =	shalt  }
0x58: {  	_ =	shalt  }
0x59: {  	_ =	shalt  }
0x5a: {  	_ =	shalt  }
0x5b: {  	_ =	shalt  }
0x5c: {  	_ =	shalt  }
0x5d: {  	_ =	shalt  }
0x5e: {  	_ =	shalt  }
0x5f: {  	_ =	shalt  }
0x60: {  	_ =	shalt  }
0x61: {  	_ =	shalt  }
0x62: {  	_ =	shalt  }
0x63: {  	_ =	shalt  }
0x64: {  	_ =	shalt  }
0x65: {  	_ =	shalt  }
0x66: {  	_ =	shalt  }
0x67: {  	_ =	shalt  }
0x68: {  	_ =	shalt  }
0x69: {  	_ =	shalt  }
0x6a: {  	_ =	shalt  }
0x6b: {  	_ =	shalt  }
0x6c: {  	_ =	shalt  }
0x6d: {  	_ =	shalt  }
0x6e: {  	_ =	shalt  }
0x6f: {  	_ =	shalt  }
0x70: {  	_ =	shalt  }
0x71: {  	_ =	shalt  }
0x72: {  	_ =	shalt  }
0x73: {  	_ =	shalt  }
0x74: {  	_ =	shalt  }
0x75: {  	_ =	shalt  }
0x76: {  	_ =	shalt  }
0x77: {  	_ =	shalt  }
0x78: {  	_ =	shalt  }
0x79: {  	_ =	shalt  }
0x7a: {  	_ =	shalt  }
0x7b: {  	_ =	shalt  }
0x7c: {  	_ =	shalt  }
0x7d: {  	_ =	shalt  }
0x7e: {  	_ =	shalt  }
0x7f: {  	_ =	shalt  }
0x80: {  	_ =	shalt  }
0x81: {  	_ =	shalt  }
0x82: {  	_ =	shalt  }
0x83: {  	_ =	shalt  }
0x84: {  	_ =	shalt  }
0x85: {  	_ =	shalt  }
0x86: {  	_ =	shalt  }
0x87: {  	_ =	shalt  }
.Lfunc_end0:
.L_simem_size_0:
called_computation.1_lowered:
.L_overlay_start_0:
0x88: {  	s2 =	sld [smem:$0x3FD9]  }
0x89: {  	s3 =	sld [smem:$0x3FFE];
	_ =	sdelay $0x1  }
0x8a: {  	s1 =	srdreg.scid  }
0x8b: {  	s0 =	sand.u32 $0x1, s1  }
0x8c: {  	s17 =	sshll.u32 s0, $0xA;
	s2 =	sadd.s32 s3, s2  }
0x8d: {  	s2 =	sadd.s32 s2, s17  }
0x8e: {  	[smem:$0x3FBF] =	sst s2  }
0x8f: {  	_ = 	snop  }
0x90: {  	s2 =	sld [smem:$0x3FD0];
	(tm) =	ssettm $0x1  }
0x91: {  	s18 =	sld [smem:$0x3FFB];
	_ =	sdelay $0x3  }
0x92: {  	_ =	strace s18  }
0x93: {  	s3 =	sld [smem:$0x3FFC];
	_ =	sdelay $0x3  }
0x94: {  	_ =	strace s3  }
0x95: {  	s3 =	sld [smem:$0x3FFD];
	_ =	sdelay $0x3  }
0x96: {  	_ =	strace s3  }
0x97: {  	_ =	strace $0x8FFFFFFF  }
0x98: {  	s19 =	sld [smem:$0x3FDB];
	_ =	sdelay $0x1  }
0x99: {  	s4 =	simm.s32 $_scs_section_size  }
0x9a: {  	s5 =	simm.s32 $_size__tile_overlayer_lowered;
	s6 =	simm.s32 $_tile_overlayer_lowered  }
0x9b: {  	s22 =	simm.s32 $0x1BFF;
	s21 =	sshll.u32 s6, $0x1;
	s3 =	sadd.s32 s4, s19  }
0x9c: {  	s7 =	simm.s32 $0x0;
	s20 =	sshll.u32 s5, $0x1;
	s5 =	sadd.s32 s21, s3  }
0x9d: {  	[timem:s7], [sflag:s22] =	dma.local [hbm:s5], s20  }
0x9e: {  	_ =	swait.ge [sflag:s22], s20  }
0x9f: {  	s4 =	ssub.s32 $0x0, s20;
	[sflag:s22] =	ssyncset.done $0x0  }
0xa0: {  	[sflag:s22] =	ssyncadd.s32 s4;
	_ =	sdelay $0x1  }
0xa1: {  	s23 =	simm.s32 $0x1B8B  }
0xa2: {  	_ =	swait.ge [sflag:s23], $0x1  }
0xa3: {  	[sflag:s23] =	ssyncset.done $0x0  }
0xa4: {  	s25 =	simm.s32 $0x1B8E;
	s24 =	sld [smem:$0x3FFE];
	[sflag:s23] =	ssyncadd.s32 $0xFFFFFFFF  }
0xa5: {  	s26 =	simm.s32 $execute0_lowered;
	[smem:$0x3FD2] =	sst s25  }
0xa6: {  	s5 =	sshll.u32 s26, $0x1;
	_ =	strace $0x80000049;
	[dreg:$0x1] =	wrdreg $0xFFFFFFFF  }
0xa7: {  	s28 =	simm.s32 $_size_execute0_lowered;
	s3 =	sadd.s32 s3, s5;
	[dreg:$0x0] =	wrdreg $0x0  }
0xa8: {  	s5 =	sshll.u32 s28, $0x1;
	[dreg:$0x2] =	wrdreg s3  }
0xa9: {  	[dreg:$0x3] =	wrdreg s5  }
0xaa: {  	[dreg:$0x4] =	wrdreg $0xC0  }
0xab: {  	_ =	task [dreg:s7], $0x5FFFF  }
0xac: {  	[dreg:$0x1] =	wrdreg $0xFFFFFFFF  }
0xad: {  	[dreg:$0x0] =	wrdreg $0x60  }
0xae: {  	[dreg:$0x2] =	wrdreg s24  }
0xaf: {  	[dreg:$0x3] =	wrdreg s2  }
0xb0: {  	[dreg:$0x4] =	wrdreg $0x0  }
0xb1: {  	[dreg:$0x5] =	wrdreg $0x9  }
0xb2: {  	_ =	task.clear_ibuf [dreg:s7], $0x6FFFF;
	_ =	strace $0x90000049  }
0xb3: {  	s29 =	simm.s32 $0x9;
	_ =	strace $0x8000004B  }
0xb4: {  	_ =	swait.ge [sflag:s29], $0x1  }
0xb5: {  	[sflag:s29] =	ssyncadd.s32 $0xFFFFFFFF  }
0xb6: {  	_ =	strace $0x9000004B  }
0xb7: {  	_ =	sfence  }
0xb8: {  	s30 =	sld [smem:$0x0];
	_ =	sdelay $0x2  }
0xb9: {  	s31 =	sshll.u32 s1, $0xD;
	s1 =	sshrl.u32 s1, $0x2  }
0xba: {  	s3 =	sand.u32 $0x4000, s31;
	s1 =	sadd.s32 s1, s30  }
0xbb: {  	s0 =	sor.u32 s3, s0;
	s1 =	sshll.u32 s1, $0x11  }
0xbc: {  	s0 =	sor.u32 s1, s0  }
0xbd: {  	s0 =	sadd.s32 $0x8F2B, s0  }
0xbe: {  	[sflag:s0] =	ssyncadd.remote.s32 $0x1  }
0xbf: {  	_ =	sfence.sel $0xFFFF  }
0xc0: {  	[dreg:$0x0] =	wrdreg $0xFFFFFFFF;
	(pc) =	sbr.abs _section_cstart, $3  }
0xc1: {  	[dreg:$0x1] =	wrdreg $0xFFFFFFFF  }
0xc2: {  	_ =	task.clear_ibuf [dreg:s7], $0x2FFFF;
	_ =	strace $0x9FFFFFFF  }
0xc3: {  	(tm) =	ssettm $0x7FFFFFFF  }
tec
execute0_lowered:
.L_overlay_start_1:
0x0: {  	(tag) =	ssettag $0x1  }
0x1: {  	s0 =	rddreg [dreg:$0x0]  }
0x2: {  	s1 =	rddreg [dreg:$0x1]  }
0x3: {  	s2 =	rddreg [dreg:$0x2];
	s4 =	simm.s32 $0x0  }
0x4: {  	s3 =	srdreg.scid;
	s11 =	stileid.u32;
	s28 =	simm.s32 $0x3  }
0x5: {  	s29 =	simm.s32 $0x14000;
	s30 =	simm.s32 $0x16780;
	s8 =	smul.u32 $0x14000, s11  }
0x6: {  	s31 =	simm.s32 $0x1;
	[smem:$0x7FF] =	sst s4;
	s10 =	smul.u32 $0x50000, s11  }
0x7: {  	s3 =	sand.u32 $0x1, s3;
	s5 =	sadd.s32 $0xA1A00, s0;
	s18 =	smul.u32 $0x4E2, s11  }
0x8: {  	s6 =	sadd.s32 $0x116E00, s0;
	s9 =	sshll.u32 s11, $0xB;
	s19 =	smul.u32 $0x2710, s11  }
0x9: {  	s15 =	sadd.s32 $0x1DA00, s0;
	s7 =	smul.u32 $0x140000, s3;
	_ =	strace $0x8000004A  }
0xa: {  	s16 =	sadd.s32 s9, s0;
	s23 =	ssub.s32 $0x2, s3;
	p0 =	seq.s32 s3, $0x0  }
0xb: {  	s24 =	sshrl.u32 s10, $0x2;
	s25 =	sshrl.u32 s23, $0x1;
	s18 =	sadd.s32 s15, s18  }
0xc: {  	s26 =	sshrl.u32 s19, $0x3;
	s20 =	sadd.s32 $0x5A00, s16;
	[dreg:$0x4] =	wrdreg s18  }
0xd: {  	s7 =	sadd.s32 s8, s7;
	s17 =	ssub.s32 s23, s25;
	[dreg:$0x5] =	wrdreg s20  }
0xe: {  	s21 =	sadd.s32 s15, s26;
	s26 =	sadd.s32 $0x15A00, s16;
	s15 =	simm.s32 $0x1A580  }
0xf: {  	s7 =	sshrl.u32 s7, $0x3;
	s23 =	sadd.s32 $0x4E20, s21;
	s3 =	sadd.s32 $0x9C40, s21  }
0x10: {  	[dreg:$0xb] =	wrdreg s26;
	s26 =	simm.s32 $0x1A780;
	s0 =	sadd.s32 s7, s0  }
0x11: {  	s7 =	sadd.s32 s24, s2;
	[dreg:$0x7] =	wrdreg s23;
	s24 =	sadd.s32 $0xDA00, s16  }
0x12: {  	[dreg:$0xa] =	wrdreg s3;
	s23 =	smov.u32 s6;
	s3 =	simm.s32 $0x2  }
0x13: {  	s16 =	simm.s32 $0x0;
	s8 =	sadd.s32 $0x2800, s7;
	s9 =	sadd.s32 $0x5000, s7  }
0x14: {  	s10 =	sadd.s32 $0x7800, s7;
	s11 =	sadd.s32 $0xA000, s7;
	s12 =	sadd.s32 $0xC800, s7  }
0x15: {  	s13 =	sadd.s32 $0xF000, s7;
	s22 =	sadd.s32 $0x18C200, s0;
	[dreg:$0x8] =	wrdreg s24  }
0x16: {  	s14 =	sadd.s32 $0x11800, s7;
	s25 =	sadd.s32 $0x1DC200, s0;
	[dreg:$0x6] =	wrdreg s22  }
0x17: {  	s0 =	sadd.s32 $0x22C200, s0;
	s23 =	smov.u32 @p0 s5;
	[dreg:$0x9] =	wrdreg s25  }
0x18: {  	[dreg:$0xc] =	wrdreg s0;
	s25 =	smax.u32 s17, $0x1;
	s0 =	simm.s32 $0x50  }
.LBB2_1:
0x19: {  	[tilespmem:s26], [sflag:$0x3] =	stream.linear.gather [hbm4b:s1+s4], $0x2800, $0x38;
	[tilespmem:$0x1F780] =	vst v63  }
0x1a: {  	_ =	swait.ge [sflag:s28], $0x2800  }
0x1b: {  	[sflag:s28] =	ssyncset.done $0x0  }
0x1c: {  	[sflag:s28] =	ssyncadd.s32 $0xFFFFD800  }
0x1d: {  	[spmem:s7] =	stream.linear.scatter [tilespmem:s26], [sflag:$0x3], $0x2800, $0x38;
	[tilespmem:$0x1F780] =	vst v63  }
0x1e: {  	_ =	swait.ge [sflag:s28], $0x2800  }
0x1f: {  	[sflag:s28] =	ssyncset.done $0x0  }
0x20: {  	[sflag:s28] =	ssyncadd.s32 $0xFFFFD800  }
0x21: {  	[spmem:s8] =	stream.linear.scatter [tilespmem:s26], [sflag:$0x3], $0x2800, $0x38;
	[tilespmem:$0x1F780] =	vst v63  }
0x22: {  	_ =	swait.ge [sflag:s28], $0x2800  }
0x23: {  	[sflag:s28] =	ssyncset.done $0x0  }
0x24: {  	[sflag:s28] =	ssyncadd.s32 $0xFFFFD800  }
0x25: {  	[spmem:s9] =	stream.linear.scatter [tilespmem:s26], [sflag:$0x3], $0x2800, $0x38;
	[tilespmem:$0x1F780] =	vst v63  }
0x26: {  	_ =	swait.ge [sflag:s28], $0x2800  }
0x27: {  	[sflag:s28] =	ssyncset.done $0x0  }
0x28: {  	[sflag:s28] =	ssyncadd.s32 $0xFFFFD800  }
0x29: {  	[spmem:s10] =	stream.linear.scatter [tilespmem:s26], [sflag:$0x3], $0x2800, $0x38;
	[tilespmem:$0x1F780] =	vst v63  }
0x2a: {  	_ =	swait.ge [sflag:s28], $0x2800  }
0x2b: {  	[sflag:s28] =	ssyncset.done $0x0  }
0x2c: {  	[sflag:s28] =	ssyncadd.s32 $0xFFFFD800  }
0x2d: {  	[spmem:s11] =	stream.linear.scatter [tilespmem:s26], [sflag:$0x3], $0x2800, $0x38;
	[tilespmem:$0x1F780] =	vst v63  }
0x2e: {  	_ =	swait.ge [sflag:s28], $0x2800  }
0x2f: {  	[sflag:s28] =	ssyncset.done $0x0  }
0x30: {  	[sflag:s28] =	ssyncadd.s32 $0xFFFFD800  }
0x31: {  	[spmem:s12] =	stream.linear.scatter [tilespmem:s26], [sflag:$0x3], $0x2800, $0x38;
	[tilespmem:$0x1F780] =	vst v63  }
0x32: {  	_ =	swait.ge [sflag:s28], $0x2800  }
0x33: {  	[sflag:s28] =	ssyncset.done $0x0  }
0x34: {  	[sflag:s28] =	ssyncadd.s32 $0xFFFFD800  }
0x35: {  	[spmem:s13] =	stream.linear.scatter [tilespmem:s26], [sflag:$0x3], $0x2800, $0x38;
	[tilespmem:$0x1F780] =	vst v63  }
0x36: {  	_ =	swait.ge [sflag:s28], $0x2800  }
0x37: {  	[sflag:s28] =	ssyncset.done $0x0  }
0x38: {  	[sflag:s28] =	ssyncadd.s32 $0xFFFFD800  }
0x39: {  	[spmem:s14] =	stream.linear.scatter [tilespmem:s26], [sflag:$0x3], $0x2800, $0x38;
	[tilespmem:$0x1F780] =	vst v63  }
0x3a: {  	_ =	swait.ge [sflag:s28], $0x2800  }
0x3b: {  	[sflag:s28] =	ssyncset.done $0x0  }
0x3c: {  	s17 =	rddreg [dreg:$0x4];
	[sflag:s28] =	ssyncadd.s32 $0xFFFFD800  }
0x3d: {  	[tilespmem:s29], [sflag:$0x3] =	stream.linear.gather [hbm4b:s17+s4], $0x2710, $0x38;
	[tilespmem:$0x1F780] =	vst v63  }
0x3e: {  	_ =	swait.ge [sflag:s28], $0x2710  }
0x3f: {  	[sflag:s28] =	ssyncset.done $0x0  }
0x40: {  	s21 =	rddreg [dreg:$0x5];
	[sflag:s28] =	ssyncadd.s32 $0xFFFFD8F0  }
0x41: {  	[tilespmem:s30], [sflag:$0x3] =	stream.linear.gather [hbm4b:s21+s4], $0x3E80, $0x38;
	[tilespmem:$0x1F780] =	vst v63  }
0x42: {  	_ =	swait.ge [sflag:s28], $0x3E80  }
0x43: {  	s18 =	simm.s32 @p0 $0x14000;
	[sflag:s28] =	ssyncset.done $0x0  }
0x44: {  	s19 =	simm.s32 @p0 $0x1A780;
	s17 =	simm.s32 @p0 $0x50;
	[sflag:s28] =	ssyncadd.s32 $0xFFFFC180  }
0x45: {  	[tilespmem:s19], [sflag:$0x1] =	stream.indirect.gather @p0 [hbm4b:s5+s17], $0x80, s18, s17, $0xb8;
	[tilespmem:$0x1F780] =	vst v63  }
0x46: {  	s18 =	simm.s32 @p0 $0x14050;
	s19 =	simm.s32 @p0 $0x1CF80;
	[bflag:$0x0] =	sbarrier.arrive @p0 $0xFFFF  }
0x47: {  	[tilespmem:s19], [sflag:$0x1] =	stream.indirect.gather @p0 [hbm4b:s5+s17], $0x80, s18, s17, $0xb8;
	[tilespmem:$0x1F780] =	vst v63  }
0x48: {  	s17 =	simm.s32 @!p0 $0x50;
	s18 =	simm.s32 @!p0 $0x14000;
	s19 =	simm.s32 @!p0 $0x1A780  }
0x49: {  	[tilespmem:s19], [sflag:$0x1] =	stream.indirect.gather @!p0 [hbm4b:s6+s17], $0x80, s18, s17, $0xb8;
	[tilespmem:$0x1F780] =	vst v63  }
0x4a: {  	s18 =	simm.s32 @!p0 $0x14050;
	s19 =	simm.s32 @!p0 $0x1CF80;
	[bflag:$0x0] =	sbarrier.arrive @!p0 $0xFFFF  }
0x4b: {  	[tilespmem:s19], [sflag:$0x1] =	stream.indirect.gather @!p0 [hbm4b:s6+s17], $0x80, s18, s17, $0xb8;
	[tilespmem:$0x1F780] =	vst v63  }
0x4c: {  	_ =	swait.ge [sflag:s31], $0x2800  }
0x4d: {  	[sflag:s31] =	ssyncset.done $0x0  }
0x4e: {  	[sflag:s31] =	ssyncadd.s32 $0xFFFFD800  }
0x4f: {  	[spmem:s2] =	stream.indirect.scatter.add.f32 [tilespmem:s26], [sflag:$0x2], $0x80, s30, s0, $0xb8;
	[tilespmem:$0x1F780] =	vst v63  }
0x50: {  	s22 =	sand.u32 $0x1, s3;
	_ =	swait.ge [sflag:s3], $0x2800  }
0x51: {  	p1 =	seq.s32 s22, $0x1;
	s17 =	simm.s32 $0x1CF80;
	[sflag:s3] =	ssyncset.done $0x0  }
0x52: {  	s24 =	simm.s32 $0x140A0;
	s17 =	simm.s32 @!p1 $0x1A780;
	[sflag:s3] =	ssyncadd.s32 $0xFFFFD800  }
0x53: {  	[tilespmem:s17], [sflag:$0x1] =	stream.indirect.gather [hbm4b:s23+s0], $0x80, s24, s0, $0xb8;
	[tilespmem:$0x1F780] =	vst v63  }
0x54: {  	s20 =	simm.s32 $0x16800;
	s21 =	simm.s32 $0x1A780;
	_ =	swait.ge [sflag:s31], $0x2800  }
0x55: {  	s21 =	simm.s32 @!p1 $0x1CF80;
	s18 =	simm.s32 $0x140F0;
	[sflag:s31] =	ssyncset.done $0x0  }
0x56: {  	s19 =	simm.s32 $0x16880;
	s17 =	simm.s32 $0x3;
	[sflag:s31] =	ssyncadd.s32 $0xFFFFD800  }
.LBB2_2:
0x57: {  	[spmem:s2] =	stream.indirect.scatter.add.f32 [tilespmem:s21], [sflag:$0x2], $0x80, s20, s0, $0xb8;
	[tilespmem:$0x1F780] =	vst v63  }
0x58: {  	s20 =	sand.u32 $0x1, s17  }
0x59: {  	p1 =	sne.s32 s17, $0x7C;
	s17 =	sadd.s32 $0x1, s17;
	_ =	swait.ge [sflag:s3], $0x2800  }
0x5a: {  	p2 =	seq.s32 s20, $0x1;
	s20 =	simm.s32 $0x1CF80;
	[sflag:s3] =	ssyncset.done $0x0  }
.Ltmp0:
0x5b: {  	s20 =	simm.s32 @!p2 $0x1A780;
	[sflag:s3] =	ssyncadd.s32 $0xFFFFD800;
	(pc) =	sbr.rel @p1 .LBB2_2-.Ltmp0, $4  }
0x5c: {  	[tilespmem:s20], [sflag:$0x1] =	stream.indirect.gather [hbm4b:s23+s0], $0x80, s18, s0, $0xb8;
	[tilespmem:$0x1F780] =	vst v63  }
0x5d: {  	s20 =	smov.u32 s19;
	_ =	swait.ge [sflag:s31], $0x2800  }
0x5e: {  	s21 =	simm.s32 $0x1A780;
	s18 =	sadd.s32 $0x50, s18;
	[sflag:s31] =	ssyncset.done $0x0  }
0x5f: {  	s21 =	simm.s32 @!p2 $0x1CF80;
	s19 =	sadd.s32 $0x80, s19;
	[sflag:s31] =	ssyncadd.s32 $0xFFFFD800  }
0x60: {  	[spmem:s2] =	stream.indirect.scatter.add.f32 [tilespmem:s21], [sflag:$0x2], $0x80, s20, s0, $0xb8;
	[tilespmem:$0x1F780] =	vst v63  }
0x61: {  	_ =	swait.ge [sflag:s3], $0x2800  }
0x62: {  	[sflag:s3] =	ssyncset.done $0x0  }
0x63: {  	[sflag:s3] =	ssyncadd.s32 $0xFFFFD800  }
0x64: {  	_ =	swait.ge [sflag:s31], $0x2800  }
0x65: {  	[sflag:s31] =	ssyncset.done $0x0  }
0x66: {  	[sflag:s31] =	ssyncadd.s32 $0xFFFFD800  }
0x67: {  	[spmem:s2] =	stream.indirect.scatter.add.f32 [tilespmem:s26], [sflag:$0x2], $0x80, s15, s0, $0xb8;
	[tilespmem:$0x1F780] =	vst v63  }
0x68: {  	_ =	swait.ge [sflag:s3], $0x2800  }
0x69: {  	[sflag:s3] =	ssyncset.done $0x0  }
0x6a: {  	s17 =	stileid.u32;
	[sflag:s3] =	ssyncadd.s32 $0xFFFFD800  }
0x6b: {  	s17 =	sshll.u32 s17, $0x6;
	[bflag:$0x0] =	sbarrier.arrive $0xFFFF  }
0x6c: {  	s18 =	sshrl.u32 s7, $0x3;
	s17 =	sor.u32 $0x1C03, s17;
	s19 =	rddreg [dreg:$0x6]  }
0x6d: {  	[hbm:s19], [sflag:s17] =	dma.local [spmem:s18], $0x2800  }
0x6e: {  	_ =	swait.ge [sflag:s28], $0x2800  }
0x6f: {  	[sflag:s28] =	ssyncset.done $0x0  }
0x70: {  	[sflag:s28] =	ssyncadd.s32 $0xFFFFD800  }
0x71: {  	[tilespmem:s26], [sflag:$0x3] =	stream.linear.gather [hbm4b:s1+s4], $0x2800, $0x38;
	[tilespmem:$0x1F780] =	vst v63  }
0x72: {  	_ =	swait.ge [sflag:s28], $0x2800  }
0x73: {  	[sflag:s28] =	ssyncset.done $0x0  }
0x74: {  	[sflag:s28] =	ssyncadd.s32 $0xFFFFD800  }
0x75: {  	[spmem:s7] =	stream.linear.scatter [tilespmem:s26], [sflag:$0x3], $0x2800, $0x38;
	[tilespmem:$0x1F780] =	vst v63  }
0x76: {  	_ =	swait.ge [sflag:s28], $0x2800  }
0x77: {  	[sflag:s28] =	ssyncset.done $0x0  }
0x78: {  	[sflag:s28] =	ssyncadd.s32 $0xFFFFD800  }
0x79: {  	[spmem:s8] =	stream.linear.scatter [tilespmem:s26], [sflag:$0x3], $0x2800, $0x38;
	[tilespmem:$0x1F780] =	vst v63  }
0x7a: {  	_ =	swait.ge [sflag:s28], $0x2800  }
0x7b: {  	[sflag:s28] =	ssyncset.done $0x0  }
0x7c: {  	[sflag:s28] =	ssyncadd.s32 $0xFFFFD800  }
0x7d: {  	[spmem:s9] =	stream.linear.scatter [tilespmem:s26], [sflag:$0x3], $0x2800, $0x38;
	[tilespmem:$0x1F780] =	vst v63  }
0x7e: {  	_ =	swait.ge [sflag:s28], $0x2800  }
0x7f: {  	[sflag:s28] =	ssyncset.done $0x0  }
0x80: {  	[sflag:s28] =	ssyncadd.s32 $0xFFFFD800  }
0x81: {  	[spmem:s10] =	stream.linear.scatter [tilespmem:s26], [sflag:$0x3], $0x2800, $0x38;
	[tilespmem:$0x1F780] =	vst v63  }
0x82: {  	_ =	swait.ge [sflag:s28], $0x2800  }
0x83: {  	[sflag:s28] =	ssyncset.done $0x0  }
0x84: {  	[sflag:s28] =	ssyncadd.s32 $0xFFFFD800  }
0x85: {  	[spmem:s11] =	stream.linear.scatter [tilespmem:s26], [sflag:$0x3], $0x2800, $0x38;
	[tilespmem:$0x1F780] =	vst v63  }
0x86: {  	_ =	swait.ge [sflag:s28], $0x2800  }
0x87: {  	[sflag:s28] =	ssyncset.done $0x0  }
0x88: {  	[sflag:s28] =	ssyncadd.s32 $0xFFFFD800  }
0x89: {  	[spmem:s12] =	stream.linear.scatter [tilespmem:s26], [sflag:$0x3], $0x2800, $0x38;
	[tilespmem:$0x1F780] =	vst v63  }
0x8a: {  	_ =	swait.ge [sflag:s28], $0x2800  }
0x8b: {  	[sflag:s28] =	ssyncset.done $0x0  }
0x8c: {  	[sflag:s28] =	ssyncadd.s32 $0xFFFFD800  }
0x8d: {  	[spmem:s13] =	stream.linear.scatter [tilespmem:s26], [sflag:$0x3], $0x2800, $0x38;
	[tilespmem:$0x1F780] =	vst v63  }
0x8e: {  	_ =	swait.ge [sflag:s28], $0x2800  }
0x8f: {  	[sflag:s28] =	ssyncset.done $0x0  }
0x90: {  	[sflag:s28] =	ssyncadd.s32 $0xFFFFD800  }
0x91: {  	[spmem:s14] =	stream.linear.scatter [tilespmem:s26], [sflag:$0x3], $0x2800, $0x38;
	[tilespmem:$0x1F780] =	vst v63  }
0x92: {  	_ =	swait.ge [sflag:s28], $0x2800  }
0x93: {  	[sflag:s28] =	ssyncset.done $0x0  }
0x94: {  	s20 =	rddreg [dreg:$0x7];
	[sflag:s28] =	ssyncadd.s32 $0xFFFFD800  }
0x95: {  	[tilespmem:s29], [sflag:$0x3] =	stream.linear.gather [hbm4b:s20+s4], $0x2710, $0x38;
	[tilespmem:$0x1F780] =	vst v63  }
0x96: {  	_ =	swait.ge [sflag:s28], $0x2710  }
0x97: {  	[sflag:s28] =	ssyncset.done $0x0  }
0x98: {  	s21 =	rddreg [dreg:$0x8];
	[sflag:s28] =	ssyncadd.s32 $0xFFFFD8F0  }
0x99: {  	[tilespmem:s30], [sflag:$0x3] =	stream.linear.gather [hbm4b:s21+s4], $0x3E80, $0x38;
	[tilespmem:$0x1F780] =	vst v63  }
0x9a: {  	_ =	swait.ge [sflag:s28], $0x3E80  }
0x9b: {  	s19 =	simm.s32 @p0 $0x50;
	[sflag:s28] =	ssyncset.done $0x0  }
0x9c: {  	s20 =	simm.s32 @p0 $0x14000;
	s21 =	simm.s32 @p0 $0x1A780;
	[sflag:s28] =	ssyncadd.s32 $0xFFFFC180  }
0x9d: {  	[tilespmem:s21], [sflag:$0x1] =	stream.indirect.gather @p0 [hbm4b:s5+s19], $0x80, s20, s19, $0xb8;
	[tilespmem:$0x1F780] =	vst v63  }
0x9e: {  	s20 =	simm.s32 @p0 $0x14050;
	s21 =	simm.s32 @p0 $0x1CF80;
	[bflag:$0x0] =	sbarrier.arrive @p0 $0xFFFF  }
0x9f: {  	[tilespmem:s21], [sflag:$0x1] =	stream.indirect.gather @p0 [hbm4b:s5+s19], $0x80, s20, s19, $0xb8;
	[tilespmem:$0x1F780] =	vst v63  }
0xa0: {  	s19 =	simm.s32 @!p0 $0x50;
	s20 =	simm.s32 @!p0 $0x14000;
	s21 =	simm.s32 @!p0 $0x1A780  }
0xa1: {  	[tilespmem:s21], [sflag:$0x1] =	stream.indirect.gather @!p0 [hbm4b:s6+s19], $0x80, s20, s19, $0xb8;
	[tilespmem:$0x1F780] =	vst v63  }
0xa2: {  	s20 =	simm.s32 @!p0 $0x14050;
	s21 =	simm.s32 @!p0 $0x1CF80;
	[bflag:$0x0] =	sbarrier.arrive @!p0 $0xFFFF  }
0xa3: {  	[tilespmem:s21], [sflag:$0x1] =	stream.indirect.gather @!p0 [hbm4b:s6+s19], $0x80, s20, s19, $0xb8;
	[tilespmem:$0x1F780] =	vst v63  }
0xa4: {  	_ =	swait.ge [sflag:s31], $0x2800  }
0xa5: {  	[sflag:s31] =	ssyncset.done $0x0  }
0xa6: {  	s22 =	simm.s32 $0x2;
	[sflag:s31] =	ssyncadd.s32 $0xFFFFD800  }
0xa7: {  	[spmem:s2] =	stream.indirect.scatter.add.f32 [tilespmem:s26], [sflag:$0x2], $0x80, s30, s0, $0xb8;
	[tilespmem:$0x1F780] =	vst v63  }
0xa8: {  	s19 =	sand.u32 $0x1, s22;
	_ =	swait.ge [sflag:s3], $0x2800  }
0xa9: {  	p1 =	seq.s32 s19, $0x1;
	s19 =	simm.s32 $0x1CF80;
	[sflag:s3] =	ssyncset.done $0x0  }
0xaa: {  	s24 =	simm.s32 $0x140A0;
	s19 =	simm.s32 @!p1 $0x1A780;
	[sflag:s3] =	ssyncadd.s32 $0xFFFFD800  }
0xab: {  	[tilespmem:s19], [sflag:$0x1] =	stream.indirect.gather [hbm4b:s23+s0], $0x80, s24, s0, $0xb8;
	[tilespmem:$0x1F780] =	vst v63  }
0xac: {  	s22 =	simm.s32 $0x16800;
	s20 =	simm.s32 $0x140F0;
	_ =	swait.ge [sflag:s31], $0x2800  }
0xad: {  	s21 =	simm.s32 $0x16880;
	s24 =	simm.s32 $0x1A780;
	[sflag:s31] =	ssyncset.done $0x0  }
0xae: {  	s19 =	simm.s32 $0x3;
	s24 =	simm.s32 @!p1 $0x1CF80;
	[sflag:s31] =	ssyncadd.s32 $0xFFFFD800  }
.LBB2_4:
0xaf: {  	[spmem:s2] =	stream.indirect.scatter.add.f32 [tilespmem:s24], [sflag:$0x2], $0x80, s22, s0, $0xb8;
	[tilespmem:$0x1F780] =	vst v63  }
0xb0: {  	s22 =	sand.u32 $0x1, s19  }
0xb1: {  	p1 =	sne.s32 s19, $0x7C;
	s19 =	sadd.s32 $0x1, s19;
	_ =	swait.ge [sflag:s3], $0x2800  }
0xb2: {  	p2 =	seq.s32 s22, $0x1;
	s22 =	simm.s32 $0x1CF80;
	[sflag:s3] =	ssyncset.done $0x0  }
.Ltmp1:
0xb3: {  	s22 =	simm.s32 @!p2 $0x1A780;
	[sflag:s3] =	ssyncadd.s32 $0xFFFFD800;
	(pc) =	sbr.rel @p1 .LBB2_4-.Ltmp1, $4  }
0xb4: {  	[tilespmem:s22], [sflag:$0x1] =	stream.indirect.gather [hbm4b:s23+s0], $0x80, s20, s0, $0xb8;
	[tilespmem:$0x1F780] =	vst v63  }
0xb5: {  	s22 =	smov.u32 s21;
	_ =	swait.ge [sflag:s31], $0x2800  }
0xb6: {  	s24 =	simm.s32 $0x1A780;
	s20 =	sadd.s32 $0x50, s20;
	[sflag:s31] =	ssyncset.done $0x0  }
0xb7: {  	s24 =	simm.s32 @!p2 $0x1CF80;
	s21 =	sadd.s32 $0x80, s21;
	[sflag:s31] =	ssyncadd.s32 $0xFFFFD800  }
0xb8: {  	[spmem:s2] =	stream.indirect.scatter.add.f32 [tilespmem:s24], [sflag:$0x2], $0x80, s22, s0, $0xb8;
	[tilespmem:$0x1F780] =	vst v63  }
0xb9: {  	_ =	swait.ge [sflag:s3], $0x2800  }
0xba: {  	[sflag:s3] =	ssyncset.done $0x0  }
0xbb: {  	[sflag:s3] =	ssyncadd.s32 $0xFFFFD800  }
0xbc: {  	_ =	swait.ge [sflag:s31], $0x2800  }
0xbd: {  	[sflag:s31] =	ssyncset.done $0x0  }
0xbe: {  	[sflag:s31] =	ssyncadd.s32 $0xFFFFD800  }
0xbf: {  	[spmem:s2] =	stream.indirect.scatter.add.f32 [tilespmem:s26], [sflag:$0x2], $0x80, s15, s0, $0xb8;
	[tilespmem:$0x1F780] =	vst v63  }
0xc0: {  	_ =	swait.ge [sflag:s3], $0x2800  }
0xc1: {  	[sflag:s3] =	ssyncset.done $0x0  }
0xc2: {  	[sflag:s3] =	ssyncadd.s32 $0xFFFFD800  }
0xc3: {  	[bflag:$0x0] =	sbarrier.arrive $0xFFFF  }
0xc4: {  	s19 =	rddreg [dreg:$0x9]  }
0xc5: {  	[hbm:s19], [sflag:s17] =	dma.local [spmem:s18], $0x2800  }
0xc6: {  	_ =	swait.ge [sflag:s28], $0x2800  }
0xc7: {  	[sflag:s28] =	ssyncset.done $0x0  }
0xc8: {  	[sflag:s28] =	ssyncadd.s32 $0xFFFFD800  }
0xc9: {  	[tilespmem:s26], [sflag:$0x3] =	stream.linear.gather [hbm4b:s1+s4], $0x2800, $0x38;
	[tilespmem:$0x1F780] =	vst v63  }
0xca: {  	_ =	swait.ge [sflag:s28], $0x2800  }
0xcb: {  	[sflag:s28] =	ssyncset.done $0x0  }
0xcc: {  	[sflag:s28] =	ssyncadd.s32 $0xFFFFD800  }
0xcd: {  	[spmem:s7] =	stream.linear.scatter [tilespmem:s26], [sflag:$0x3], $0x2800, $0x38;
	[tilespmem:$0x1F780] =	vst v63  }
0xce: {  	_ =	swait.ge [sflag:s28], $0x2800  }
0xcf: {  	[sflag:s28] =	ssyncset.done $0x0  }
0xd0: {  	[sflag:s28] =	ssyncadd.s32 $0xFFFFD800  }
0xd1: {  	[spmem:s8] =	stream.linear.scatter [tilespmem:s26], [sflag:$0x3], $0x2800, $0x38;
	[tilespmem:$0x1F780] =	vst v63  }
0xd2: {  	_ =	swait.ge [sflag:s28], $0x2800  }
0xd3: {  	[sflag:s28] =	ssyncset.done $0x0  }
0xd4: {  	[sflag:s28] =	ssyncadd.s32 $0xFFFFD800  }
0xd5: {  	[spmem:s9] =	stream.linear.scatter [tilespmem:s26], [sflag:$0x3], $0x2800, $0x38;
	[tilespmem:$0x1F780] =	vst v63  }
0xd6: {  	_ =	swait.ge [sflag:s28], $0x2800  }
0xd7: {  	[sflag:s28] =	ssyncset.done $0x0  }
0xd8: {  	[sflag:s28] =	ssyncadd.s32 $0xFFFFD800  }
0xd9: {  	[spmem:s10] =	stream.linear.scatter [tilespmem:s26], [sflag:$0x3], $0x2800, $0x38;
	[tilespmem:$0x1F780] =	vst v63  }
0xda: {  	_ =	swait.ge [sflag:s28], $0x2800  }
0xdb: {  	[sflag:s28] =	ssyncset.done $0x0  }
0xdc: {  	[sflag:s28] =	ssyncadd.s32 $0xFFFFD800  }
0xdd: {  	[spmem:s11] =	stream.linear.scatter [tilespmem:s26], [sflag:$0x3], $0x2800, $0x38;
	[tilespmem:$0x1F780] =	vst v63  }
0xde: {  	_ =	swait.ge [sflag:s28], $0x2800  }
0xdf: {  	[sflag:s28] =	ssyncset.done $0x0  }
0xe0: {  	[sflag:s28] =	ssyncadd.s32 $0xFFFFD800  }
0xe1: {  	[spmem:s12] =	stream.linear.scatter [tilespmem:s26], [sflag:$0x3], $0x2800, $0x38;
	[tilespmem:$0x1F780] =	vst v63  }
0xe2: {  	_ =	swait.ge [sflag:s28], $0x2800  }
0xe3: {  	[sflag:s28] =	ssyncset.done $0x0  }
0xe4: {  	[sflag:s28] =	ssyncadd.s32 $0xFFFFD800  }
0xe5: {  	[spmem:s13] =	stream.linear.scatter [tilespmem:s26], [sflag:$0x3], $0x2800, $0x38;
	[tilespmem:$0x1F780] =	vst v63  }
0xe6: {  	_ =	swait.ge [sflag:s28], $0x2800  }
0xe7: {  	[sflag:s28] =	ssyncset.done $0x0  }
0xe8: {  	[sflag:s28] =	ssyncadd.s32 $0xFFFFD800  }
0xe9: {  	[spmem:s14] =	stream.linear.scatter [tilespmem:s26], [sflag:$0x3], $0x2800, $0x38;
	[tilespmem:$0x1F780] =	vst v63  }
0xea: {  	_ =	swait.ge [sflag:s28], $0x2800  }
0xeb: {  	[sflag:s28] =	ssyncset.done $0x0  }
0xec: {  	s20 =	rddreg [dreg:$0xa];
	[sflag:s28] =	ssyncadd.s32 $0xFFFFD800  }
0xed: {  	[tilespmem:s29], [sflag:$0x3] =	stream.linear.gather [hbm4b:s20+s4], $0x2710, $0x38;
	[tilespmem:$0x1F780] =	vst v63  }
0xee: {  	_ =	swait.ge [sflag:s28], $0x2710  }
0xef: {  	[sflag:s28] =	ssyncset.done $0x0  }
0xf0: {  	s21 =	rddreg [dreg:$0xb];
	[sflag:s28] =	ssyncadd.s32 $0xFFFFD8F0  }
0xf1: {  	[tilespmem:s30], [sflag:$0x3] =	stream.linear.gather [hbm4b:s21+s4], $0x3E80, $0x38;
	[tilespmem:$0x1F780] =	vst v63  }
0xf2: {  	_ =	swait.ge [sflag:s28], $0x3E80  }
0xf3: {  	s19 =	simm.s32 @p0 $0x50;
	[sflag:s28] =	ssyncset.done $0x0  }
0xf4: {  	s20 =	simm.s32 @p0 $0x14000;
	s21 =	simm.s32 @p0 $0x1A780;
	[sflag:s28] =	ssyncadd.s32 $0xFFFFC180  }
0xf5: {  	[tilespmem:s21], [sflag:$0x1] =	stream.indirect.gather @p0 [hbm4b:s5+s19], $0x80, s20, s19, $0xb8;
	[tilespmem:$0x1F780] =	vst v63  }
0xf6: {  	s20 =	simm.s32 @p0 $0x14050;
	s21 =	simm.s32 @p0 $0x1CF80;
	[bflag:$0x0] =	sbarrier.arrive @p0 $0xFFFF  }
0xf7: {  	[tilespmem:s21], [sflag:$0x1] =	stream.indirect.gather @p0 [hbm4b:s5+s19], $0x80, s20, s19, $0xb8;
	[tilespmem:$0x1F780] =	vst v63  }
0xf8: {  	s19 =	simm.s32 @!p0 $0x50;
	s20 =	simm.s32 @!p0 $0x14000;
	s21 =	simm.s32 @!p0 $0x1A780  }
0xf9: {  	[tilespmem:s21], [sflag:$0x1] =	stream.indirect.gather @!p0 [hbm4b:s6+s19], $0x80, s20, s19, $0xb8;
	[tilespmem:$0x1F780] =	vst v63  }
0xfa: {  	s20 =	simm.s32 @!p0 $0x14050;
	s21 =	simm.s32 @!p0 $0x1CF80;
	[bflag:$0x0] =	sbarrier.arrive @!p0 $0xFFFF  }
0xfb: {  	[tilespmem:s21], [sflag:$0x1] =	stream.indirect.gather @!p0 [hbm4b:s6+s19], $0x80, s20, s19, $0xb8;
	[tilespmem:$0x1F780] =	vst v63  }
0xfc: {  	_ =	swait.ge [sflag:s31], $0x2800  }
0xfd: {  	[sflag:s31] =	ssyncset.done $0x0  }
0xfe: {  	s22 =	simm.s32 $0x2;
	[sflag:s31] =	ssyncadd.s32 $0xFFFFD800  }
0xff: {  	[spmem:s2] =	stream.indirect.scatter.add.f32 [tilespmem:s26], [sflag:$0x2], $0x80, s30, s0, $0xb8;
	[tilespmem:$0x1F780] =	vst v63  }
0x100: {  	s19 =	sand.u32 $0x1, s22;
	_ =	swait.ge [sflag:s3], $0x2800  }
0x101: {  	p1 =	seq.s32 s19, $0x1;
	s19 =	simm.s32 $0x1CF80;
	[sflag:s3] =	ssyncset.done $0x0  }
0x102: {  	s24 =	simm.s32 $0x140A0;
	s19 =	simm.s32 @!p1 $0x1A780;
	[sflag:s3] =	ssyncadd.s32 $0xFFFFD800  }
0x103: {  	[tilespmem:s19], [sflag:$0x1] =	stream.indirect.gather [hbm4b:s23+s0], $0x80, s24, s0, $0xb8;
	[tilespmem:$0x1F780] =	vst v63  }
0x104: {  	s22 =	simm.s32 $0x16800;
	s20 =	simm.s32 $0x140F0;
	_ =	swait.ge [sflag:s31], $0x2800  }
0x105: {  	s21 =	simm.s32 $0x16880;
	s24 =	simm.s32 $0x1A780;
	[sflag:s31] =	ssyncset.done $0x0  }
0x106: {  	s19 =	simm.s32 $0x3;
	s24 =	simm.s32 @!p1 $0x1CF80;
	[sflag:s31] =	ssyncadd.s32 $0xFFFFD800  }
.LBB2_6:
0x107: {  	[spmem:s2] =	stream.indirect.scatter.add.f32 [tilespmem:s24], [sflag:$0x2], $0x80, s22, s0, $0xb8;
	[tilespmem:$0x1F780] =	vst v63  }
0x108: {  	s22 =	sand.u32 $0x1, s19  }
0x109: {  	p1 =	sne.s32 s19, $0x7C;
	s19 =	sadd.s32 $0x1, s19;
	_ =	swait.ge [sflag:s3], $0x2800  }
0x10a: {  	p2 =	seq.s32 s22, $0x1;
	s22 =	simm.s32 $0x1CF80;
	[sflag:s3] =	ssyncset.done $0x0  }
.Ltmp2:
0x10b: {  	s22 =	simm.s32 @!p2 $0x1A780;
	[sflag:s3] =	ssyncadd.s32 $0xFFFFD800;
	(pc) =	sbr.rel @p1 .LBB2_6-.Ltmp2, $4  }
0x10c: {  	[tilespmem:s22], [sflag:$0x1] =	stream.indirect.gather [hbm4b:s23+s0], $0x80, s20, s0, $0xb8;
	[tilespmem:$0x1F780] =	vst v63  }
0x10d: {  	s22 =	smov.u32 s21;
	_ =	swait.ge [sflag:s31], $0x2800  }
0x10e: {  	s24 =	simm.s32 $0x1A780;
	s20 =	sadd.s32 $0x50, s20;
	[sflag:s31] =	ssyncset.done $0x0  }
0x10f: {  	s24 =	simm.s32 @!p2 $0x1CF80;
	s21 =	sadd.s32 $0x80, s21;
	[sflag:s31] =	ssyncadd.s32 $0xFFFFD800  }
0x110: {  	[spmem:s2] =	stream.indirect.scatter.add.f32 [tilespmem:s24], [sflag:$0x2], $0x80, s22, s0, $0xb8;
	[tilespmem:$0x1F780] =	vst v63  }
0x111: {  	_ =	swait.ge [sflag:s3], $0x2800  }
0x112: {  	[sflag:s3] =	ssyncset.done $0x0  }
0x113: {  	[sflag:s3] =	ssyncadd.s32 $0xFFFFD800  }
0x114: {  	_ =	swait.ge [sflag:s31], $0x2800  }
0x115: {  	[sflag:s31] =	ssyncset.done $0x0  }
0x116: {  	[sflag:s31] =	ssyncadd.s32 $0xFFFFD800  }
0x117: {  	[spmem:s2] =	stream.indirect.scatter.add.f32 [tilespmem:s26], [sflag:$0x2], $0x80, s15, s0, $0xb8;
	[tilespmem:$0x1F780] =	vst v63  }
0x118: {  	_ =	swait.ge [sflag:s3], $0x2800  }
0x119: {  	[sflag:s3] =	ssyncset.done $0x0  }
0x11a: {  	s16 =	sadd.s32 $0x1, s16;
	[sflag:s3] =	ssyncadd.s32 $0xFFFFD800  }
0x11b: {  	p1 =	sne.s32 s16, s25;
	[bflag:$0x0] =	sbarrier.arrive $0xFFFF  }
.Ltmp3:
0x11c: {  	s19 =	rddreg [dreg:$0xc];
	(pc) =	sbr.rel @p1 .LBB2_1-.Ltmp3, $4  }
0x11d: {  	[hbm:s19], [sflag:s17] =	dma.local [spmem:s18], $0x2800  }
0x11e: {  	_ =	swait.ge [sflag:s28], $0x2800  }
0x11f: {  	[sflag:s28] =	ssyncset.done $0x0  }
0x120: {  	[sflag:s28] =	ssyncadd.s32 $0xFFFFD800  }
0x121: {  	_ =	sfence.sel $0x180000  }
0x122: {  	[bflag:$0x0] =	sbarrier.arrive $0xFFFF  }
0x123: {  	_ =	strace $0x9000004A  }
0x124: {  	s0 =	stileid.u32;
	[bflag:$0x2] =	sbarrier.arrive $0xFFFF  }
0x125: {  	p0 =	sne.s32 s0, $0x0;
	s0 =	rddreg [dreg:$0x3]  }
0x126: {  	s0 =	sadd.s32 @!p0 $0x100000, s0  }
0x127: {  	[sflag:s0] =	ssyncadd.tile.s32 @!p0 $0x1;
	_ =	shalt  }
.Lfunc_end2:
_tile_overlayer_lowered:
.L_overlay_start_2:
0x128: {  	(tag) =	ssettag $0x2  }
0x129: {  	s0 =	rddreg [dreg:$0x0];
	s2 =	stileid.u32  }
0x12a: {  	s1 =	rddreg [dreg:$0x1];
	p0 =	sne.s32 s2, $0x0  }
0x12b: {  	s3 =	rddreg [dreg:$0x2];
	[bflag:$0x3] =	sbarrier.arrive $0xFFFF;
	s2 =	simm.s32 @!p0 $0x1C03  }
0x12c: {  	[timem:s3], [sflag:s2] =	dma.local @!p0 [hbm:s0], s1  }
0x12d: {  	s0 =	simm.s32 @!p0 $0x3  }
0x12e: {  	_ =	swait.ge @!p0 [sflag:s0], s1  }
0x12f: {  	s1 =	ssub.s32 @!p0 $0x0, s1;
	[sflag:s0] =	ssyncset.done @!p0 $0x0  }
0x130: {  	[sflag:s0] =	ssyncadd.s32 @!p0 s1  }
0x131: {  	[bflag:$0x3] =	sbarrier.arrive $0xFFFF  }
0x132: {  	_ =	shalt  }

// kernel: kernel.7.cloned.1.call-start
scs
__scs_entry_jumppad:
0x0: {  	(pc) =	sbr.rel $0x88, $3  }
0x1: {  	(tag) =	ssettag $0x0;
	lr =	simm.s32 $0x1  }
0x2: {  	[smem:$0x3F98] =	sst lr;
	_ =	strace $0xD0000000  }
0x3: {  	_ = 	snop  }
0x4: {  	_ = 	snop  }
0x5: {  	_ = 	snop  }
0x6: {  	_ = 	snop  }
0x7: {  	_ = 	snop  }
__scs_overlays_trampoline_lowered:
0x8: {  	[smem:$0x3FA7] =	sst s0  }
0x9: {  	[smem:$0x3FA8] =	sst s1  }
0xa: {  	[smem:$0x3FA9] =	sst s2  }
0xb: {  	[smem:$0x3FAA] =	sst s3  }
0xc: {  	[smem:$0x3FAB] =	sst s4  }
0xd: {  	[smem:$0x3FAC] =	sst s5  }
0xe: {  	[smem:$0x3FAD] =	sst s6  }
0xf: {  	[smem:$0x3FAE] =	sst s7  }
0x10: {  	[smem:$0x3FAF] =	sst s8  }
0x11: {  	[smem:$0x3FB0] =	sst s9;
	s0 =	simm.s32 @!p0 $0x0  }
0x12: {  	s1 =	sld [smem:$0x3F96];
	s0 =	simm.s32 @p0 $0x1  }
0x13: {  	[smem:$0x3FB1] =	sst s0;
	s0 =	simm.s32 @!p1 $0x0  }
0x14: {  	s2 =	sld [smem:$0x3F95];
	s0 =	simm.s32 @p1 $0x1  }
0x15: {  	[smem:$0x3FB2] =	sst s0;
	s0 =	simm.s32 @!p2 $0x0  }
0x16: {  	s3 =	sld [smem:$0x3FDB];
	s0 =	simm.s32 @p2 $0x1  }
0x17: {  	s4 =	simm.s32 $0x1BF5;
	[smem:$0x3FB4] =	sst s0  }
0x18: {  	s0 =	sld [smem:$0x3F97];
	_ =	swait.ge [sflag:s4], $0x0  }
0x19: {  	s7 =	sld [smem:$0x3F98]  }
0x1a: {  	s8 =	sadd.s32 $0xFFFFE003, lr  }
0x1b: {  	s9 =	sadd.s32 $0xFFFFFEF7, lr;
	s5 =	simm.s32 $0xFFFFFFFF;
	p2 =	slt.u32 s8, $0xFFFFF086  }
0x1c: {  	p1 =	slt.u32 s9, $0xF7A;
	s5 =	simm.s32 @!p2 $0x0  }
0x1d: {  	s5 =	simm.s32 @p1 $0x1;
	p0 =	seq.s32 s7, s2  }
0x1e: {  	s7 =	smul.u32 @!p0 $0xF7A, s2;
	p2 =	seq.s32 @!p0 s5, $0x0  }
0x1f: {  	s9 =	smul.u32 $0xF7A, s1;
	s8 =	simm.s32 @!p0 $0x1BF5;
	p2 =	por !p2, p0  }
0x20: {  	[sflag:s8] =	ssyncset.s32 @!p0 $0xFFFFF086;
	s6 =	sadd.s32 @!p0 s3, s7;
	s7 =	simm.s32 @!p0 $0x108  }
0x21: {  	s3 =	sadd.s32 s3, s9;
	s6 =	sadd.s32 @!p0 $0x88, s6;
	s7 =	simm.s32 @p2 $0x1082  }
0x22: {  	[simem:s7], [sflag:s8] =	dma.local @!p0 [hbm:s6], $0xF7A  }
0x23: {  	s9 =	sor.u32 $0xD0000000, s2;
	s6 =	simm.s32 $0x108;
	_ =	swait.ge @!p0 [sflag:s8], $0x0  }
0x24: {  	s3 =	sadd.s32 $0x88, s3;
	s6 =	simm.s32 @!p1 $0x1082;
	[sflag:s4] =	ssyncset.s32 $0xFFFFF086  }
0x25: {  	[simem:s6], [sflag:s4] =	dma.local [hbm:s3], $0xF7A  }
0x26: {  	[smem:$0x3F98] =	sst s1;
	(tag) =	ssettag s2;
	_ =	strace s9  }
0x27: {  	s1 =	sld [smem:$0x3FA8]  }
0x28: {  	s2 =	sld [smem:$0x3FA9]  }
0x29: {  	s4 =	sld [smem:$0x3FAB]  }
0x2a: {  	p0 =	seq.s32 s5, $0x0;
	s5 =	sld [smem:$0x3FAC]  }
0x2b: {  	s6 =	sld [smem:$0x3FAD]  }
0x2c: {  	s7 =	sld [smem:$0x3FAE]  }
0x2d: {  	s3 =	simm.s32 $0x108;
	s8 =	sld [smem:$0x3FAF]  }
0x2e: {  	s3 =	simm.s32 @!p0 $0x1082;
	s9 =	sld [smem:$0x3FB0]  }
0x2f: {  	lr =	sadd.s32 s0, s3;
	s0 =	sld [smem:$0x3FA7]  }
0x30: {  	s3 =	sld [smem:$0x3FAA]  }
0x31: {  	[smem:$0x3FB3] =	sst s10  }
0x32: {  	s10 =	sld [smem:$0x3FB1];
	_ =	sdelay $0x3  }
0x33: {  	p0 =	seq.s32 s10, $0x1;
	s10 =	sld [smem:$0x3FB3];
	_ =	sdelay $0x3  }
0x34: {  	[smem:$0x3FB3] =	sst s10  }
0x35: {  	s10 =	sld [smem:$0x3FB2];
	_ =	sdelay $0x3  }
0x36: {  	p1 =	seq.s32 s10, $0x1;
	s10 =	sld [smem:$0x3FB3];
	_ =	sdelay $0x3  }
0x37: {  	[smem:$0x3FB3] =	sst s10  }
0x38: {  	s10 =	sld [smem:$0x3FB4]  }
0x39: {  	_ = 	snop;
	(pc) =	sbr.ind lr, $3  }
0x3a: {  	_ = 	snop  }
0x3b: {  	_ = 	snop  }
0x3c: {  	p2 =	seq.s32 s10, $0x1;
	s10 =	sld [smem:$0x3FB3]  }
0x3d: {  	_ =	shalt  }
0x3e: {  	_ =	shalt  }
0x3f: {  	_ =	shalt  }
0x40: {  	_ =	shalt  }
0x41: {  	_ =	shalt  }
0x42: {  	_ =	shalt  }
0x43: {  	_ =	shalt  }
0x44: {  	_ =	shalt  }
0x45: {  	_ =	shalt  }
0x46: {  	_ =	shalt  }
0x47: {  	_ =	shalt  }
0x48: {  	_ =	shalt  }
0x49: {  	_ =	shalt  }
0x4a: {  	_ =	shalt  }
0x4b: {  	_ =	shalt  }
0x4c: {  	_ =	shalt  }
0x4d: {  	_ =	shalt  }
0x4e: {  	_ =	shalt  }
0x4f: {  	_ =	shalt  }
0x50: {  	_ =	shalt  }
0x51: {  	_ =	shalt  }
0x52: {  	_ =	shalt  }
0x53: {  	_ =	shalt  }
0x54: {  	_ =	shalt  }
0x55: {  	_ =	shalt  }
0x56: {  	_ =	shalt  }
0x57: {  	_ =	shalt  }
0x58: {  	_ =	shalt  }
0x59: {  	_ =	shalt  }
0x5a: {  	_ =	shalt  }
0x5b: {  	_ =	shalt  }
0x5c: {  	_ =	shalt  }
0x5d: {  	_ =	shalt  }
0x5e: {  	_ =	shalt  }
0x5f: {  	_ =	shalt  }
0x60: {  	_ =	shalt  }
0x61: {  	_ =	shalt  }
0x62: {  	_ =	shalt  }
0x63: {  	_ =	shalt  }
0x64: {  	_ =	shalt  }
0x65: {  	_ =	shalt  }
0x66: {  	_ =	shalt  }
0x67: {  	_ =	shalt  }
0x68: {  	_ =	shalt  }
0x69: {  	_ =	shalt  }
0x6a: {  	_ =	shalt  }
0x6b: {  	_ =	shalt  }
0x6c: {  	_ =	shalt  }
0x6d: {  	_ =	shalt  }
0x6e: {  	_ =	shalt  }
0x6f: {  	_ =	shalt  }
0x70: {  	_ =	shalt  }
0x71: {  	_ =	shalt  }
0x72: {  	_ =	shalt  }
0x73: {  	_ =	shalt  }
0x74: {  	_ =	shalt  }
0x75: {  	_ =	shalt  }
0x76: {  	_ =	shalt  }
0x77: {  	_ =	shalt  }
0x78: {  	_ =	shalt  }
0x79: {  	_ =	shalt  }
0x7a: {  	_ =	shalt  }
0x7b: {  	_ =	shalt  }
0x7c: {  	_ =	shalt  }
0x7d: {  	_ =	shalt  }
0x7e: {  	_ =	shalt  }
0x7f: {  	_ =	shalt  }
0x80: {  	_ =	shalt  }
0x81: {  	_ =	shalt  }
0x82: {  	_ =	shalt  }
0x83: {  	_ =	shalt  }
0x84: {  	_ =	shalt  }
0x85: {  	_ =	shalt  }
0x86: {  	_ =	shalt  }
0x87: {  	_ =	shalt  }
.Lfunc_end0:
.L_simem_size_0:
called_computation_lowered:
.L_overlay_start_0:
0x88: {  	s2 =	sld [smem:$0x3FD9]  }
0x89: {  	s3 =	sld [smem:$0x3FFE];
	_ =	sdelay $0x1  }
0x8a: {  	s1 =	srdreg.scid  }
0x8b: {  	s0 =	sand.u32 $0x1, s1  }
0x8c: {  	s17 =	sshll.u32 s0, $0xA;
	s2 =	sadd.s32 s3, s2  }
0x8d: {  	s2 =	sadd.s32 s2, s17  }
0x8e: {  	[smem:$0x3FBF] =	sst s2  }
0x8f: {  	_ = 	snop  }
0x90: {  	s2 =	sld [smem:$0x3FD0];
	(tm) =	ssettm $0x1  }
0x91: {  	s18 =	sld [smem:$0x3FFB];
	_ =	sdelay $0x3  }
0x92: {  	_ =	strace s18  }
0x93: {  	s3 =	sld [smem:$0x3FFC];
	_ =	sdelay $0x3  }
0x94: {  	_ =	strace s3  }
0x95: {  	s3 =	sld [smem:$0x3FFD];
	_ =	sdelay $0x3  }
0x96: {  	_ =	strace s3  }
0x97: {  	_ =	strace $0x8FFFFFFF  }
0x98: {  	s19 =	sld [smem:$0x3FDB];
	_ =	sdelay $0x1  }
0x99: {  	s4 =	simm.s32 $_scs_section_size  }
0x9a: {  	s5 =	simm.s32 $_size__tile_overlayer_lowered;
	s6 =	simm.s32 $_tile_overlayer_lowered  }
0x9b: {  	s22 =	simm.s32 $0x1BFF;
	s21 =	sshll.u32 s6, $0x1;
	s3 =	sadd.s32 s4, s19  }
0x9c: {  	s7 =	simm.s32 $0x0;
	s20 =	sshll.u32 s5, $0x1;
	s5 =	sadd.s32 s21, s3  }
0x9d: {  	[timem:s7], [sflag:s22] =	dma.local [hbm:s5], s20  }
0x9e: {  	_ =	swait.ge [sflag:s22], s20  }
0x9f: {  	s4 =	ssub.s32 $0x0, s20;
	[sflag:s22] =	ssyncset.done $0x0  }
0xa0: {  	[sflag:s22] =	ssyncadd.s32 s4;
	_ =	sdelay $0x1  }
0xa1: {  	s23 =	simm.s32 $0x1B8B  }
0xa2: {  	_ =	swait.ge [sflag:s23], $0x1  }
0xa3: {  	[sflag:s23] =	ssyncset.done $0x0  }
0xa4: {  	s25 =	simm.s32 $0x1B8E;
	s24 =	sld [smem:$0x3FFE];
	[sflag:s23] =	ssyncadd.s32 $0xFFFFFFFF  }
0xa5: {  	s26 =	simm.s32 $execute0_lowered;
	[smem:$0x3FD2] =	sst s25  }
0xa6: {  	s5 =	sshll.u32 s26, $0x1;
	_ =	strace $0x80000046;
	[dreg:$0x1] =	wrdreg $0xFFFFFFFF  }
0xa7: {  	s28 =	simm.s32 $_size_execute0_lowered;
	s3 =	sadd.s32 s3, s5;
	[dreg:$0x0] =	wrdreg $0x0  }
0xa8: {  	s5 =	sshll.u32 s28, $0x1;
	[dreg:$0x2] =	wrdreg s3  }
0xa9: {  	[dreg:$0x3] =	wrdreg s5  }
0xaa: {  	[dreg:$0x4] =	wrdreg $0xC0  }
0xab: {  	_ =	task [dreg:s7], $0x5FFFF  }
0xac: {  	[dreg:$0x1] =	wrdreg $0xFFFFFFFF  }
0xad: {  	[dreg:$0x0] =	wrdreg $0x60  }
0xae: {  	[dreg:$0x2] =	wrdreg s2  }
0xaf: {  	[dreg:$0x3] =	wrdreg s24  }
0xb0: {  	[dreg:$0x4] =	wrdreg $0x0  }
0xb1: {  	[dreg:$0x5] =	wrdreg $0x2780  }
0xb2: {  	[dreg:$0x6] =	wrdreg $0x4F00  }
0xb3: {  	[dreg:$0x7] =	wrdreg $0x9  }
0xb4: {  	_ =	task.clear_ibuf [dreg:s7], $0x8FFFF;
	_ =	strace $0x90000046  }
0xb5: {  	s29 =	simm.s32 $0x9;
	_ =	strace $0x80000048  }
0xb6: {  	_ =	swait.ge [sflag:s29], $0x1  }
0xb7: {  	[sflag:s29] =	ssyncadd.s32 $0xFFFFFFFF  }
0xb8: {  	_ =	strace $0x90000048  }
0xb9: {  	_ =	sfence  }
0xba: {  	s30 =	sld [smem:$0x0];
	_ =	sdelay $0x2  }
0xbb: {  	s31 =	sshll.u32 s1, $0xD;
	s1 =	sshrl.u32 s1, $0x2  }
0xbc: {  	s3 =	sand.u32 $0x4000, s31;
	s1 =	sadd.s32 s1, s30  }
0xbd: {  	s0 =	sor.u32 s3, s0;
	s1 =	sshll.u32 s1, $0x11  }
0xbe: {  	s0 =	sor.u32 s1, s0  }
0xbf: {  	s0 =	sadd.s32 $0x8F2B, s0  }
0xc0: {  	[sflag:s0] =	ssyncadd.remote.s32 $0x1  }
0xc1: {  	_ =	sfence.sel $0xFFFF  }
0xc2: {  	[dreg:$0x0] =	wrdreg $0xFFFFFFFF;
	(pc) =	sbr.abs _section_cstart, $3  }
0xc3: {  	[dreg:$0x1] =	wrdreg $0xFFFFFFFF  }
0xc4: {  	_ =	task.clear_ibuf [dreg:s7], $0x2FFFF;
	_ =	strace $0x9FFFFFFF  }
0xc5: {  	(tm) =	ssettm $0x7FFFFFFF  }
tec
execute0_lowered:
.L_overlay_start_1:
0x0: {  	(tag) =	ssettag $0x1  }
0x1: {  	s10 =	rddreg [dreg:$0x0]  }
0x2: {  	s6 =	rddreg [dreg:$0x1]  }
0x3: {  	s1 =	rddreg [dreg:$0x2]  }
0x4: {  	s2 =	rddreg [dreg:$0x3]  }
0x5: {  	s3 =	rddreg [dreg:$0x4]  }
0x6: {  	s0 =	rddreg [dreg:$0x5];
	s4 =	simm.s32 $0x0;
	s7 =	srdreg.scid  }
0x7: {  	s20 =	simm.s32 $0x0;
	[smem:$0x7FF] =	sst s4;
	s5 =	sadd.s32 $0x3400, s6  }
0x8: {  	s9 =	sand.u32 $0x1, s7;
	s7 =	sadd.s32 $0x3A00, s6;
	s12 =	sadd.s32 $0x3C00, s6  }
0x9: {  	s6 =	stileid.u32;
	s18 =	smov.u32 s2;
	s8 =	smul.u32 $0x3, s9  }
0xa: {  	_ =	strace $0x80000047;
	s11 =	ssub.s32 $0x2, s9;
	s13 =	smul.u32 $0xC0000, s9  }
0xb: {  	s15 =	sshll.u32 s6, $0xE;
	s31 =	smul.u32 $0xED0, s9;
	p0 =	sgt.u32 s6, $0x2  }
0xc: {  	s14 =	sshrl.u32 s11, $0x1;
	p2 =	seq.s32 @!p0 s6, $0x0;
	s16 =	sadd.s32 $0x1, s8  }
0xd: {  	s14 =	ssub.s32 s11, s14;
	s26 =	sor.u32 s15, s13;
	s17 =	sshll.u32 s8, $0x12  }
0xe: {  	p1 =	por p2, p0;
	s28 =	sshll.u32 s16, $0x12;
	s11 =	sshrl.u32 s26, $0x3  }
0xf: {  	s30 =	sor.u32 s15, s17;
	s16 =	smul.u32 $0x4F0, s16;
	p1 =	sne.s32 @!p1 s6, $0x1  }
0x10: {  	s14 =	smax.u32 s14, $0x1;
	s17 =	simm.s32 $0x1;
	s13 =	sor.u32 s15, s28  }
0x11: {  	s8 =	sadd.s32 s10, s11;
	s11 =	sadd.s32 s12, s31;
	p3 =	por @!p0 !p1, p2  }
0x12: {  	s15 =	simm.s32 $0x4768;
	p1 =	por @!p0 p1, p2;
	p2 =	por !p2, p0  }
0x13: {  	s29 =	sshrl.u32 s13, $0x3;
	s13 =	sadd.s32 $0x80000, s30;
	p4 =	por p3, p0  }
0x14: {  	s12 =	sadd.s32 s12, s16;
	p1 =	por p1, p0;
	s16 =	simm.s32 @!p4 $0x0  }
0x15: {  	p3 =	por !p3, p0;
	s13 =	sshrl.u32 s13, $0x3;
	s16 =	simm.s32 @p4 $0x1  }
0x16: {  	s19 =	simm.s32 @!p3 $0x0;
	[smem:$0x7F9] =	sst s16;
	s16 =	simm.s32 @!p1 $0x0  }
0x17: {  	p4 =	por @!p4 $0x0, $0x0;
	s16 =	simm.s32 @p1 $0x1;
	p1 =	por @!p1 $0x1, $0x1  }
0x18: {  	s9 =	sadd.s32 s10, s29;
	s19 =	simm.s32 @p3 $0x1;
	p4 =	por @!p3 p1, p1  }
0x19: {  	s18 =	smov.u32 @p3 s3;
	[smem:$0x7FB] =	sst s19;
	s19 =	simm.s32 @!p4 $0x0  }
0x1a: {  	s10 =	sadd.s32 s10, s13;
	[smem:$0x7FA] =	sst s16;
	s19 =	simm.s32 @p4 $0x1  }
0x1b: {  	s16 =	smov.u32 s1;
	[smem:$0x7FC] =	sst s19;
	s19 =	simm.s32 @!p2 $0x0  }
0x1c: {  	s13 =	sadd.s32 $0x9E0, s11;
	s16 =	smov.u32 @p2 s18;
	s19 =	simm.s32 @p2 $0x1  }
0x1d: {  	s18 =	simm.s32 $0x768;
	[smem:$0x7FD] =	sst s19;
	s19 =	simm.s32 $0x50  }
.LBB2_1:
0x1e: {  	[tilespmem:s15], [sflag:$0x1] =	stream.linear.gather [hbm4b:s7+s4], $0x80, $0x38;
	[tilespmem:$0x96E8] =	vst v63  }
0x1f: {  	_ =	swait.ge [sflag:s17], $0x80  }
0x20: {  	[sflag:s17] =	ssyncset.done $0x0  }
0x21: {  	s21 =	simm.s32 @!p0 $0x0;
	s22 =	simm.s32 @!p0 $0x47E8;
	[sflag:s17] =	ssyncadd.s32 $0xFFFFFF80  }
0x22: {  	[tilespmem:s22], [sflag:$0x1] =	stream.linear.gather @!p0 [hbm4b:s5+s21], $0x2780, $0x38;
	[tilespmem:$0x96E8] =	vst v63  }
0x23: {  	s21 =	simm.s32 @!p0 $0x1  }
0x24: {  	_ =	swait.ge @!p0 [sflag:s21], $0x2780  }
0x25: {  	[sflag:s21] =	ssyncset.done @!p0 $0x0  }
0x26: {  	[sflag:s21] =	ssyncadd.s32 @!p0 $0xFFFFD880  }
0x27: {  	[spmem:s16] =	stream.linear.scatter @!p0 [tilespmem:s22], [sflag:$0x1], $0x2780, $0x38;
	[tilespmem:$0x96E8] =	vst v63  }
0x28: {  	_ =	swait.ge @!p0 [sflag:s21], $0x2780  }
0x29: {  	p2 =	por @!p0 $0x1, $0x1;
	s25 =	sld [smem:$0x7F9]  }
0x2a: {  	p6 =	por @!p0 $0x0, $0x0;
	[sflag:s21] =	ssyncset.done @!p0 $0x0;
	s26 =	sld [smem:$0x7FA]  }
0x2b: {  	s31 =	simm.s32 $0x768;
	s28 =	sld [smem:$0x7FB];
	[sflag:s21] =	ssyncadd.s32 @!p0 $0xFFFFD880  }
0x2c: {  	s21 =	simm.s32 $0x200;
	[bflag:$0x0] =	sbarrier.arrive $0xFFFF;
	p1 =	seq.s32 s25, $0x1  }
0x2d: {  	[tilespmem:s18], [sflag:$0x1] =	stream.linear.gather [hbm4b:s8+s4], $0x3E80, $0x38;
	[tilespmem:$0x96E8] =	vst v63  }
0x2e: {  	p4 =	seq.s32 s26, $0x1;
	p5 =	seq.s32 s28, $0x1;
	s29 =	sld [smem:$0x7FD]  }
0x2f: {  	s30 =	sld [smem:$0x7FC];
	p3 =	por @!p1 $0x1, $0x1;
	p4 =	por @!p4 $0x0, $0x0  }
0x30: {  	p1 =	por @!p1 $0x0, $0x0;
	_ =	swait.ge [sflag:s17], $0x3E80;
	p3 =	por @!p5 p4, p4  }
0x31: {  	p1 =	por @!p5 p4, p4;
	[sflag:s17] =	ssyncset.done $0x0;
	p5 =	seq.s32 s29, $0x1  }
0x32: {  	p4 =	seq.s32 s30, $0x1;
	[sflag:s17] =	ssyncadd.s32 $0xFFFFC180;
	p3 =	por @!p5 p6, p6  }
0x33: {  	p1 =	por @!p5 p2, p2;
	p4 =	por @!p5 p6, p6;
	p6 =	por $0x0, $0x0  }
0x34: {  	[spmem:s1] =	stream.indirect.scatter.add.f32 [tilespmem:s15], [sflag:$0x1], $0x1, s31, s19, $0xb8;
	[tilespmem:$0x96E8] =	vst v63  }
0x35: {  	p2 =	por $0x0, $0x0;
	p6 =	por @!p0 p3, p3;
	p3 =	por $0x0, $0x0  }
0x36: {  	p2 =	por @!p0 p1, p1;
	_ =	swait.ge [sflag:s17], $0x50;
	p3 =	por @!p0 p4, p4  }
.LBB2_2:
0x37: {  	s22 =	sshra.s32 s21, $0x2;
	[sflag:s17] =	ssyncset.done $0x0;
	p1 =	sne.s32 s21, $0xF800  }
.Ltmp0:
0x38: {  	s22 =	sadd.s32 $0x768, s22;
	[sflag:s17] =	ssyncadd.s32 $0xFFFFFFB0;
	(pc) =	sbr.rel @p1 .LBB2_2-.Ltmp0, $3  }
0x39: {  	[spmem:s1] =	stream.indirect.scatter.add.f32 [tilespmem:s15], [sflag:$0x1], $0x1, s22, s19, $0xb8;
	[tilespmem:$0x96E8] =	vst v63  }
0x3a: {  	s21 =	sadd.s32 $0x200, s21;
	_ =	sdelay $0x1  }
0x3b: {  	_ =	swait.ge [sflag:s17], $0x50  }
0x3c: {  	[sflag:s17] =	ssyncset.done $0x0  }
0x3d: {  	s21 =	simm.s32 $0x0;
	[sflag:s17] =	ssyncadd.s32 $0xFFFFFFB0  }
0x3e: {  	[tilespmem:s18], [sflag:$0x1] =	stream.linear.gather [hbm4b:s9+s21], $0x3E80, $0x38;
	[tilespmem:$0x96E8] =	vst v63  }
0x3f: {  	_ =	swait.ge [sflag:s17], $0x3E80  }
0x40: {  	[sflag:s17] =	ssyncset.done $0x0  }
0x41: {  	s31 =	simm.s32 $0x768;
	[sflag:s17] =	ssyncadd.s32 $0xFFFFC180  }
0x42: {  	[spmem:s2] =	stream.indirect.scatter.add.f32 [tilespmem:s15], [sflag:$0x1], $0x1, s31, s19, $0xb8;
	[tilespmem:$0x96E8] =	vst v63  }
0x43: {  	s21 =	simm.s32 $0x200;
	_ =	swait.ge [sflag:s17], $0x50  }
.LBB2_4:
0x44: {  	s22 =	sshra.s32 s21, $0x2;
	[sflag:s17] =	ssyncset.done $0x0;
	p1 =	sne.s32 s21, $0xF800  }
.Ltmp1:
0x45: {  	s22 =	sadd.s32 $0x768, s22;
	[sflag:s17] =	ssyncadd.s32 $0xFFFFFFB0;
	(pc) =	sbr.rel @p1 .LBB2_4-.Ltmp1, $3  }
0x46: {  	[spmem:s2] =	stream.indirect.scatter.add.f32 [tilespmem:s15], [sflag:$0x1], $0x1, s22, s19, $0xb8;
	[tilespmem:$0x96E8] =	vst v63  }
0x47: {  	s21 =	sadd.s32 $0x200, s21;
	_ =	sdelay $0x1  }
0x48: {  	_ =	swait.ge [sflag:s17], $0x50  }
0x49: {  	[sflag:s17] =	ssyncset.done $0x0  }
0x4a: {  	s21 =	simm.s32 $0x0;
	[sflag:s17] =	ssyncadd.s32 $0xFFFFFFB0  }
0x4b: {  	[tilespmem:s18], [sflag:$0x1] =	stream.linear.gather [hbm4b:s10+s21], $0x3E80, $0x38;
	[tilespmem:$0x96E8] =	vst v63  }
0x4c: {  	_ =	swait.ge [sflag:s17], $0x3E80  }
0x4d: {  	[sflag:s17] =	ssyncset.done $0x0  }
0x4e: {  	s31 =	simm.s32 $0x768;
	[sflag:s17] =	ssyncadd.s32 $0xFFFFC180  }
0x4f: {  	[spmem:s3] =	stream.indirect.scatter.add.f32 [tilespmem:s15], [sflag:$0x1], $0x1, s31, s19, $0xb8;
	[tilespmem:$0x96E8] =	vst v63  }
0x50: {  	s21 =	simm.s32 $0x200;
	_ =	swait.ge [sflag:s17], $0x50  }
.LBB2_6:
0x51: {  	s22 =	sshra.s32 s21, $0x2;
	[sflag:s17] =	ssyncset.done $0x0;
	p1 =	sne.s32 s21, $0xF800  }
.Ltmp2:
0x52: {  	s22 =	sadd.s32 $0x768, s22;
	[sflag:s17] =	ssyncadd.s32 $0xFFFFFFB0;
	(pc) =	sbr.rel @p1 .LBB2_6-.Ltmp2, $3  }
0x53: {  	[spmem:s3] =	stream.indirect.scatter.add.f32 [tilespmem:s15], [sflag:$0x1], $0x1, s22, s19, $0xb8;
	[tilespmem:$0x96E8] =	vst v63  }
0x54: {  	s21 =	sadd.s32 $0x200, s21;
	_ =	sdelay $0x1  }
0x55: {  	_ =	swait.ge [sflag:s17], $0x50  }
0x56: {  	[sflag:s17] =	ssyncset.done $0x0  }
0x57: {  	[sflag:s17] =	ssyncadd.s32 $0xFFFFFFB0  }
0x58: {  	s21 =	simm.s32 @p2 $0x6F68;
	s22 =	simm.s32 @p2 $0x1;
	[bflag:$0x0] =	sbarrier.arrive $0xFFFF  }
0x59: {  	[tilespmem:s21], [sflag:$0x1] =	stream.linear.gather @p2 [spmem:s1], $0x2780, $0x38;
	[tilespmem:$0x96E8] =	vst v63  }
0x5a: {  	_ =	swait.ge @p2 [sflag:s22], $0x2780  }
0x5b: {  	[sflag:s22] =	ssyncset.done @p2 $0x0  }
0x5c: {  	s23 =	simm.s32 @p2 $0x0;
	[sflag:s22] =	ssyncadd.s32 @p2 $0xFFFFD880  }
0x5d: {  	[hbm4b:s11+s23] =	stream.linear.scatter @p2 [tilespmem:s21], [sflag:$0x1], $0x2780, $0x38;
	[tilespmem:$0x96E8] =	vst v63  }
0x5e: {  	_ =	swait.ge @p2 [sflag:s22], $0x2780  }
0x5f: {  	[sflag:s22] =	ssyncset.done @p2 $0x0  }
0x60: {  	s21 =	simm.s32 @p3 $0x6F68;
	[sflag:s22] =	ssyncadd.s32 @p2 $0xFFFFD880;
	s22 =	simm.s32 @p3 $0x1  }
0x61: {  	[tilespmem:s21], [sflag:$0x1] =	stream.linear.gather @p3 [spmem:s2], $0x2780, $0x38;
	[tilespmem:$0x96E8] =	vst v63  }
0x62: {  	_ =	swait.ge @p3 [sflag:s22], $0x2780  }
0x63: {  	[sflag:s22] =	ssyncset.done @p3 $0x0  }
0x64: {  	s23 =	simm.s32 @p3 $0x0;
	[sflag:s22] =	ssyncadd.s32 @p3 $0xFFFFD880  }
0x65: {  	[hbm4b:s12+s23] =	stream.linear.scatter @p3 [tilespmem:s21], [sflag:$0x1], $0x2780, $0x38;
	[tilespmem:$0x96E8] =	vst v63  }
0x66: {  	_ =	swait.ge @p3 [sflag:s22], $0x2780  }
0x67: {  	[sflag:s22] =	ssyncset.done @p3 $0x0  }
0x68: {  	s21 =	simm.s32 @p6 $0x6F68;
	[sflag:s22] =	ssyncadd.s32 @p3 $0xFFFFD880;
	s22 =	simm.s32 @p6 $0x1  }
0x69: {  	[tilespmem:s21], [sflag:$0x1] =	stream.linear.gather @p6 [spmem:s3], $0x2780, $0x38;
	[tilespmem:$0x96E8] =	vst v63  }
0x6a: {  	s20 =	sadd.s32 $0x1, s20;
	_ =	swait.ge @p6 [sflag:s22], $0x2780  }
0x6b: {  	p1 =	sne.s32 s20, s14;
	[sflag:s22] =	ssyncset.done @p6 $0x0  }
.Ltmp3:
0x6c: {  	s23 =	simm.s32 @p6 $0x0;
	[sflag:s22] =	ssyncadd.s32 @p6 $0xFFFFD880;
	(pc) =	sbr.rel @p1 .LBB2_1-.Ltmp3, $4  }
0x6d: {  	[hbm4b:s13+s23] =	stream.linear.scatter @p6 [tilespmem:s21], [sflag:$0x1], $0x2780, $0x38;
	[tilespmem:$0x96E8] =	vst v63  }
0x6e: {  	_ =	swait.ge @p6 [sflag:s22], $0x2780  }
0x6f: {  	[sflag:s22] =	ssyncset.done @p6 $0x0  }
0x70: {  	[sflag:s22] =	ssyncadd.s32 @p6 $0xFFFFD880  }
0x71: {  	_ =	sfence.sel $0x180000  }
0x72: {  	[bflag:$0x0] =	sbarrier.arrive $0xFFFF  }
0x73: {  	p0 =	sne.s32 s6, $0x0;
	_ =	strace $0x90000047  }
0x74: {  	s0 =	sadd.s32 @!p0 $0x100000, s0;
	[bflag:$0x2] =	sbarrier.arrive $0xFFFF  }
0x75: {  	[sflag:s0] =	ssyncadd.tile.s32 @!p0 $0x1;
	_ =	shalt  }
.Lfunc_end2:
_tile_overlayer_lowered:
.L_overlay_start_2:
0x76: {  	(tag) =	ssettag $0x2  }
0x77: {  	s0 =	rddreg [dreg:$0x0];
	s2 =	stileid.u32  }
0x78: {  	s1 =	rddreg [dreg:$0x1];
	p0 =	sne.s32 s2, $0x0  }
0x79: {  	s3 =	rddreg [dreg:$0x2];
	[bflag:$0x3] =	sbarrier.arrive $0xFFFF;
	s2 =	simm.s32 @!p0 $0x1C01  }
0x7a: {  	[timem:s3], [sflag:s2] =	dma.local @!p0 [hbm:s0], s1  }
0x7b: {  	s0 =	simm.s32 @!p0 $0x1  }
0x7c: {  	_ =	swait.ge @!p0 [sflag:s0], s1  }
0x7d: {  	s1 =	ssub.s32 @!p0 $0x0, s1;
	[sflag:s0] =	ssyncset.done @!p0 $0x0  }
0x7e: {  	[sflag:s0] =	ssyncadd.s32 @!p0 s1  }
0x7f: {  	[bflag:$0x3] =	sbarrier.arrive $0xFFFF  }
0x80: {  	_ =	shalt  }

</sc_bundles>
